<compile_context>
chip_gen: v7x
topology: tpu7x:2x2x1
jax: 0.10.2.dev20260603
libtpu: 0.0.44.dev20260713+nightly
codegen_flags: <defaults>
</compile_context>

<pallas_src>
import jax
import jax.numpy as jnp
import numpy as np
from jax import lax
from jax.experimental import pallas as pl
from jax.experimental.pallas import tpu as pltpu
from jax.experimental.pallas import tpu_sc as plsc

_B = 8
_N = 8192
_M = 1024
_K = 64
_RSQ = np.float32(0.2 * 0.2)

_L = 16
_U = 64
_G = 8
_BLK = _U * _L
_NBLK = _N // _BLK
_ROW = _K + _BLK
_WPB = 4
_CPW = _M // _WPB


def _sc_body(pt_hbm, cen_hbm, out_hbm, px, py, pz, cx, cy, cz, row, res):
    wid = lax.axis_index("s") * 2 + lax.axis_index("c")
    b = wid // _WPB
    q = wid % _WPB

    pltpu.sync_copy(pt_hbm.at[pl.ds((b * 3 + 0) * _N, _N)], px)
    pltpu.sync_copy(pt_hbm.at[pl.ds((b * 3 + 1) * _N, _N)], py)
    pltpu.sync_copy(pt_hbm.at[pl.ds((b * 3 + 2) * _N, _N)], pz)
    pltpu.sync_copy(cen_hbm.at[pl.ds((b * 3 + 0) * _M + q * _CPW, _CPW)], cx)
    pltpu.sync_copy(cen_hbm.at[pl.ds((b * 3 + 1) * _M + q * _CPW, _CPW)], cy)
    pltpu.sync_copy(cen_hbm.at[pl.ds((b * 3 + 2) * _M + q * _CPW, _CPW)], cz)

    iota = lax.iota(jnp.int32, _L)
    sentinel = jnp.full((_L,), _N, jnp.int32)

    def _rne_bf16(v):
        u = plsc.bitcast(v, jnp.uint32)
        lsb = (u >> 16) & jnp.uint32(1)
        r = (u + jnp.uint32(0x7FFF) + lsb) & jnp.uint32(0xFFFF0000)
        return plsc.bitcast(r, jnp.float32)

    def precomp(j, carry):
        s = pl.ds(j * _L, _L)
        vx = px[s]
        vy = py[s]
        vz = pz[s]
        vsqp = (vx * vx + vy * vy) + vz * vz
        xb = plsc.bitcast(_rne_bf16(vx) * 2.0, jnp.uint32)
        yb = plsc.bitcast(_rne_bf16(vy) * 2.0, jnp.uint32)
        px[s] = plsc.bitcast(xb | (yb >> 16), jnp.float32)
        py[s] = _rne_bf16(vz) * 2.0
        pz[s] = vsqp
        return carry

    lax.fori_loop(0, _N // _L, precomp, 0)
    ones16 = jnp.ones((_L,), jnp.int32)

    def per_centroid(c, carry):
        cidx = jnp.full((_L,), c, jnp.int32)
        vcx = plsc.load_gather(cx, [cidx])
        vcy = plsc.load_gather(cy, [cidx])
        vcz = plsc.load_gather(cz, [cidx])
        sqc = (vcx * vcx + vcy * vcy) + vcz * vcz
        vcx = _rne_bf16(vcx)
        vcy = _rne_bf16(vcy)
        vcz = _rne_bf16(vcz)

        def cond(st):
            i, _, ps = st
            return (i < _NBLK) & (ps < _K - 1)

        def _phase1(base):
            s = pl.ds(base, _L)
            w = plsc.bitcast(px[s], jnp.uint32)
            vx2 = plsc.bitcast(w & jnp.uint32(0xFFFF0000), jnp.float32)
            vy2 = plsc.bitcast(w << 16, jnp.float32)
            vz2 = py[s]
            vsqp = pz[s]
            cross2 = (vcx * vx2 + vcy * vy2) + vcz * vz2
            d2 = (sqc + vsqp) - cross2
            mask = d2 <= _RSQ
            return (base, mask, plsc.cumsum(ones16, mask=mask),
                    plsc.all_reduce_population_count(mask))

        def body(st):
            i, ptrv, _ = st
            base0 = i * _BLK
            pend = [_phase1(base0 + u * _L) for u in range(_G)]
            for g in range(1, _U // _G + 1):
                if g < _U // _G:
                    new = [_phase1(base0 + (g * _G + u) * _L)
                           for u in range(_G)]
                for base, mask, prefix, count in pend:
                    plsc.store_scatter(row, [ptrv + prefix], iota + base,
                                       mask=mask)
                    ptrv = ptrv + count
                pend = new if g < _U // _G else []
            return i + 1, ptrv, jnp.max(ptrv)

        _, ptrv, _ = lax.while_loop(
            cond, body,
            (jnp.int32(0), jnp.full((_L,), -1, jnp.int32), jnp.int32(-1)),
        )

        row0 = row[pl.ds(0, _L)]
        first_s = jnp.min(jnp.where(iota == 0, row0, jnp.int32(2 ** 30)))
        padv = jnp.where(ptrv >= 0, jnp.full((_L,), first_s, jnp.int32), sentinel)
        for qq in range(_K // _L):
            lanes = iota + qq * _L
            vals = row[pl.ds(qq * _L, _L)]
            res[pl.ds(c * _K + qq * _L, _L)] = jnp.where(lanes <= ptrv, vals, padv)
        return carry

    lax.fori_loop(0, _CPW, per_centroid, 0)

    pltpu.sync_copy(res, out_hbm.at[pl.ds((b * _M + q * _CPW) * _K, _CPW * _K)])


@jax.jit
def kernel(pt_coordinates, centroids):
    f = pl.kernel(
        _sc_body,
        out_type=jax.ShapeDtypeStruct((_B * _M * _K,), jnp.int32),
        mesh=plsc.VectorSubcoreMesh(core_axis_name="c", subcore_axis_name="s"),
        compiler_params=pltpu.CompilerParams(needs_layout_passes=False),
        scratch_types=[
            pltpu.VMEM((_N,), jnp.float32),
            pltpu.VMEM((_N,), jnp.float32),
            pltpu.VMEM((_N,), jnp.float32),
            pltpu.VMEM((_CPW,), jnp.float32),
            pltpu.VMEM((_CPW,), jnp.float32),
            pltpu.VMEM((_CPW,), jnp.float32),
            pltpu.VMEM((_ROW,), jnp.int32),
            pltpu.VMEM((_CPW * _K,), jnp.int32),
        ],
    )
    out = f(pt_coordinates.reshape(-1), centroids.reshape(-1))
    return out.reshape(_B, _M, _K)

# --- scband reference (transcript-rebuilt; emitter-appended) ---
"""Pipeline reference for scband-ball-point-query-63256278335594 (READ-ONLY COPY).

The authoritative reference and input builder live on the scoring server;
editing this copy changes nothing except your own understanding.
"""

import jax, jax.numpy as jnp
import numpy as np

RADIUS = 0.2
MAX_SAMPLES = 64


def setup_inputs(seed: int = 0) -> dict:
    key = jax.random.key(seed)
    k1, k2 = jax.random.split(key)
    pt_coordinates = jax.random.uniform(k1, (8, 3, 8192), dtype=jnp.float32)
    centroids = jax.random.uniform(k2, (8, 3, 1024), dtype=jnp.float32)
    return {"pt_coordinates": pt_coordinates, "centroids": centroids}


def reference(pt_coordinates, centroids):
    # pt_coordinates: [B, 3, N], centroids: [B, 3, M]
    B, _, N = pt_coordinates.shape
    M = centroids.shape[2]
    pts = jnp.transpose(pt_coordinates, (0, 2, 1))  # [B, N, 3]
    cen = jnp.transpose(centroids, (0, 2, 1))       # [B, M, 3]
    # squared pairwise distances via ||c||^2 + ||p||^2 - 2 c.p (matmul form)
    sq_c = jnp.sum(cen * cen, axis=-1)[:, :, None]   # [B, M, 1]
    sq_p = jnp.sum(pts * pts, axis=-1)[:, None, :]   # [B, 1, N]
    cross = jnp.einsum('bmd,bnd->bmn', cen, pts)     # [B, M, N]
    sqdist = sq_c + sq_p - 2.0 * cross               # [B, M, N]
    idx = jnp.broadcast_to(jnp.arange(N, dtype=jnp.int32), (B, M, N))
    # points outside the ball get sentinel index N
    group_idx = jnp.where(sqdist <= RADIUS * RADIUS, idx, N)
    # take the first MAX_SAMPLES in-ball point indices (CUDA kernel scans in order)
    group_idx = jnp.sort(group_idx, axis=-1)[:, :, :MAX_SAMPLES]
    # pad slots with the first valid index (PointNet++ ball-query semantics)
    first = group_idx[:, :, :1]
    group_idx = jnp.where(group_idx == N, jnp.broadcast_to(first, group_idx.shape), group_idx)
    return group_idx

if __name__ == "__main__":
    import jax
    _d = setup_inputs()
    print(jax.jit(kernel)(*tuple(_d.values())))

</pallas_src>

<mosaic_0001>
#map = affine_map<(d0, d1) -> (0)>
module attributes {stable_mosaic.version = 14 : i64} {
  func.func @_sc_body(%arg0: i32, %arg1: i32, %arg2: memref<196608xf32, #tpu.memory_space<hbm>>, %arg3: memref<24576xf32, #tpu.memory_space<hbm>>, %arg4: memref<524288xi32, #tpu.memory_space<hbm>>, %arg5: memref<8192xf32, #tpu.memory_space<vmem>>, %arg6: memref<8192xf32, #tpu.memory_space<vmem>>, %arg7: memref<8192xf32, #tpu.memory_space<vmem>>, %arg8: memref<256xf32, #tpu.memory_space<vmem>>, %arg9: memref<256xf32, #tpu.memory_space<vmem>>, %arg10: memref<256xf32, #tpu.memory_space<vmem>>, %arg11: memref<1088xi32, #tpu.memory_space<vmem>>, %arg12: memref<16384xi32, #tpu.memory_space<vmem>>) attributes {dimension_semantics = [#tpu.dimension_semantics<core_parallel>, #tpu.dimension_semantics<subcore_parallel>], iteration_bounds = array<i64: 2, 16>, scalar_prefetch = 0 : i64, scratch_operands = 8 : i64, tpu.core_type = #tpu.core_type<sc_vector_subcore>, window_params = [{transform_indices = #map}, {transform_indices = #map}, {transform_indices = #map}]} {
    %mul3A = arith.constant 2 : i32
    %mul3A_0 = arith.muli %arg1, %mul3A : i32
    %add3A = arith.addi %mul3A_0, %arg0 : i32
    %jit3A = arith.constant 4 : i32
    %div3A = arith.divsi %add3A, %jit3A : i32
    %sign3A = arith.constant 0 : i32
    %sign3A_1 = arith.cmpi sgt, %add3A, %sign3A : i32
    %sign3A_2 = arith.extui %sign3A_1 : i1 to i32
    %sign3A_3 = arith.constant 0 : i32
    %sign3A_4 = arith.cmpi slt, %add3A, %sign3A_3 : i32
    %sign3A_5 = arith.extui %sign3A_4 : i1 to i32
    %sign3A_6 = arith.subi %sign3A_2, %sign3A_5 : i32
    %sign3A_7 = arith.constant 0 : i32
    %sign3A_8 = arith.cmpi sgt, %jit3A, %sign3A_7 : i32
    %sign3A_9 = arith.extui %sign3A_8 : i1 to i32
    %sign3A_10 = arith.constant 0 : i32
    %sign3A_11 = arith.cmpi slt, %jit3A, %sign3A_10 : i32
    %sign3A_12 = arith.extui %sign3A_11 : i1 to i32
    %sign3A_13 = arith.subi %sign3A_9, %sign3A_12 : i32
    %ne3A = arith.cmpi ne, %sign3A_6, %sign3A_13 : i32
    %rem3A = arith.remsi %add3A, %jit3A : i32
    %ne3A_14 = arith.constant 0 : i32
    %ne3A_15 = arith.cmpi ne, %rem3A, %ne3A_14 : i32
    %and3A = arith.andi %ne3A, %ne3A_15 : i1
    %sub3A = arith.constant 1 : i32
    %sub3A_16 = arith.subi %div3A, %sub3A : i32
    %select_n3A = arith.select %and3A, %sub3A_16, %div3A : i32
    %jit3A_17 = arith.constant 4 : i32
    %eq3A = arith.constant 0 : i32
    %eq3A_18 = arith.cmpi eq, %jit3A_17, %eq3A : i32
    %jit3A_19 = arith.constant 1 : i32
    %select_n3A_20 = arith.select %eq3A_18, %jit3A_19, %jit3A_17 : i32
    %rem3A_21 = arith.remsi %add3A, %select_n3A_20 : i32
    %ne3A_22 = arith.constant 0 : i32
    %ne3A_23 = arith.cmpi ne, %rem3A_21, %ne3A_22 : i32
    %lt3A = arith.constant 0 : i32
    %lt3A_24 = arith.cmpi slt, %rem3A_21, %lt3A : i32
    %lt3A_25 = arith.constant 0 : i32
    %lt3A_26 = arith.cmpi slt, %select_n3A_20, %lt3A_25 : i32
    %ne3A_27 = arith.xori %lt3A_24, %lt3A_26 : i1
    %and3A_28 = arith.andi %ne3A_27, %ne3A_23 : i1
    %add3A_29 = arith.addi %rem3A_21, %select_n3A_20 : i32
    %select_n3A_30 = arith.select %and3A_28, %add3A_29, %rem3A_21 : i32
    %mul3A_31 = arith.constant 3 : i32
    %mul3A_32 = arith.muli %select_n3A, %mul3A_31 : i32
    %add3A_33 = arith.constant 0 : i32
    %add3A_34 = arith.addi %mul3A_32, %add3A_33 : i32
    %mul3A_35 = arith.constant 8192 : i32
    %mul3A_36 = arith.muli %add3A_34, %mul3A_35 : i32
    "tpu.region"() ({
      %run_scoped3A = tpu.sem_alloc : memref<!tpu.dma_semaphore, #tpu.memory_space<semaphore_mem>>
      %dma_start3A = tpu.memref_slice %arg2[%mul3A_36] : memref<196608xf32, #tpu.memory_space<hbm>> -> memref<8192xf32, #tpu.memory_space<hbm>>
      %dma_start3A_97 = tpu.memref_slice %arg2[%mul3A_36] : memref<196608xf32, #tpu.memory_space<hbm>> -> memref<8192xf32, #tpu.memory_space<hbm>>
      tpu.enqueue_dma source(%dma_start3A_97 : memref<8192xf32, #tpu.memory_space<hbm>>) target(%arg5 : memref<8192xf32, #tpu.memory_space<vmem>>) target_semaphore(%run_scoped3A : memref<!tpu.dma_semaphore, #tpu.memory_space<semaphore_mem>>)
      %dma_wait3A = tpu.memref_slice %arg2[%mul3A_36] : memref<196608xf32, #tpu.memory_space<hbm>> -> memref<8192xf32, #tpu.memory_space<hbm>>
      %dma_wait3A_98 = tpu.memref_slice %arg2[%mul3A_36] : memref<196608xf32, #tpu.memory_space<hbm>> -> memref<8192xf32, #tpu.memory_space<hbm>>
      tpu.wait_dma2 semaphore(%run_scoped3A : memref<!tpu.dma_semaphore, #tpu.memory_space<semaphore_mem>>) src(%dma_wait3A_98 : memref<8192xf32, #tpu.memory_space<hbm>>) dst(%arg5 : memref<8192xf32, #tpu.memory_space<vmem>>)
      tpu.yield
    }) : () -> ()
    %mul3A_37 = arith.constant 3 : i32
    %mul3A_38 = arith.muli %select_n3A, %mul3A_37 : i32
    %add3A_39 = arith.constant 1 : i32
    %add3A_40 = arith.addi %mul3A_38, %add3A_39 : i32
    %mul3A_41 = arith.constant 8192 : i32
    %mul3A_42 = arith.muli %add3A_40, %mul3A_41 : i32
    "tpu.region"() ({
      %run_scoped3A = tpu.sem_alloc : memref<!tpu.dma_semaphore, #tpu.memory_space<semaphore_mem>>
      %dma_start3A = tpu.memref_slice %arg2[%mul3A_42] : memref<196608xf32, #tpu.memory_space<hbm>> -> memref<8192xf32, #tpu.memory_space<hbm>>
      %dma_start3A_97 = tpu.memref_slice %arg2[%mul3A_42] : memref<196608xf32, #tpu.memory_space<hbm>> -> memref<8192xf32, #tpu.memory_space<hbm>>
      tpu.enqueue_dma source(%dma_start3A_97 : memref<8192xf32, #tpu.memory_space<hbm>>) target(%arg6 : memref<8192xf32, #tpu.memory_space<vmem>>) target_semaphore(%run_scoped3A : memref<!tpu.dma_semaphore, #tpu.memory_space<semaphore_mem>>)
      %dma_wait3A = tpu.memref_slice %arg2[%mul3A_42] : memref<196608xf32, #tpu.memory_space<hbm>> -> memref<8192xf32, #tpu.memory_space<hbm>>
      %dma_wait3A_98 = tpu.memref_slice %arg2[%mul3A_42] : memref<196608xf32, #tpu.memory_space<hbm>> -> memref<8192xf32, #tpu.memory_space<hbm>>
      tpu.wait_dma2 semaphore(%run_scoped3A : memref<!tpu.dma_semaphore, #tpu.memory_space<semaphore_mem>>) src(%dma_wait3A_98 : memref<8192xf32, #tpu.memory_space<hbm>>) dst(%arg6 : memref<8192xf32, #tpu.memory_space<vmem>>)
      tpu.yield
    }) : () -> ()
    %mul3A_43 = arith.constant 3 : i32
    %mul3A_44 = arith.muli %select_n3A, %mul3A_43 : i32
    %add3A_45 = arith.constant 2 : i32
    %add3A_46 = arith.addi %mul3A_44, %add3A_45 : i32
    %mul3A_47 = arith.constant 8192 : i32
    %mul3A_48 = arith.muli %add3A_46, %mul3A_47 : i32
    "tpu.region"() ({
      %run_scoped3A = tpu.sem_alloc : memref<!tpu.dma_semaphore, #tpu.memory_space<semaphore_mem>>
      %dma_start3A = tpu.memref_slice %arg2[%mul3A_48] : memref<196608xf32, #tpu.memory_space<hbm>> -> memref<8192xf32, #tpu.memory_space<hbm>>
      %dma_start3A_97 = tpu.memref_slice %arg2[%mul3A_48] : memref<196608xf32, #tpu.memory_space<hbm>> -> memref<8192xf32, #tpu.memory_space<hbm>>
      tpu.enqueue_dma source(%dma_start3A_97 : memref<8192xf32, #tpu.memory_space<hbm>>) target(%arg7 : memref<8192xf32, #tpu.memory_space<vmem>>) target_semaphore(%run_scoped3A : memref<!tpu.dma_semaphore, #tpu.memory_space<semaphore_mem>>)
      %dma_wait3A = tpu.memref_slice %arg2[%mul3A_48] : memref<196608xf32, #tpu.memory_space<hbm>> -> memref<8192xf32, #tpu.memory_space<hbm>>
      %dma_wait3A_98 = tpu.memref_slice %arg2[%mul3A_48] : memref<196608xf32, #tpu.memory_space<hbm>> -> memref<8192xf32, #tpu.memory_space<hbm>>
      tpu.wait_dma2 semaphore(%run_scoped3A : memref<!tpu.dma_semaphore, #tpu.memory_space<semaphore_mem>>) src(%dma_wait3A_98 : memref<8192xf32, #tpu.memory_space<hbm>>) dst(%arg7 : memref<8192xf32, #tpu.memory_space<vmem>>)
      tpu.yield
    }) : () -> ()
    %mul3A_49 = arith.constant 3 : i32
    %mul3A_50 = arith.muli %select_n3A, %mul3A_49 : i32
    %add3A_51 = arith.constant 0 : i32
    %add3A_52 = arith.addi %mul3A_50, %add3A_51 : i32
    %mul3A_53 = arith.constant 1024 : i32
    %mul3A_54 = arith.muli %add3A_52, %mul3A_53 : i32
    %mul3A_55 = arith.constant 256 : i32
    %mul3A_56 = arith.muli %select_n3A_30, %mul3A_55 : i32
    %add3A_57 = arith.addi %mul3A_54, %mul3A_56 : i32
    "tpu.region"() ({
      %run_scoped3A = tpu.sem_alloc : memref<!tpu.dma_semaphore, #tpu.memory_space<semaphore_mem>>
      %dma_start3A = tpu.memref_slice %arg3[%add3A_57] : memref<24576xf32, #tpu.memory_space<hbm>> -> memref<256xf32, #tpu.memory_space<hbm>>
      %dma_start3A_97 = tpu.memref_slice %arg3[%add3A_57] : memref<24576xf32, #tpu.memory_space<hbm>> -> memref<256xf32, #tpu.memory_space<hbm>>
      tpu.enqueue_dma source(%dma_start3A_97 : memref<256xf32, #tpu.memory_space<hbm>>) target(%arg8 : memref<256xf32, #tpu.memory_space<vmem>>) target_semaphore(%run_scoped3A : memref<!tpu.dma_semaphore, #tpu.memory_space<semaphore_mem>>)
      %dma_wait3A = tpu.memref_slice %arg3[%add3A_57] : memref<24576xf32, #tpu.memory_space<hbm>> -> memref<256xf32, #tpu.memory_space<hbm>>
      %dma_wait3A_98 = tpu.memref_slice %arg3[%add3A_57] : memref<24576xf32, #tpu.memory_space<hbm>> -> memref<256xf32, #tpu.memory_space<hbm>>
      tpu.wait_dma2 semaphore(%run_scoped3A : memref<!tpu.dma_semaphore, #tpu.memory_space<semaphore_mem>>) src(%dma_wait3A_98 : memref<256xf32, #tpu.memory_space<hbm>>) dst(%arg8 : memref<256xf32, #tpu.memory_space<vmem>>)
      tpu.yield
    }) : () -> ()
    %mul3A_58 = arith.constant 3 : i32
    %mul3A_59 = arith.muli %select_n3A, %mul3A_58 : i32
    %add3A_60 = arith.constant 1 : i32
    %add3A_61 = arith.addi %mul3A_59, %add3A_60 : i32
    %mul3A_62 = arith.constant 1024 : i32
    %mul3A_63 = arith.muli %add3A_61, %mul3A_62 : i32
    %mul3A_64 = arith.constant 256 : i32
    %mul3A_65 = arith.muli %select_n3A_30, %mul3A_64 : i32
    %add3A_66 = arith.addi %mul3A_63, %mul3A_65 : i32
    "tpu.region"() ({
      %run_scoped3A = tpu.sem_alloc : memref<!tpu.dma_semaphore, #tpu.memory_space<semaphore_mem>>
      %dma_start3A = tpu.memref_slice %arg3[%add3A_66] : memref<24576xf32, #tpu.memory_space<hbm>> -> memref<256xf32, #tpu.memory_space<hbm>>
      %dma_start3A_97 = tpu.memref_slice %arg3[%add3A_66] : memref<24576xf32, #tpu.memory_space<hbm>> -> memref<256xf32, #tpu.memory_space<hbm>>
      tpu.enqueue_dma source(%dma_start3A_97 : memref<256xf32, #tpu.memory_space<hbm>>) target(%arg9 : memref<256xf32, #tpu.memory_space<vmem>>) target_semaphore(%run_scoped3A : memref<!tpu.dma_semaphore, #tpu.memory_space<semaphore_mem>>)
      %dma_wait3A = tpu.memref_slice %arg3[%add3A_66] : memref<24576xf32, #tpu.memory_space<hbm>> -> memref<256xf32, #tpu.memory_space<hbm>>
      %dma_wait3A_98 = tpu.memref_slice %arg3[%add3A_66] : memref<24576xf32, #tpu.memory_space<hbm>> -> memref<256xf32, #tpu.memory_space<hbm>>
      tpu.wait_dma2 semaphore(%run_scoped3A : memref<!tpu.dma_semaphore, #tpu.memory_space<semaphore_mem>>) src(%dma_wait3A_98 : memref<256xf32, #tpu.memory_space<hbm>>) dst(%arg9 : memref<256xf32, #tpu.memory_space<vmem>>)
      tpu.yield
    }) : () -> ()
    %mul3A_67 = arith.constant 3 : i32
    %mul3A_68 = arith.muli %select_n3A, %mul3A_67 : i32
    %add3A_69 = arith.constant 2 : i32
    %add3A_70 = arith.addi %mul3A_68, %add3A_69 : i32
    %mul3A_71 = arith.constant 1024 : i32
    %mul3A_72 = arith.muli %add3A_70, %mul3A_71 : i32
    %mul3A_73 = arith.constant 256 : i32
    %mul3A_74 = arith.muli %select_n3A_30, %mul3A_73 : i32
    %add3A_75 = arith.addi %mul3A_72, %mul3A_74 : i32
    "tpu.region"() ({
      %run_scoped3A = tpu.sem_alloc : memref<!tpu.dma_semaphore, #tpu.memory_space<semaphore_mem>>
      %dma_start3A = tpu.memref_slice %arg3[%add3A_75] : memref<24576xf32, #tpu.memory_space<hbm>> -> memref<256xf32, #tpu.memory_space<hbm>>
      %dma_start3A_97 = tpu.memref_slice %arg3[%add3A_75] : memref<24576xf32, #tpu.memory_space<hbm>> -> memref<256xf32, #tpu.memory_space<hbm>>
      tpu.enqueue_dma source(%dma_start3A_97 : memref<256xf32, #tpu.memory_space<hbm>>) target(%arg10 : memref<256xf32, #tpu.memory_space<vmem>>) target_semaphore(%run_scoped3A : memref<!tpu.dma_semaphore, #tpu.memory_space<semaphore_mem>>)
      %dma_wait3A = tpu.memref_slice %arg3[%add3A_75] : memref<24576xf32, #tpu.memory_space<hbm>> -> memref<256xf32, #tpu.memory_space<hbm>>
      %dma_wait3A_98 = tpu.memref_slice %arg3[%add3A_75] : memref<24576xf32, #tpu.memory_space<hbm>> -> memref<256xf32, #tpu.memory_space<hbm>>
      tpu.wait_dma2 semaphore(%run_scoped3A : memref<!tpu.dma_semaphore, #tpu.memory_space<semaphore_mem>>) src(%dma_wait3A_98 : memref<256xf32, #tpu.memory_space<hbm>>) dst(%arg10 : memref<256xf32, #tpu.memory_space<vmem>>)
      tpu.yield
    }) : () -> ()
    %iota3A = tpu.iota {dimensions = array<i32: 0>} : vector<16xi32>
    %broadcast_in_dim3A = arith.constant 8192 : i32
    %broadcast_in_dim3A_76 = vector.broadcast %broadcast_in_dim3A : i32 to vector<16xi32>
    %scan3A = arith.constant 0 : i32
    %scan3A_77 = arith.constant 0 : i32
    %scan3A_78 = arith.constant 512 : i32
    %scan3A_79 = arith.addi %scan3A_77, %scan3A_78 : i32
    %scan3A_80 = arith.constant 1 : i32
    scf.for %scan3A_97 = %scan3A_77 to %scan3A_79 step %scan3A_80  : i32 {
      %mul3A_98 = arith.constant 16 : i32
      %mul3A_99 = arith.muli %scan3A_97, %mul3A_98 : i32
      %get3A = arith.index_cast %mul3A_99 : i32 to index
      %get3A_100 = tpu.vector_load %arg5[%get3A] {strides = array<i32>} : memref<8192xf32, #tpu.memory_space<vmem>>, vector<16xf32>,
      %get3A_101 = arith.index_cast %mul3A_99 : i32 to index
      %get3A_102 = tpu.vector_load %arg6[%get3A_101] {strides = array<i32>} : memref<8192xf32, #tpu.memory_space<vmem>>, vector<16xf32>,
      %get3A_103 = arith.index_cast %mul3A_99 : i32 to index
      %get3A_104 = tpu.vector_load %arg7[%get3A_103] {strides = array<i32>} : memref<8192xf32, #tpu.memory_space<vmem>>, vector<16xf32>,
      %mul3A_105 = arith.mulf %get3A_100, %get3A_100 : vector<16xf32>
      %mul3A_106 = arith.mulf %get3A_102, %get3A_102 : vector<16xf32>
      %add3A_107 = arith.addf %mul3A_105, %mul3A_106 : vector<16xf32>
      %mul3A_108 = arith.mulf %get3A_104, %get3A_104 : vector<16xf32>
      %add3A_109 = arith.addf %add3A_107, %mul3A_108 : vector<16xf32>
      %bitcast3A = vector.bitcast %get3A_100 : vector<16xf32> to vector<16xi32>
      %shift_right_logical3A = arith.constant 16 : i32
      %shift_right_logical3A_110 = vector.broadcast %shift_right_logical3A : i32 to vector<16xi32>
      %shift_right_logical3A_111 = arith.shrui %bitcast3A, %shift_right_logical3A_110 : vector<16xi32>
      %and3A_112 = arith.constant 1 : i32
      %and3A_113 = vector.broadcast %and3A_112 : i32 to vector<16xi32>
      %and3A_114 = arith.andi %shift_right_logical3A_111, %and3A_113 : vector<16xi32>
      %add3A_115 = arith.constant 32767 : i32
      %add3A_116 = vector.broadcast %add3A_115 : i32 to vector<16xi32>
      %add3A_117 = arith.addi %bitcast3A, %add3A_116 : vector<16xi32>
      %add3A_118 = arith.addi %add3A_117, %and3A_114 : vector<16xi32>
      %and3A_119 = arith.constant -65536 : i32
      %and3A_120 = vector.broadcast %and3A_119 : i32 to vector<16xi32>
      %and3A_121 = arith.andi %add3A_118, %and3A_120 : vector<16xi32>
      %bitcast3A_122 = vector.bitcast %and3A_121 : vector<16xi32> to vector<16xf32>
      %mul3A_123 = arith.constant 2.000000e+00 : f32
      %mul3A_124 = vector.broadcast %mul3A_123 : f32 to vector<16xf32>
      %mul3A_125 = arith.mulf %bitcast3A_122, %mul3A_124 : vector<16xf32>
      %bitcast3A_126 = vector.bitcast %mul3A_125 : vector<16xf32> to vector<16xi32>
      %bitcast3A_127 = vector.bitcast %get3A_102 : vector<16xf32> to vector<16xi32>
      %shift_right_logical3A_128 = arith.constant 16 : i32
      %shift_right_logical3A_129 = vector.broadcast %shift_right_logical3A_128 : i32 to vector<16xi32>
      %shift_right_logical3A_130 = arith.shrui %bitcast3A_127, %shift_right_logical3A_129 : vector<16xi32>
      %and3A_131 = arith.constant 1 : i32
      %and3A_132 = vector.broadcast %and3A_131 : i32 to vector<16xi32>
      %and3A_133 = arith.andi %shift_right_logical3A_130, %and3A_132 : vector<16xi32>
      %add3A_134 = arith.constant 32767 : i32
      %add3A_135 = vector.broadcast %add3A_134 : i32 to vector<16xi32>
      %add3A_136 = arith.addi %bitcast3A_127, %add3A_135 : vector<16xi32>
      %add3A_137 = arith.addi %add3A_136, %and3A_133 : vector<16xi32>
      %and3A_138 = arith.constant -65536 : i32
      %and3A_139 = vector.broadcast %and3A_138 : i32 to vector<16xi32>
      %and3A_140 = arith.andi %add3A_137, %and3A_139 : vector<16xi32>
      %bitcast3A_141 = vector.bitcast %and3A_140 : vector<16xi32> to vector<16xf32>
      %mul3A_142 = arith.constant 2.000000e+00 : f32
      %mul3A_143 = vector.broadcast %mul3A_142 : f32 to vector<16xf32>
      %mul3A_144 = arith.mulf %bitcast3A_141, %mul3A_143 : vector<16xf32>
      %bitcast3A_145 = vector.bitcast %mul3A_144 : vector<16xf32> to vector<16xi32>
      %shift_right_logical3A_146 = arith.constant 16 : i32
      %shift_right_logical3A_147 = vector.broadcast %shift_right_logical3A_146 : i32 to vector<16xi32>
      %shift_right_logical3A_148 = arith.shrui %bitcast3A_145, %shift_right_logical3A_147 : vector<16xi32>
      %or3A = arith.ori %bitcast3A_126, %shift_right_logical3A_148 : vector<16xi32>
      %bitcast3A_149 = vector.bitcast %or3A : vector<16xi32> to vector<16xf32>
      %swap3A = arith.index_cast %mul3A_99 : i32 to index
      %swap3A_150 = tpu.vector_load %arg5[%swap3A] {strides = array<i32>} : memref<8192xf32, #tpu.memory_space<vmem>>, vector<16xf32>,
      tpu.vector_store %arg5[%swap3A], %bitcast3A_149 {strides = array<i32>} : memref<8192xf32, #tpu.memory_space<vmem>>, vector<16xf32>,
      %bitcast3A_151 = vector.bitcast %get3A_104 : vector<16xf32> to vector<16xi32>
      %shift_right_logical3A_152 = arith.constant 16 : i32
      %shift_right_logical3A_153 = vector.broadcast %shift_right_logical3A_152 : i32 to vector<16xi32>
      %shift_right_logical3A_154 = arith.shrui %bitcast3A_151, %shift_right_logical3A_153 : vector<16xi32>
      %and3A_155 = arith.constant 1 : i32
      %and3A_156 = vector.broadcast %and3A_155 : i32 to vector<16xi32>
      %and3A_157 = arith.andi %shift_right_logical3A_154, %and3A_156 : vector<16xi32>
      %add3A_158 = arith.constant 32767 : i32
      %add3A_159 = vector.broadcast %add3A_158 : i32 to vector<16xi32>
      %add3A_160 = arith.addi %bitcast3A_151, %add3A_159 : vector<16xi32>
      %add3A_161 = arith.addi %add3A_160, %and3A_157 : vector<16xi32>
      %and3A_162 = arith.constant -65536 : i32
      %and3A_163 = vector.broadcast %and3A_162 : i32 to vector<16xi32>
      %and3A_164 = arith.andi %add3A_161, %and3A_163 : vector<16xi32>
      %bitcast3A_165 = vector.bitcast %and3A_164 : vector<16xi32> to vector<16xf32>
      %mul3A_166 = arith.constant 2.000000e+00 : f32
      %mul3A_167 = vector.broadcast %mul3A_166 : f32 to vector<16xf32>
      %mul3A_168 = arith.mulf %bitcast3A_165, %mul3A_167 : vector<16xf32>
      %swap3A_169 = arith.index_cast %mul3A_99 : i32 to index
      %swap3A_170 = tpu.vector_load %arg6[%swap3A_169] {strides = array<i32>} : memref<8192xf32, #tpu.memory_space<vmem>>, vector<16xf32>,
      tpu.vector_store %arg6[%swap3A_169], %mul3A_168 {strides = array<i32>} : memref<8192xf32, #tpu.memory_space<vmem>>, vector<16xf32>,
      %swap3A_171 = arith.index_cast %mul3A_99 : i32 to index
      %swap3A_172 = tpu.vector_load %arg7[%swap3A_171] {strides = array<i32>} : memref<8192xf32, #tpu.memory_space<vmem>>, vector<16xf32>,
      tpu.vector_store %arg7[%swap3A_171], %add3A_109 {strides = array<i32>} : memref<8192xf32, #tpu.memory_space<vmem>>, vector<16xf32>,
    }
    %scan3A_81 = arith.constant 512 : i32
    %broadcast_in_dim3A_82 = arith.constant 1 : i32
    %broadcast_in_dim3A_83 = vector.broadcast %broadcast_in_dim3A_82 : i32 to vector<16xi32>
    %scan3A_84 = arith.constant 0 : i32
    %scan3A_85 = arith.constant 0 : i32
    %scan3A_86 = arith.constant 256 : i32
    %scan3A_87 = arith.addi %scan3A_85, %scan3A_86 : i32
    %scan3A_88 = arith.constant 1 : i32
    scf.for %scan3A_97 = %scan3A_85 to %scan3A_87 step %scan3A_88  : i32 {
      %broadcast_in_dim3A_98 = vector.broadcast %scan3A_97 : i32 to vector<16xi32>
      %gather3A = tpu.vector_load_idx %arg8[%broadcast_in_dim3A_98] : memref<256xf32, #tpu.memory_space<vmem>>[vector<16xi32>], vector<16xf32>,
      %gather3A_99 = tpu.vector_load_idx %arg9[%broadcast_in_dim3A_98] : memref<256xf32, #tpu.memory_space<vmem>>[vector<16xi32>], vector<16xf32>,
      %gather3A_100 = tpu.vector_load_idx %arg10[%broadcast_in_dim3A_98] : memref<256xf32, #tpu.memory_space<vmem>>[vector<16xi32>], vector<16xf32>,
      %mul3A_101 = arith.mulf %gather3A, %gather3A : vector<16xf32>
      %mul3A_102 = arith.mulf %gather3A_99, %gather3A_99 : vector<16xf32>
      %add3A_103 = arith.addf %mul3A_101, %mul3A_102 : vector<16xf32>
      %mul3A_104 = arith.mulf %gather3A_100, %gather3A_100 : vector<16xf32>
      %add3A_105 = arith.addf %add3A_103, %mul3A_104 : vector<16xf32>
      %bitcast3A = vector.bitcast %gather3A : vector<16xf32> to vector<16xi32>
      %shift_right_logical3A = arith.constant 16 : i32
      %shift_right_logical3A_106 = vector.broadcast %shift_right_logical3A : i32 to vector<16xi32>
      %shift_right_logical3A_107 = arith.shrui %bitcast3A, %shift_right_logical3A_106 : vector<16xi32>
      %and3A_108 = arith.constant 1 : i32
      %and3A_109 = vector.broadcast %and3A_108 : i32 to vector<16xi32>
      %and3A_110 = arith.andi %shift_right_logical3A_107, %and3A_109 : vector<16xi32>
      %add3A_111 = arith.constant 32767 : i32
      %add3A_112 = vector.broadcast %add3A_111 : i32 to vector<16xi32>
      %add3A_113 = arith.addi %bitcast3A, %add3A_112 : vector<16xi32>
      %add3A_114 = arith.addi %add3A_113, %and3A_110 : vector<16xi32>
      %and3A_115 = arith.constant -65536 : i32
      %and3A_116 = vector.broadcast %and3A_115 : i32 to vector<16xi32>
      %and3A_117 = arith.andi %add3A_114, %and3A_116 : vector<16xi32>
      %bitcast3A_118 = vector.bitcast %and3A_117 : vector<16xi32> to vector<16xf32>
      %bitcast3A_119 = vector.bitcast %gather3A_99 : vector<16xf32> to vector<16xi32>
      %shift_right_logical3A_120 = arith.constant 16 : i32
      %shift_right_logical3A_121 = vector.broadcast %shift_right_logical3A_120 : i32 to vector<16xi32>
      %shift_right_logical3A_122 = arith.shrui %bitcast3A_119, %shift_right_logical3A_121 : vector<16xi32>
      %and3A_123 = arith.constant 1 : i32
      %and3A_124 = vector.broadcast %and3A_123 : i32 to vector<16xi32>
      %and3A_125 = arith.andi %shift_right_logical3A_122, %and3A_124 : vector<16xi32>
      %add3A_126 = arith.constant 32767 : i32
      %add3A_127 = vector.broadcast %add3A_126 : i32 to vector<16xi32>
      %add3A_128 = arith.addi %bitcast3A_119, %add3A_127 : vector<16xi32>
      %add3A_129 = arith.addi %add3A_128, %and3A_125 : vector<16xi32>
      %and3A_130 = arith.constant -65536 : i32
      %and3A_131 = vector.broadcast %and3A_130 : i32 to vector<16xi32>
      %and3A_132 = arith.andi %add3A_129, %and3A_131 : vector<16xi32>
      %bitcast3A_133 = vector.bitcast %and3A_132 : vector<16xi32> to vector<16xf32>
      %bitcast3A_134 = vector.bitcast %gather3A_100 : vector<16xf32> to vector<16xi32>
      %shift_right_logical3A_135 = arith.constant 16 : i32
      %shift_right_logical3A_136 = vector.broadcast %shift_right_logical3A_135 : i32 to vector<16xi32>
      %shift_right_logical3A_137 = arith.shrui %bitcast3A_134, %shift_right_logical3A_136 : vector<16xi32>
      %and3A_138 = arith.constant 1 : i32
      %and3A_139 = vector.broadcast %and3A_138 : i32 to vector<16xi32>
      %and3A_140 = arith.andi %shift_right_logical3A_137, %and3A_139 : vector<16xi32>
      %add3A_141 = arith.constant 32767 : i32
      %add3A_142 = vector.broadcast %add3A_141 : i32 to vector<16xi32>
      %add3A_143 = arith.addi %bitcast3A_134, %add3A_142 : vector<16xi32>
      %add3A_144 = arith.addi %add3A_143, %and3A_140 : vector<16xi32>
      %and3A_145 = arith.constant -65536 : i32
      %and3A_146 = vector.broadcast %and3A_145 : i32 to vector<16xi32>
      %and3A_147 = arith.andi %add3A_144, %and3A_146 : vector<16xi32>
      %bitcast3A_148 = vector.bitcast %and3A_147 : vector<16xi32> to vector<16xf32>
      %broadcast_in_dim3A_149 = arith.constant -1 : i32
      %broadcast_in_dim3A_150 = vector.broadcast %broadcast_in_dim3A_149 : i32 to vector<16xi32>
      %while3A = arith.constant 0 : i32
      %while3A_151 = arith.constant -1 : i32
      %while3A_152:3 = scf.while (%while3A_221 = %while3A, %while3A_222 = %broadcast_in_dim3A_150, %while3A_223 = %while3A_151) : (i32, vector<16xi32>, i32) -> (i32, vector<16xi32>, i32) {
        %lt3A_224 = arith.constant 8 : i32
        %lt3A_225 = arith.cmpi slt, %while3A_221, %lt3A_224 : i32
        %lt3A_226 = arith.constant 63 : i32
        %lt3A_227 = arith.cmpi slt, %while3A_223, %lt3A_226 : i32
        %and3A_228 = arith.andi %lt3A_225, %lt3A_227 : i1
        scf.condition(%and3A_228) %while3A_221, %while3A_222, %while3A_223 : i32, vector<16xi32>, i32
      } do {
      ^bb0(%while3A_221: i32, %while3A_222: vector<16xi32>, %while3A_223: i32):
        %mul3A_224 = arith.constant 1024 : i32
        %mul3A_225 = arith.muli %while3A_221, %mul3A_224 : i32
        %add3A_226 = arith.constant 0 : i32
        %add3A_227 = arith.addi %mul3A_225, %add3A_226 : i32
        %get3A_228 = arith.index_cast %add3A_227 : i32 to index
        %get3A_229 = tpu.vector_load %arg5[%get3A_228] {strides = array<i32>} : memref<8192xf32, #tpu.memory_space<vmem>>, vector<16xf32>,
        %bitcast3A_230 = vector.bitcast %get3A_229 : vector<16xf32> to vector<16xi32>
        %and3A_231 = arith.constant -65536 : i32
        %and3A_232 = vector.broadcast %and3A_231 : i32 to vector<16xi32>
        %and3A_233 = arith.andi %bitcast3A_230, %and3A_232 : vector<16xi32>
        %bitcast3A_234 = vector.bitcast %and3A_233 : vector<16xi32> to vector<16xf32>
        %shift_left3A = arith.constant 16 : i32
        %shift_left3A_235 = vector.broadcast %shift_left3A : i32 to vector<16xi32>
        %shift_left3A_236 = arith.shli %bitcast3A_230, %shift_left3A_235 : vector<16xi32>
        %bitcast3A_237 = vector.bitcast %shift_left3A_236 : vector<16xi32> to vector<16xf32>
        %get3A_238 = arith.index_cast %add3A_227 : i32 to index
        %get3A_239 = tpu.vector_load %arg6[%get3A_238] {strides = array<i32>} : memref<8192xf32, #tpu.memory_space<vmem>>, vector<16xf32>,
        %get3A_240 = arith.index_cast %add3A_227 : i32 to index
        %get3A_241 = tpu.vector_load %arg7[%get3A_240] {strides = array<i32>} : memref<8192xf32, #tpu.memory_space<vmem>>, vector<16xf32>,
        %mul3A_242 = arith.mulf %bitcast3A_118, %bitcast3A_234 : vector<16xf32>
        %mul3A_243 = arith.mulf %bitcast3A_133, %bitcast3A_237 : vector<16xf32>
        %add3A_244 = arith.addf %mul3A_242, %mul3A_243 : vector<16xf32>
        %mul3A_245 = arith.mulf %bitcast3A_148, %get3A_239 : vector<16xf32>
        %add3A_246 = arith.addf %add3A_244, %mul3A_245 : vector<16xf32>
        %add3A_247 = arith.addf %add3A_105, %get3A_241 : vector<16xf32>
        %sub3A_248 = arith.subf %add3A_247, %add3A_246 : vector<16xf32>
        %le3A_249 = arith.constant 4.000000e-02 : f32
        %le3A_250 = vector.broadcast %le3A_249 : f32 to vector<16xf32>
        %le3A_251 = arith.cmpf ole, %sub3A_248, %le3A_250 : vector<16xf32>
        %masked_cumsum3A = tpu.scan <sum>, %broadcast_in_dim3A_83 masked %le3A_251 : vector<16xi32>, vector<16xi1> -> vector<16xi32>
        %all_reduce_population_count3A = tpu.all_reduce %le3A_251 {dim = 0 : i64, kind = #tpu.reduction_kind<sum>} : vector<16xi1> -> vector<16xi32>
        %add3A_252 = arith.constant 16 : i32
        %add3A_253 = arith.addi %mul3A_225, %add3A_252 : i32
        %get3A_254 = arith.index_cast %add3A_253 : i32 to index
        %get3A_255 = tpu.vector_load %arg5[%get3A_254] {strides = array<i32>} : memref<8192xf32, #tpu.memory_space<vmem>>, vector<16xf32>,
        %bitcast3A_256 = vector.bitcast %get3A_255 : vector<16xf32> to vector<16xi32>
        %and3A_257 = arith.constant -65536 : i32
        %and3A_258 = vector.broadcast %and3A_257 : i32 to vector<16xi32>
        %and3A_259 = arith.andi %bitcast3A_256, %and3A_258 : vector<16xi32>
        %bitcast3A_260 = vector.bitcast %and3A_259 : vector<16xi32> to vector<16xf32>
        %shift_left3A_261 = arith.constant 16 : i32
        %shift_left3A_262 = vector.broadcast %shift_left3A_261 : i32 to vector<16xi32>
        %shift_left3A_263 = arith.shli %bitcast3A_256, %shift_left3A_262 : vector<16xi32>
        %bitcast3A_264 = vector.bitcast %shift_left3A_263 : vector<16xi32> to vector<16xf32>
        %get3A_265 = arith.index_cast %add3A_253 : i32 to index
        %get3A_266 = tpu.vector_load %arg6[%get3A_265] {strides = array<i32>} : memref<8192xf32, #tpu.memory_space<vmem>>, vector<16xf32>,
        %get3A_267 = arith.index_cast %add3A_253 : i32 to index
        %get3A_268 = tpu.vector_load %arg7[%get3A_267] {strides = array<i32>} : memref<8192xf32, #tpu.memory_space<vmem>>, vector<16xf32>,
        %mul3A_269 = arith.mulf %bitcast3A_118, %bitcast3A_260 : vector<16xf32>
        %mul3A_270 = arith.mulf %bitcast3A_133, %bitcast3A_264 : vector<16xf32>
        %add3A_271 = arith.addf %mul3A_269, %mul3A_270 : vector<16xf32>
        %mul3A_272 = arith.mulf %bitcast3A_148, %get3A_266 : vector<16xf32>
        %add3A_273 = arith.addf %add3A_271, %mul3A_272 : vector<16xf32>
        %add3A_274 = arith.addf %add3A_105, %get3A_268 : vector<16xf32>
        %sub3A_275 = arith.subf %add3A_274, %add3A_273 : vector<16xf32>
        %le3A_276 = arith.constant 4.000000e-02 : f32
        %le3A_277 = vector.broadcast %le3A_276 : f32 to vector<16xf32>
        %le3A_278 = arith.cmpf ole, %sub3A_275, %le3A_277 : vector<16xf32>
        %masked_cumsum3A_279 = tpu.scan <sum>, %broadcast_in_dim3A_83 masked %le3A_278 : vector<16xi32>, vector<16xi1> -> vector<16xi32>
        %all_reduce_population_count3A_280 = tpu.all_reduce %le3A_278 {dim = 0 : i64, kind = #tpu.reduction_kind<sum>} : vector<16xi1> -> vector<16xi32>
        %add3A_281 = arith.constant 32 : i32
        %add3A_282 = arith.addi %mul3A_225, %add3A_281 : i32
        %get3A_283 = arith.index_cast %add3A_282 : i32 to index
        %get3A_284 = tpu.vector_load %arg5[%get3A_283] {strides = array<i32>} : memref<8192xf32, #tpu.memory_space<vmem>>, vector<16xf32>,
        %bitcast3A_285 = vector.bitcast %get3A_284 : vector<16xf32> to vector<16xi32>
        %and3A_286 = arith.constant -65536 : i32
        %and3A_287 = vector.broadcast %and3A_286 : i32 to vector<16xi32>
        %and3A_288 = arith.andi %bitcast3A_285, %and3A_287 : vector<16xi32>
        %bitcast3A_289 = vector.bitcast %and3A_288 : vector<16xi32> to vector<16xf32>
        %shift_left3A_290 = arith.constant 16 : i32
        %shift_left3A_291 = vector.broadcast %shift_left3A_290 : i32 to vector<16xi32>
        %shift_left3A_292 = arith.shli %bitcast3A_285, %shift_left3A_291 : vector<16xi32>
        %bitcast3A_293 = vector.bitcast %shift_left3A_292 : vector<16xi32> to vector<16xf32>
        %get3A_294 = arith.index_cast %add3A_282 : i32 to index
        %get3A_295 = tpu.vector_load %arg6[%get3A_294] {strides = array<i32>} : memref<8192xf32, #tpu.memory_space<vmem>>, vector<16xf32>,
        %get3A_296 = arith.index_cast %add3A_282 : i32 to index
        %get3A_297 = tpu.vector_load %arg7[%get3A_296] {strides = array<i32>} : memref<8192xf32, #tpu.memory_space<vmem>>, vector<16xf32>,
        %mul3A_298 = arith.mulf %bitcast3A_118, %bitcast3A_289 : vector<16xf32>
        %mul3A_299 = arith.mulf %bitcast3A_133, %bitcast3A_293 : vector<16xf32>
        %add3A_300 = arith.addf %mul3A_298, %mul3A_299 : vector<16xf32>
        %mul3A_301 = arith.mulf %bitcast3A_148, %get3A_295 : vector<16xf32>
        %add3A_302 = arith.addf %add3A_300, %mul3A_301 : vector<16xf32>
        %add3A_303 = arith.addf %add3A_105, %get3A_297 : vector<16xf32>
        %sub3A_304 = arith.subf %add3A_303, %add3A_302 : vector<16xf32>
        %le3A_305 = arith.constant 4.000000e-02 : f32
        %le3A_306 = vector.broadcast %le3A_305 : f32 to vector<16xf32>
        %le3A_307 = arith.cmpf ole, %sub3A_304, %le3A_306 : vector<16xf32>
        %masked_cumsum3A_308 = tpu.scan <sum>, %broadcast_in_dim3A_83 masked %le3A_307 : vector<16xi32>, vector<16xi1> -> vector<16xi32>
        %all_reduce_population_count3A_309 = tpu.all_reduce %le3A_307 {dim = 0 : i64, kind = #tpu.reduction_kind<sum>} : vector<16xi1> -> vector<16xi32>
        %add3A_310 = arith.constant 48 : i32
        %add3A_311 = arith.addi %mul3A_225, %add3A_310 : i32
        %get3A_312 = arith.index_cast %add3A_311 : i32 to index
        %get3A_313 = tpu.vector_load %arg5[%get3A_312] {strides = array<i32>} : memref<8192xf32, #tpu.memory_space<vmem>>, vector<16xf32>,
        %bitcast3A_314 = vector.bitcast %get3A_313 : vector<16xf32> to vector<16xi32>
        %and3A_315 = arith.constant -65536 : i32
        %and3A_316 = vector.broadcast %and3A_315 : i32 to vector<16xi32>
        %and3A_317 = arith.andi %bitcast3A_314, %and3A_316 : vector<16xi32>
        %bitcast3A_318 = vector.bitcast %and3A_317 : vector<16xi32> to vector<16xf32>
        %shift_left3A_319 = arith.constant 16 : i32
        %shift_left3A_320 = vector.broadcast %shift_left3A_319 : i32 to vector<16xi32>
        %shift_left3A_321 = arith.shli %bitcast3A_314, %shift_left3A_320 : vector<16xi32>
        %bitcast3A_322 = vector.bitcast %shift_left3A_321 : vector<16xi32> to vector<16xf32>
        %get3A_323 = arith.index_cast %add3A_311 : i32 to index
        %get3A_324 = tpu.vector_load %arg6[%get3A_323] {strides = array<i32>} : memref<8192xf32, #tpu.memory_space<vmem>>, vector<16xf32>,
        %get3A_325 = arith.index_cast %add3A_311 : i32 to index
        %get3A_326 = tpu.vector_load %arg7[%get3A_325] {strides = array<i32>} : memref<8192xf32, #tpu.memory_space<vmem>>, vector<16xf32>,
        %mul3A_327 = arith.mulf %bitcast3A_118, %bitcast3A_318 : vector<16xf32>
        %mul3A_328 = arith.mulf %bitcast3A_133, %bitcast3A_322 : vector<16xf32>
        %add3A_329 = arith.addf %mul3A_327, %mul3A_328 : vector<16xf32>
        %mul3A_330 = arith.mulf %bitcast3A_148, %get3A_324 : vector<16xf32>
        %add3A_331 = arith.addf %add3A_329, %mul3A_330 : vector<16xf32>
        %add3A_332 = arith.addf %add3A_105, %get3A_326 : vector<16xf32>
        %sub3A_333 = arith.subf %add3A_332, %add3A_331 : vector<16xf32>
        %le3A_334 = arith.constant 4.000000e-02 : f32
        %le3A_335 = vector.broadcast %le3A_334 : f32 to vector<16xf32>
        %le3A_336 = arith.cmpf ole, %sub3A_333, %le3A_335 : vector<16xf32>
        %masked_cumsum3A_337 = tpu.scan <sum>, %broadcast_in_dim3A_83 masked %le3A_336 : vector<16xi32>, vector<16xi1> -> vector<16xi32>
        %all_reduce_population_count3A_338 = tpu.all_reduce %le3A_336 {dim = 0 : i64, kind = #tpu.reduction_kind<sum>} : vector<16xi1> -> vector<16xi32>
        %add3A_339 = arith.constant 64 : i32
        %add3A_340 = arith.addi %mul3A_225, %add3A_339 : i32
        %get3A_341 = arith.index_cast %add3A_340 : i32 to index
        %get3A_342 = tpu.vector_load %arg5[%get3A_341] {strides = array<i32>} : memref<8192xf32, #tpu.memory_space<vmem>>, vector<16xf32>,
        %bitcast3A_343 = vector.bitcast %get3A_342 : vector<16xf32> to vector<16xi32>
        %and3A_344 = arith.constant -65536 : i32
        %and3A_345 = vector.broadcast %and3A_344 : i32 to vector<16xi32>
        %and3A_346 = arith.andi %bitcast3A_343, %and3A_345 : vector<16xi32>
        %bitcast3A_347 = vector.bitcast %and3A_346 : vector<16xi32> to vector<16xf32>
        %shift_left3A_348 = arith.constant 16 : i32
        %shift_left3A_349 = vector.broadcast %shift_left3A_348 : i32 to vector<16xi32>
        %shift_left3A_350 = arith.shli %bitcast3A_343, %shift_left3A_349 : vector<16xi32>
        %bitcast3A_351 = vector.bitcast %shift_left3A_350 : vector<16xi32> to vector<16xf32>
        %get3A_352 = arith.index_cast %add3A_340 : i32 to index
        %get3A_353 = tpu.vector_load %arg6[%get3A_352] {strides = array<i32>} : memref<8192xf32, #tpu.memory_space<vmem>>, vector<16xf32>,
        %get3A_354 = arith.index_cast %add3A_340 : i32 to index
        %get3A_355 = tpu.vector_load %arg7[%get3A_354] {strides = array<i32>} : memref<8192xf32, #tpu.memory_space<vmem>>, vector<16xf32>,
        %mul3A_356 = arith.mulf %bitcast3A_118, %bitcast3A_347 : vector<16xf32>
        %mul3A_357 = arith.mulf %bitcast3A_133, %bitcast3A_351 : vector<16xf32>
        %add3A_358 = arith.addf %mul3A_356, %mul3A_357 : vector<16xf32>
        %mul3A_359 = arith.mulf %bitcast3A_148, %get3A_353 : vector<16xf32>
        %add3A_360 = arith.addf %add3A_358, %mul3A_359 : vector<16xf32>
        %add3A_361 = arith.addf %add3A_105, %get3A_355 : vector<16xf32>
        %sub3A_362 = arith.subf %add3A_361, %add3A_360 : vector<16xf32>
        %le3A_363 = arith.constant 4.000000e-02 : f32
        %le3A_364 = vector.broadcast %le3A_363 : f32 to vector<16xf32>
        %le3A_365 = arith.cmpf ole, %sub3A_362, %le3A_364 : vector<16xf32>
        %masked_cumsum3A_366 = tpu.scan <sum>, %broadcast_in_dim3A_83 masked %le3A_365 : vector<16xi32>, vector<16xi1> -> vector<16xi32>
        %all_reduce_population_count3A_367 = tpu.all_reduce %le3A_365 {dim = 0 : i64, kind = #tpu.reduction_kind<sum>} : vector<16xi1> -> vector<16xi32>
        %add3A_368 = arith.constant 80 : i32
        %add3A_369 = arith.addi %mul3A_225, %add3A_368 : i32
        %get3A_370 = arith.index_cast %add3A_369 : i32 to index
        %get3A_371 = tpu.vector_load %arg5[%get3A_370] {strides = array<i32>} : memref<8192xf32, #tpu.memory_space<vmem>>, vector<16xf32>,
        %bitcast3A_372 = vector.bitcast %get3A_371 : vector<16xf32> to vector<16xi32>
        %and3A_373 = arith.constant -65536 : i32
        %and3A_374 = vector.broadcast %and3A_373 : i32 to vector<16xi32>
        %and3A_375 = arith.andi %bitcast3A_372, %and3A_374 : vector<16xi32>
        %bitcast3A_376 = vector.bitcast %and3A_375 : vector<16xi32> to vector<16xf32>
        %shift_left3A_377 = arith.constant 16 : i32
        %shift_left3A_378 = vector.broadcast %shift_left3A_377 : i32 to vector<16xi32>
        %shift_left3A_379 = arith.shli %bitcast3A_372, %shift_left3A_378 : vector<16xi32>
        %bitcast3A_380 = vector.bitcast %shift_left3A_379 : vector<16xi32> to vector<16xf32>
        %get3A_381 = arith.index_cast %add3A_369 : i32 to index
        %get3A_382 = tpu.vector_load %arg6[%get3A_381] {strides = array<i32>} : memref<8192xf32, #tpu.memory_space<vmem>>, vector<16xf32>,
        %get3A_383 = arith.index_cast %add3A_369 : i32 to index
        %get3A_384 = tpu.vector_load %arg7[%get3A_383] {strides = array<i32>} : memref<8192xf32, #tpu.memory_space<vmem>>, vector<16xf32>,
        %mul3A_385 = arith.mulf %bitcast3A_118, %bitcast3A_376 : vector<16xf32>
        %mul3A_386 = arith.mulf %bitcast3A_133, %bitcast3A_380 : vector<16xf32>
        %add3A_387 = arith.addf %mul3A_385, %mul3A_386 : vector<16xf32>
        %mul3A_388 = arith.mulf %bitcast3A_148, %get3A_382 : vector<16xf32>
        %add3A_389 = arith.addf %add3A_387, %mul3A_388 : vector<16xf32>
        %add3A_390 = arith.addf %add3A_105, %get3A_384 : vector<16xf32>
        %sub3A_391 = arith.subf %add3A_390, %add3A_389 : vector<16xf32>
        %le3A_392 = arith.constant 4.000000e-02 : f32
        %le3A_393 = vector.broadcast %le3A_392 : f32 to vector<16xf32>
        %le3A_394 = arith.cmpf ole, %sub3A_391, %le3A_393 : vector<16xf32>
        %masked_cumsum3A_395 = tpu.scan <sum>, %broadcast_in_dim3A_83 masked %le3A_394 : vector<16xi32>, vector<16xi1> -> vector<16xi32>
        %all_reduce_population_count3A_396 = tpu.all_reduce %le3A_394 {dim = 0 : i64, kind = #tpu.reduction_kind<sum>} : vector<16xi1> -> vector<16xi32>
        %add3A_397 = arith.constant 96 : i32
        %add3A_398 = arith.addi %mul3A_225, %add3A_397 : i32
        %get3A_399 = arith.index_cast %add3A_398 : i32 to index
        %get3A_400 = tpu.vector_load %arg5[%get3A_399] {strides = array<i32>} : memref<8192xf32, #tpu.memory_space<vmem>>, vector<16xf32>,
        %bitcast3A_401 = vector.bitcast %get3A_400 : vector<16xf32> to vector<16xi32>
        %and3A_402 = arith.constant -65536 : i32
        %and3A_403 = vector.broadcast %and3A_402 : i32 to vector<16xi32>
        %and3A_404 = arith.andi %bitcast3A_401, %and3A_403 : vector<16xi32>
        %bitcast3A_405 = vector.bitcast %and3A_404 : vector<16xi32> to vector<16xf32>
        %shift_left3A_406 = arith.constant 16 : i32
        %shift_left3A_407 = vector.broadcast %shift_left3A_406 : i32 to vector<16xi32>
        %shift_left3A_408 = arith.shli %bitcast3A_401, %shift_left3A_407 : vector<16xi32>
        %bitcast3A_409 = vector.bitcast %shift_left3A_408 : vector<16xi32> to vector<16xf32>
        %get3A_410 = arith.index_cast %add3A_398 : i32 to index
        %get3A_411 = tpu.vector_load %arg6[%get3A_410] {strides = array<i32>} : memref<8192xf32, #tpu.memory_space<vmem>>, vector<16xf32>,
        %get3A_412 = arith.index_cast %add3A_398 : i32 to index
        %get3A_413 = tpu.vector_load %arg7[%get3A_412] {strides = array<i32>} : memref<8192xf32, #tpu.memory_space<vmem>>, vector<16xf32>,
        %mul3A_414 = arith.mulf %bitcast3A_118, %bitcast3A_405 : vector<16xf32>
        %mul3A_415 = arith.mulf %bitcast3A_133, %bitcast3A_409 : vector<16xf32>
        %add3A_416 = arith.addf %mul3A_414, %mul3A_415 : vector<16xf32>
        %mul3A_417 = arith.mulf %bitcast3A_148, %get3A_411 : vector<16xf32>
        %add3A_418 = arith.addf %add3A_416, %mul3A_417 : vector<16xf32>
        %add3A_419 = arith.addf %add3A_105, %get3A_413 : vector<16xf32>
        %sub3A_420 = arith.subf %add3A_419, %add3A_418 : vector<16xf32>
        %le3A_421 = arith.constant 4.000000e-02 : f32
        %le3A_422 = vector.broadcast %le3A_421 : f32 to vector<16xf32>
        %le3A_423 = arith.cmpf ole, %sub3A_420, %le3A_422 : vector<16xf32>
        %masked_cumsum3A_424 = tpu.scan <sum>, %broadcast_in_dim3A_83 masked %le3A_423 : vector<16xi32>, vector<16xi1> -> vector<16xi32>
        %all_reduce_population_count3A_425 = tpu.all_reduce %le3A_423 {dim = 0 : i64, kind = #tpu.reduction_kind<sum>} : vector<16xi1> -> vector<16xi32>
        %add3A_426 = arith.constant 112 : i32
        %add3A_427 = arith.addi %mul3A_225, %add3A_426 : i32
        %get3A_428 = arith.index_cast %add3A_427 : i32 to index
        %get3A_429 = tpu.vector_load %arg5[%get3A_428] {strides = array<i32>} : memref<8192xf32, #tpu.memory_space<vmem>>, vector<16xf32>,
        %bitcast3A_430 = vector.bitcast %get3A_429 : vector<16xf32> to vector<16xi32>
        %and3A_431 = arith.constant -65536 : i32
        %and3A_432 = vector.broadcast %and3A_431 : i32 to vector<16xi32>
        %and3A_433 = arith.andi %bitcast3A_430, %and3A_432 : vector<16xi32>
        %bitcast3A_434 = vector.bitcast %and3A_433 : vector<16xi32> to vector<16xf32>
        %shift_left3A_435 = arith.constant 16 : i32
        %shift_left3A_436 = vector.broadcast %shift_left3A_435 : i32 to vector<16xi32>
        %shift_left3A_437 = arith.shli %bitcast3A_430, %shift_left3A_436 : vector<16xi32>
        %bitcast3A_438 = vector.bitcast %shift_left3A_437 : vector<16xi32> to vector<16xf32>
        %get3A_439 = arith.index_cast %add3A_427 : i32 to index
        %get3A_440 = tpu.vector_load %arg6[%get3A_439] {strides = array<i32>} : memref<8192xf32, #tpu.memory_space<vmem>>, vector<16xf32>,
        %get3A_441 = arith.index_cast %add3A_427 : i32 to index
        %get3A_442 = tpu.vector_load %arg7[%get3A_441] {strides = array<i32>} : memref<8192xf32, #tpu.memory_space<vmem>>, vector<16xf32>,
        %mul3A_443 = arith.mulf %bitcast3A_118, %bitcast3A_434 : vector<16xf32>
        %mul3A_444 = arith.mulf %bitcast3A_133, %bitcast3A_438 : vector<16xf32>
        %add3A_445 = arith.addf %mul3A_443, %mul3A_444 : vector<16xf32>
        %mul3A_446 = arith.mulf %bitcast3A_148, %get3A_440 : vector<16xf32>
        %add3A_447 = arith.addf %add3A_445, %mul3A_446 : vector<16xf32>
        %add3A_448 = arith.addf %add3A_105, %get3A_442 : vector<16xf32>
        %sub3A_449 = arith.subf %add3A_448, %add3A_447 : vector<16xf32>
        %le3A_450 = arith.constant 4.000000e-02 : f32
        %le3A_451 = vector.broadcast %le3A_450 : f32 to vector<16xf32>
        %le3A_452 = arith.cmpf ole, %sub3A_449, %le3A_451 : vector<16xf32>
        %masked_cumsum3A_453 = tpu.scan <sum>, %broadcast_in_dim3A_83 masked %le3A_452 : vector<16xi32>, vector<16xi1> -> vector<16xi32>
        %all_reduce_population_count3A_454 = tpu.all_reduce %le3A_452 {dim = 0 : i64, kind = #tpu.reduction_kind<sum>} : vector<16xi1> -> vector<16xi32>
        %add3A_455 = arith.constant 128 : i32
        %add3A_456 = arith.addi %mul3A_225, %add3A_455 : i32
        %get3A_457 = arith.index_cast %add3A_456 : i32 to index
        %get3A_458 = tpu.vector_load %arg5[%get3A_457] {strides = array<i32>} : memref<8192xf32, #tpu.memory_space<vmem>>, vector<16xf32>,
        %bitcast3A_459 = vector.bitcast %get3A_458 : vector<16xf32> to vector<16xi32>
        %and3A_460 = arith.constant -65536 : i32
        %and3A_461 = vector.broadcast %and3A_460 : i32 to vector<16xi32>
        %and3A_462 = arith.andi %bitcast3A_459, %and3A_461 : vector<16xi32>
        %bitcast3A_463 = vector.bitcast %and3A_462 : vector<16xi32> to vector<16xf32>
        %shift_left3A_464 = arith.constant 16 : i32
        %shift_left3A_465 = vector.broadcast %shift_left3A_464 : i32 to vector<16xi32>
        %shift_left3A_466 = arith.shli %bitcast3A_459, %shift_left3A_465 : vector<16xi32>
        %bitcast3A_467 = vector.bitcast %shift_left3A_466 : vector<16xi32> to vector<16xf32>
        %get3A_468 = arith.index_cast %add3A_456 : i32 to index
        %get3A_469 = tpu.vector_load %arg6[%get3A_468] {strides = array<i32>} : memref<8192xf32, #tpu.memory_space<vmem>>, vector<16xf32>,
        %get3A_470 = arith.index_cast %add3A_456 : i32 to index
        %get3A_471 = tpu.vector_load %arg7[%get3A_470] {strides = array<i32>} : memref<8192xf32, #tpu.memory_space<vmem>>, vector<16xf32>,
        %mul3A_472 = arith.mulf %bitcast3A_118, %bitcast3A_463 : vector<16xf32>
        %mul3A_473 = arith.mulf %bitcast3A_133, %bitcast3A_467 : vector<16xf32>
        %add3A_474 = arith.addf %mul3A_472, %mul3A_473 : vector<16xf32>
        %mul3A_475 = arith.mulf %bitcast3A_148, %get3A_469 : vector<16xf32>
        %add3A_476 = arith.addf %add3A_474, %mul3A_475 : vector<16xf32>
        %add3A_477 = arith.addf %add3A_105, %get3A_471 : vector<16xf32>
        %sub3A_478 = arith.subf %add3A_477, %add3A_476 : vector<16xf32>
        %le3A_479 = arith.constant 4.000000e-02 : f32
        %le3A_480 = vector.broadcast %le3A_479 : f32 to vector<16xf32>
        %le3A_481 = arith.cmpf ole, %sub3A_478, %le3A_480 : vector<16xf32>
        %masked_cumsum3A_482 = tpu.scan <sum>, %broadcast_in_dim3A_83 masked %le3A_481 : vector<16xi32>, vector<16xi1> -> vector<16xi32>
        %all_reduce_population_count3A_483 = tpu.all_reduce %le3A_481 {dim = 0 : i64, kind = #tpu.reduction_kind<sum>} : vector<16xi1> -> vector<16xi32>
        %add3A_484 = arith.constant 144 : i32
        %add3A_485 = arith.addi %mul3A_225, %add3A_484 : i32
        %get3A_486 = arith.index_cast %add3A_485 : i32 to index
        %get3A_487 = tpu.vector_load %arg5[%get3A_486] {strides = array<i32>} : memref<8192xf32, #tpu.memory_space<vmem>>, vector<16xf32>,
        %bitcast3A_488 = vector.bitcast %get3A_487 : vector<16xf32> to vector<16xi32>
        %and3A_489 = arith.constant -65536 : i32
        %and3A_490 = vector.broadcast %and3A_489 : i32 to vector<16xi32>
        %and3A_491 = arith.andi %bitcast3A_488, %and3A_490 : vector<16xi32>
        %bitcast3A_492 = vector.bitcast %and3A_491 : vector<16xi32> to vector<16xf32>
        %shift_left3A_493 = arith.constant 16 : i32
        %shift_left3A_494 = vector.broadcast %shift_left3A_493 : i32 to vector<16xi32>
        %shift_left3A_495 = arith.shli %bitcast3A_488, %shift_left3A_494 : vector<16xi32>
        %bitcast3A_496 = vector.bitcast %shift_left3A_495 : vector<16xi32> to vector<16xf32>
        %get3A_497 = arith.index_cast %add3A_485 : i32 to index
        %get3A_498 = tpu.vector_load %arg6[%get3A_497] {strides = array<i32>} : memref<8192xf32, #tpu.memory_space<vmem>>, vector<16xf32>,
        %get3A_499 = arith.index_cast %add3A_485 : i32 to index
        %get3A_500 = tpu.vector_load %arg7[%get3A_499] {strides = array<i32>} : memref<8192xf32, #tpu.memory_space<vmem>>, vector<16xf32>,
        %mul3A_501 = arith.mulf %bitcast3A_118, %bitcast3A_492 : vector<16xf32>
        %mul3A_502 = arith.mulf %bitcast3A_133, %bitcast3A_496 : vector<16xf32>
        %add3A_503 = arith.addf %mul3A_501, %mul3A_502 : vector<16xf32>
        %mul3A_504 = arith.mulf %bitcast3A_148, %get3A_498 : vector<16xf32>
        %add3A_505 = arith.addf %add3A_503, %mul3A_504 : vector<16xf32>
        %add3A_506 = arith.addf %add3A_105, %get3A_500 : vector<16xf32>
        %sub3A_507 = arith.subf %add3A_506, %add3A_505 : vector<16xf32>
        %le3A_508 = arith.constant 4.000000e-02 : f32
        %le3A_509 = vector.broadcast %le3A_508 : f32 to vector<16xf32>
        %le3A_510 = arith.cmpf ole, %sub3A_507, %le3A_509 : vector<16xf32>
        %masked_cumsum3A_511 = tpu.scan <sum>, %broadcast_in_dim3A_83 masked %le3A_510 : vector<16xi32>, vector<16xi1> -> vector<16xi32>
        %all_reduce_population_count3A_512 = tpu.all_reduce %le3A_510 {dim = 0 : i64, kind = #tpu.reduction_kind<sum>} : vector<16xi1> -> vector<16xi32>
        %add3A_513 = arith.constant 160 : i32
        %add3A_514 = arith.addi %mul3A_225, %add3A_513 : i32
        %get3A_515 = arith.index_cast %add3A_514 : i32 to index
        %get3A_516 = tpu.vector_load %arg5[%get3A_515] {strides = array<i32>} : memref<8192xf32, #tpu.memory_space<vmem>>, vector<16xf32>,
        %bitcast3A_517 = vector.bitcast %get3A_516 : vector<16xf32> to vector<16xi32>
        %and3A_518 = arith.constant -65536 : i32
        %and3A_519 = vector.broadcast %and3A_518 : i32 to vector<16xi32>
        %and3A_520 = arith.andi %bitcast3A_517, %and3A_519 : vector<16xi32>
        %bitcast3A_521 = vector.bitcast %and3A_520 : vector<16xi32> to vector<16xf32>
        %shift_left3A_522 = arith.constant 16 : i32
        %shift_left3A_523 = vector.broadcast %shift_left3A_522 : i32 to vector<16xi32>
        %shift_left3A_524 = arith.shli %bitcast3A_517, %shift_left3A_523 : vector<16xi32>
        %bitcast3A_525 = vector.bitcast %shift_left3A_524 : vector<16xi32> to vector<16xf32>
        %get3A_526 = arith.index_cast %add3A_514 : i32 to index
        %get3A_527 = tpu.vector_load %arg6[%get3A_526] {strides = array<i32>} : memref<8192xf32, #tpu.memory_space<vmem>>, vector<16xf32>,
        %get3A_528 = arith.index_cast %add3A_514 : i32 to index
        %get3A_529 = tpu.vector_load %arg7[%get3A_528] {strides = array<i32>} : memref<8192xf32, #tpu.memory_space<vmem>>, vector<16xf32>,
        %mul3A_530 = arith.mulf %bitcast3A_118, %bitcast3A_521 : vector<16xf32>
        %mul3A_531 = arith.mulf %bitcast3A_133, %bitcast3A_525 : vector<16xf32>
        %add3A_532 = arith.addf %mul3A_530, %mul3A_531 : vector<16xf32>
        %mul3A_533 = arith.mulf %bitcast3A_148, %get3A_527 : vector<16xf32>
        %add3A_534 = arith.addf %add3A_532, %mul3A_533 : vector<16xf32>
        %add3A_535 = arith.addf %add3A_105, %get3A_529 : vector<16xf32>
        %sub3A_536 = arith.subf %add3A_535, %add3A_534 : vector<16xf32>
        %le3A_537 = arith.constant 4.000000e-02 : f32
        %le3A_538 = vector.broadcast %le3A_537 : f32 to vector<16xf32>
        %le3A_539 = arith.cmpf ole, %sub3A_536, %le3A_538 : vector<16xf32>
        %masked_cumsum3A_540 = tpu.scan <sum>, %broadcast_in_dim3A_83 masked %le3A_539 : vector<16xi32>, vector<16xi1> -> vector<16xi32>
        %all_reduce_population_count3A_541 = tpu.all_reduce %le3A_539 {dim = 0 : i64, kind = #tpu.reduction_kind<sum>} : vector<16xi1> -> vector<16xi32>
        %add3A_542 = arith.constant 176 : i32
        %add3A_543 = arith.addi %mul3A_225, %add3A_542 : i32
        %get3A_544 = arith.index_cast %add3A_543 : i32 to index
        %get3A_545 = tpu.vector_load %arg5[%get3A_544] {strides = array<i32>} : memref<8192xf32, #tpu.memory_space<vmem>>, vector<16xf32>,
        %bitcast3A_546 = vector.bitcast %get3A_545 : vector<16xf32> to vector<16xi32>
        %and3A_547 = arith.constant -65536 : i32
        %and3A_548 = vector.broadcast %and3A_547 : i32 to vector<16xi32>
        %and3A_549 = arith.andi %bitcast3A_546, %and3A_548 : vector<16xi32>
        %bitcast3A_550 = vector.bitcast %and3A_549 : vector<16xi32> to vector<16xf32>
        %shift_left3A_551 = arith.constant 16 : i32
        %shift_left3A_552 = vector.broadcast %shift_left3A_551 : i32 to vector<16xi32>
        %shift_left3A_553 = arith.shli %bitcast3A_546, %shift_left3A_552 : vector<16xi32>
        %bitcast3A_554 = vector.bitcast %shift_left3A_553 : vector<16xi32> to vector<16xf32>
        %get3A_555 = arith.index_cast %add3A_543 : i32 to index
        %get3A_556 = tpu.vector_load %arg6[%get3A_555] {strides = array<i32>} : memref<8192xf32, #tpu.memory_space<vmem>>, vector<16xf32>,
        %get3A_557 = arith.index_cast %add3A_543 : i32 to index
        %get3A_558 = tpu.vector_load %arg7[%get3A_557] {strides = array<i32>} : memref<8192xf32, #tpu.memory_space<vmem>>, vector<16xf32>,
        %mul3A_559 = arith.mulf %bitcast3A_118, %bitcast3A_550 : vector<16xf32>
        %mul3A_560 = arith.mulf %bitcast3A_133, %bitcast3A_554 : vector<16xf32>
        %add3A_561 = arith.addf %mul3A_559, %mul3A_560 : vector<16xf32>
        %mul3A_562 = arith.mulf %bitcast3A_148, %get3A_556 : vector<16xf32>
        %add3A_563 = arith.addf %add3A_561, %mul3A_562 : vector<16xf32>
        %add3A_564 = arith.addf %add3A_105, %get3A_558 : vector<16xf32>
        %sub3A_565 = arith.subf %add3A_564, %add3A_563 : vector<16xf32>
        %le3A_566 = arith.constant 4.000000e-02 : f32
        %le3A_567 = vector.broadcast %le3A_566 : f32 to vector<16xf32>
        %le3A_568 = arith.cmpf ole, %sub3A_565, %le3A_567 : vector<16xf32>
        %masked_cumsum3A_569 = tpu.scan <sum>, %broadcast_in_dim3A_83 masked %le3A_568 : vector<16xi32>, vector<16xi1> -> vector<16xi32>
        %all_reduce_population_count3A_570 = tpu.all_reduce %le3A_568 {dim = 0 : i64, kind = #tpu.reduction_kind<sum>} : vector<16xi1> -> vector<16xi32>
        %add3A_571 = arith.constant 192 : i32
        %add3A_572 = arith.addi %mul3A_225, %add3A_571 : i32
        %get3A_573 = arith.index_cast %add3A_572 : i32 to index
        %get3A_574 = tpu.vector_load %arg5[%get3A_573] {strides = array<i32>} : memref<8192xf32, #tpu.memory_space<vmem>>, vector<16xf32>,
        %bitcast3A_575 = vector.bitcast %get3A_574 : vector<16xf32> to vector<16xi32>
        %and3A_576 = arith.constant -65536 : i32
        %and3A_577 = vector.broadcast %and3A_576 : i32 to vector<16xi32>
        %and3A_578 = arith.andi %bitcast3A_575, %and3A_577 : vector<16xi32>
        %bitcast3A_579 = vector.bitcast %and3A_578 : vector<16xi32> to vector<16xf32>
        %shift_left3A_580 = arith.constant 16 : i32
        %shift_left3A_581 = vector.broadcast %shift_left3A_580 : i32 to vector<16xi32>
        %shift_left3A_582 = arith.shli %bitcast3A_575, %shift_left3A_581 : vector<16xi32>
        %bitcast3A_583 = vector.bitcast %shift_left3A_582 : vector<16xi32> to vector<16xf32>
        %get3A_584 = arith.index_cast %add3A_572 : i32 to index
        %get3A_585 = tpu.vector_load %arg6[%get3A_584] {strides = array<i32>} : memref<8192xf32, #tpu.memory_space<vmem>>, vector<16xf32>,
        %get3A_586 = arith.index_cast %add3A_572 : i32 to index
        %get3A_587 = tpu.vector_load %arg7[%get3A_586] {strides = array<i32>} : memref<8192xf32, #tpu.memory_space<vmem>>, vector<16xf32>,
        %mul3A_588 = arith.mulf %bitcast3A_118, %bitcast3A_579 : vector<16xf32>
        %mul3A_589 = arith.mulf %bitcast3A_133, %bitcast3A_583 : vector<16xf32>
        %add3A_590 = arith.addf %mul3A_588, %mul3A_589 : vector<16xf32>
        %mul3A_591 = arith.mulf %bitcast3A_148, %get3A_585 : vector<16xf32>
        %add3A_592 = arith.addf %add3A_590, %mul3A_591 : vector<16xf32>
        %add3A_593 = arith.addf %add3A_105, %get3A_587 : vector<16xf32>
        %sub3A_594 = arith.subf %add3A_593, %add3A_592 : vector<16xf32>
        %le3A_595 = arith.constant 4.000000e-02 : f32
        %le3A_596 = vector.broadcast %le3A_595 : f32 to vector<16xf32>
        %le3A_597 = arith.cmpf ole, %sub3A_594, %le3A_596 : vector<16xf32>
        %masked_cumsum3A_598 = tpu.scan <sum>, %broadcast_in_dim3A_83 masked %le3A_597 : vector<16xi32>, vector<16xi1> -> vector<16xi32>
        %all_reduce_population_count3A_599 = tpu.all_reduce %le3A_597 {dim = 0 : i64, kind = #tpu.reduction_kind<sum>} : vector<16xi1> -> vector<16xi32>
        %add3A_600 = arith.constant 208 : i32
        %add3A_601 = arith.addi %mul3A_225, %add3A_600 : i32
        %get3A_602 = arith.index_cast %add3A_601 : i32 to index
        %get3A_603 = tpu.vector_load %arg5[%get3A_602] {strides = array<i32>} : memref<8192xf32, #tpu.memory_space<vmem>>, vector<16xf32>,
        %bitcast3A_604 = vector.bitcast %get3A_603 : vector<16xf32> to vector<16xi32>
        %and3A_605 = arith.constant -65536 : i32
        %and3A_606 = vector.broadcast %and3A_605 : i32 to vector<16xi32>
        %and3A_607 = arith.andi %bitcast3A_604, %and3A_606 : vector<16xi32>
        %bitcast3A_608 = vector.bitcast %and3A_607 : vector<16xi32> to vector<16xf32>
        %shift_left3A_609 = arith.constant 16 : i32
        %shift_left3A_610 = vector.broadcast %shift_left3A_609 : i32 to vector<16xi32>
        %shift_left3A_611 = arith.shli %bitcast3A_604, %shift_left3A_610 : vector<16xi32>
        %bitcast3A_612 = vector.bitcast %shift_left3A_611 : vector<16xi32> to vector<16xf32>
        %get3A_613 = arith.index_cast %add3A_601 : i32 to index
        %get3A_614 = tpu.vector_load %arg6[%get3A_613] {strides = array<i32>} : memref<8192xf32, #tpu.memory_space<vmem>>, vector<16xf32>,
        %get3A_615 = arith.index_cast %add3A_601 : i32 to index
        %get3A_616 = tpu.vector_load %arg7[%get3A_615] {strides = array<i32>} : memref<8192xf32, #tpu.memory_space<vmem>>, vector<16xf32>,
        %mul3A_617 = arith.mulf %bitcast3A_118, %bitcast3A_608 : vector<16xf32>
        %mul3A_618 = arith.mulf %bitcast3A_133, %bitcast3A_612 : vector<16xf32>
        %add3A_619 = arith.addf %mul3A_617, %mul3A_618 : vector<16xf32>
        %mul3A_620 = arith.mulf %bitcast3A_148, %get3A_614 : vector<16xf32>
        %add3A_621 = arith.addf %add3A_619, %mul3A_620 : vector<16xf32>
        %add3A_622 = arith.addf %add3A_105, %get3A_616 : vector<16xf32>
        %sub3A_623 = arith.subf %add3A_622, %add3A_621 : vector<16xf32>
        %le3A_624 = arith.constant 4.000000e-02 : f32
        %le3A_625 = vector.broadcast %le3A_624 : f32 to vector<16xf32>
        %le3A_626 = arith.cmpf ole, %sub3A_623, %le3A_625 : vector<16xf32>
        %masked_cumsum3A_627 = tpu.scan <sum>, %broadcast_in_dim3A_83 masked %le3A_626 : vector<16xi32>, vector<16xi1> -> vector<16xi32>
        %all_reduce_population_count3A_628 = tpu.all_reduce %le3A_626 {dim = 0 : i64, kind = #tpu.reduction_kind<sum>} : vector<16xi1> -> vector<16xi32>
        %add3A_629 = arith.constant 224 : i32
        %add3A_630 = arith.addi %mul3A_225, %add3A_629 : i32
        %get3A_631 = arith.index_cast %add3A_630 : i32 to index
        %get3A_632 = tpu.vector_load %arg5[%get3A_631] {strides = array<i32>} : memref<8192xf32, #tpu.memory_space<vmem>>, vector<16xf32>,
        %bitcast3A_633 = vector.bitcast %get3A_632 : vector<16xf32> to vector<16xi32>
        %and3A_634 = arith.constant -65536 : i32
        %and3A_635 = vector.broadcast %and3A_634 : i32 to vector<16xi32>
        %and3A_636 = arith.andi %bitcast3A_633, %and3A_635 : vector<16xi32>
        %bitcast3A_637 = vector.bitcast %and3A_636 : vector<16xi32> to vector<16xf32>
        %shift_left3A_638 = arith.constant 16 : i32
        %shift_left3A_639 = vector.broadcast %shift_left3A_638 : i32 to vector<16xi32>
        %shift_left3A_640 = arith.shli %bitcast3A_633, %shift_left3A_639 : vector<16xi32>
        %bitcast3A_641 = vector.bitcast %shift_left3A_640 : vector<16xi32> to vector<16xf32>
        %get3A_642 = arith.index_cast %add3A_630 : i32 to index
        %get3A_643 = tpu.vector_load %arg6[%get3A_642] {strides = array<i32>} : memref<8192xf32, #tpu.memory_space<vmem>>, vector<16xf32>,
        %get3A_644 = arith.index_cast %add3A_630 : i32 to index
        %get3A_645 = tpu.vector_load %arg7[%get3A_644] {strides = array<i32>} : memref<8192xf32, #tpu.memory_space<vmem>>, vector<16xf32>,
        %mul3A_646 = arith.mulf %bitcast3A_118, %bitcast3A_637 : vector<16xf32>
        %mul3A_647 = arith.mulf %bitcast3A_133, %bitcast3A_641 : vector<16xf32>
        %add3A_648 = arith.addf %mul3A_646, %mul3A_647 : vector<16xf32>
        %mul3A_649 = arith.mulf %bitcast3A_148, %get3A_643 : vector<16xf32>
        %add3A_650 = arith.addf %add3A_648, %mul3A_649 : vector<16xf32>
        %add3A_651 = arith.addf %add3A_105, %get3A_645 : vector<16xf32>
        %sub3A_652 = arith.subf %add3A_651, %add3A_650 : vector<16xf32>
        %le3A_653 = arith.constant 4.000000e-02 : f32
        %le3A_654 = vector.broadcast %le3A_653 : f32 to vector<16xf32>
        %le3A_655 = arith.cmpf ole, %sub3A_652, %le3A_654 : vector<16xf32>
        %masked_cumsum3A_656 = tpu.scan <sum>, %broadcast_in_dim3A_83 masked %le3A_655 : vector<16xi32>, vector<16xi1> -> vector<16xi32>
        %all_reduce_population_count3A_657 = tpu.all_reduce %le3A_655 {dim = 0 : i64, kind = #tpu.reduction_kind<sum>} : vector<16xi1> -> vector<16xi32>
        %add3A_658 = arith.constant 240 : i32
        %add3A_659 = arith.addi %mul3A_225, %add3A_658 : i32
        %get3A_660 = arith.index_cast %add3A_659 : i32 to index
        %get3A_661 = tpu.vector_load %arg5[%get3A_660] {strides = array<i32>} : memref<8192xf32, #tpu.memory_space<vmem>>, vector<16xf32>,
        %bitcast3A_662 = vector.bitcast %get3A_661 : vector<16xf32> to vector<16xi32>
        %and3A_663 = arith.constant -65536 : i32
        %and3A_664 = vector.broadcast %and3A_663 : i32 to vector<16xi32>
        %and3A_665 = arith.andi %bitcast3A_662, %and3A_664 : vector<16xi32>
        %bitcast3A_666 = vector.bitcast %and3A_665 : vector<16xi32> to vector<16xf32>
        %shift_left3A_667 = arith.constant 16 : i32
        %shift_left3A_668 = vector.broadcast %shift_left3A_667 : i32 to vector<16xi32>
        %shift_left3A_669 = arith.shli %bitcast3A_662, %shift_left3A_668 : vector<16xi32>
        %bitcast3A_670 = vector.bitcast %shift_left3A_669 : vector<16xi32> to vector<16xf32>
        %get3A_671 = arith.index_cast %add3A_659 : i32 to index
        %get3A_672 = tpu.vector_load %arg6[%get3A_671] {strides = array<i32>} : memref<8192xf32, #tpu.memory_space<vmem>>, vector<16xf32>,
        %get3A_673 = arith.index_cast %add3A_659 : i32 to index
        %get3A_674 = tpu.vector_load %arg7[%get3A_673] {strides = array<i32>} : memref<8192xf32, #tpu.memory_space<vmem>>, vector<16xf32>,
        %mul3A_675 = arith.mulf %bitcast3A_118, %bitcast3A_666 : vector<16xf32>
        %mul3A_676 = arith.mulf %bitcast3A_133, %bitcast3A_670 : vector<16xf32>
        %add3A_677 = arith.addf %mul3A_675, %mul3A_676 : vector<16xf32>
        %mul3A_678 = arith.mulf %bitcast3A_148, %get3A_672 : vector<16xf32>
        %add3A_679 = arith.addf %add3A_677, %mul3A_678 : vector<16xf32>
        %add3A_680 = arith.addf %add3A_105, %get3A_674 : vector<16xf32>
        %sub3A_681 = arith.subf %add3A_680, %add3A_679 : vector<16xf32>
        %le3A_682 = arith.constant 4.000000e-02 : f32
        %le3A_683 = vector.broadcast %le3A_682 : f32 to vector<16xf32>
        %le3A_684 = arith.cmpf ole, %sub3A_681, %le3A_683 : vector<16xf32>
        %masked_cumsum3A_685 = tpu.scan <sum>, %broadcast_in_dim3A_83 masked %le3A_684 : vector<16xi32>, vector<16xi1> -> vector<16xi32>
        %all_reduce_population_count3A_686 = tpu.all_reduce %le3A_684 {dim = 0 : i64, kind = #tpu.reduction_kind<sum>} : vector<16xi1> -> vector<16xi32>
        %add3A_687 = arith.addi %while3A_222, %masked_cumsum3A : vector<16xi32>
        %add3A_688 = vector.broadcast %add3A_227 : i32 to vector<16xi32>
        %add3A_689 = arith.addi %iota3A, %add3A_688 : vector<16xi32>
        tpu.vector_store_idx %arg11[%add3A_687], %add3A_689 masked %le3A_251 : memref<1088xi32, #tpu.memory_space<vmem>>[vector<16xi32>], vector<16xi32>, vector<16xi1>
        %add3A_690 = arith.addi %while3A_222, %all_reduce_population_count3A : vector<16xi32>
        %add3A_691 = arith.addi %add3A_690, %masked_cumsum3A_279 : vector<16xi32>
        %add3A_692 = vector.broadcast %add3A_253 : i32 to vector<16xi32>
        %add3A_693 = arith.addi %iota3A, %add3A_692 : vector<16xi32>
        tpu.vector_store_idx %arg11[%add3A_691], %add3A_693 masked %le3A_278 : memref<1088xi32, #tpu.memory_space<vmem>>[vector<16xi32>], vector<16xi32>, vector<16xi1>
        %add3A_694 = arith.addi %add3A_690, %all_reduce_population_count3A_280 : vector<16xi32>
        %add3A_695 = arith.addi %add3A_694, %masked_cumsum3A_308 : vector<16xi32>
        %add3A_696 = vector.broadcast %add3A_282 : i32 to vector<16xi32>
        %add3A_697 = arith.addi %iota3A, %add3A_696 : vector<16xi32>
        tpu.vector_store_idx %arg11[%add3A_695], %add3A_697 masked %le3A_307 : memref<1088xi32, #tpu.memory_space<vmem>>[vector<16xi32>], vector<16xi32>, vector<16xi1>
        %add3A_698 = arith.addi %add3A_694, %all_reduce_population_count3A_309 : vector<16xi32>
        %add3A_699 = arith.addi %add3A_698, %masked_cumsum3A_337 : vector<16xi32>
        %add3A_700 = vector.broadcast %add3A_311 : i32 to vector<16xi32>
        %add3A_701 = arith.addi %iota3A, %add3A_700 : vector<16xi32>
        tpu.vector_store_idx %arg11[%add3A_699], %add3A_701 masked %le3A_336 : memref<1088xi32, #tpu.memory_space<vmem>>[vector<16xi32>], vector<16xi32>, vector<16xi1>
        %add3A_702 = arith.addi %add3A_698, %all_reduce_population_count3A_338 : vector<16xi32>
        %add3A_703 = arith.addi %add3A_702, %masked_cumsum3A_366 : vector<16xi32>
        %add3A_704 = vector.broadcast %add3A_340 : i32 to vector<16xi32>
        %add3A_705 = arith.addi %iota3A, %add3A_704 : vector<16xi32>
        tpu.vector_store_idx %arg11[%add3A_703], %add3A_705 masked %le3A_365 : memref<1088xi32, #tpu.memory_space<vmem>>[vector<16xi32>], vector<16xi32>, vector<16xi1>
        %add3A_706 = arith.addi %add3A_702, %all_reduce_population_count3A_367 : vector<16xi32>
        %add3A_707 = arith.addi %add3A_706, %masked_cumsum3A_395 : vector<16xi32>
        %add3A_708 = vector.broadcast %add3A_369 : i32 to vector<16xi32>
        %add3A_709 = arith.addi %iota3A, %add3A_708 : vector<16xi32>
        tpu.vector_store_idx %arg11[%add3A_707], %add3A_709 masked %le3A_394 : memref<1088xi32, #tpu.memory_space<vmem>>[vector<16xi32>], vector<16xi32>, vector<16xi1>
        %add3A_710 = arith.addi %add3A_706, %all_reduce_population_count3A_396 : vector<16xi32>
        %add3A_711 = arith.addi %add3A_710, %masked_cumsum3A_424 : vector<16xi32>
        %add3A_712 = vector.broadcast %add3A_398 : i32 to vector<16xi32>
        %add3A_713 = arith.addi %iota3A, %add3A_712 : vector<16xi32>
        tpu.vector_store_idx %arg11[%add3A_711], %add3A_713 masked %le3A_423 : memref<1088xi32, #tpu.memory_space<vmem>>[vector<16xi32>], vector<16xi32>, vector<16xi1>
        %add3A_714 = arith.addi %add3A_710, %all_reduce_population_count3A_425 : vector<16xi32>
        %add3A_715 = arith.addi %add3A_714, %masked_cumsum3A_453 : vector<16xi32>
        %add3A_716 = vector.broadcast %add3A_427 : i32 to vector<16xi32>
        %add3A_717 = arith.addi %iota3A, %add3A_716 : vector<16xi32>
        tpu.vector_store_idx %arg11[%add3A_715], %add3A_717 masked %le3A_452 : memref<1088xi32, #tpu.memory_space<vmem>>[vector<16xi32>], vector<16xi32>, vector<16xi1>
        %add3A_718 = arith.addi %add3A_714, %all_reduce_population_count3A_454 : vector<16xi32>
        %add3A_719 = arith.constant 256 : i32
        %add3A_720 = arith.addi %mul3A_225, %add3A_719 : i32
        %get3A_721 = arith.index_cast %add3A_720 : i32 to index
        %get3A_722 = tpu.vector_load %arg5[%get3A_721] {strides = array<i32>} : memref<8192xf32, #tpu.memory_space<vmem>>, vector<16xf32>,
        %bitcast3A_723 = vector.bitcast %get3A_722 : vector<16xf32> to vector<16xi32>
        %and3A_724 = arith.constant -65536 : i32
        %and3A_725 = vector.broadcast %and3A_724 : i32 to vector<16xi32>
        %and3A_726 = arith.andi %bitcast3A_723, %and3A_725 : vector<16xi32>
        %bitcast3A_727 = vector.bitcast %and3A_726 : vector<16xi32> to vector<16xf32>
        %shift_left3A_728 = arith.constant 16 : i32
        %shift_left3A_729 = vector.broadcast %shift_left3A_728 : i32 to vector<16xi32>
        %shift_left3A_730 = arith.shli %bitcast3A_723, %shift_left3A_729 : vector<16xi32>
        %bitcast3A_731 = vector.bitcast %shift_left3A_730 : vector<16xi32> to vector<16xf32>
        %get3A_732 = arith.index_cast %add3A_720 : i32 to index
        %get3A_733 = tpu.vector_load %arg6[%get3A_732] {strides = array<i32>} : memref<8192xf32, #tpu.memory_space<vmem>>, vector<16xf32>,
        %get3A_734 = arith.index_cast %add3A_720 : i32 to index
        %get3A_735 = tpu.vector_load %arg7[%get3A_734] {strides = array<i32>} : memref<8192xf32, #tpu.memory_space<vmem>>, vector<16xf32>,
        %mul3A_736 = arith.mulf %bitcast3A_118, %bitcast3A_727 : vector<16xf32>
        %mul3A_737 = arith.mulf %bitcast3A_133, %bitcast3A_731 : vector<16xf32>
        %add3A_738 = arith.addf %mul3A_736, %mul3A_737 : vector<16xf32>
        %mul3A_739 = arith.mulf %bitcast3A_148, %get3A_733 : vector<16xf32>
        %add3A_740 = arith.addf %add3A_738, %mul3A_739 : vector<16xf32>
        %add3A_741 = arith.addf %add3A_105, %get3A_735 : vector<16xf32>
        %sub3A_742 = arith.subf %add3A_741, %add3A_740 : vector<16xf32>
        %le3A_743 = arith.constant 4.000000e-02 : f32
        %le3A_744 = vector.broadcast %le3A_743 : f32 to vector<16xf32>
        %le3A_745 = arith.cmpf ole, %sub3A_742, %le3A_744 : vector<16xf32>
        %masked_cumsum3A_746 = tpu.scan <sum>, %broadcast_in_dim3A_83 masked %le3A_745 : vector<16xi32>, vector<16xi1> -> vector<16xi32>
        %all_reduce_population_count3A_747 = tpu.all_reduce %le3A_745 {dim = 0 : i64, kind = #tpu.reduction_kind<sum>} : vector<16xi1> -> vector<16xi32>
        %add3A_748 = arith.constant 272 : i32
        %add3A_749 = arith.addi %mul3A_225, %add3A_748 : i32
        %get3A_750 = arith.index_cast %add3A_749 : i32 to index
        %get3A_751 = tpu.vector_load %arg5[%get3A_750] {strides = array<i32>} : memref<8192xf32, #tpu.memory_space<vmem>>, vector<16xf32>,
        %bitcast3A_752 = vector.bitcast %get3A_751 : vector<16xf32> to vector<16xi32>
        %and3A_753 = arith.constant -65536 : i32
        %and3A_754 = vector.broadcast %and3A_753 : i32 to vector<16xi32>
        %and3A_755 = arith.andi %bitcast3A_752, %and3A_754 : vector<16xi32>
        %bitcast3A_756 = vector.bitcast %and3A_755 : vector<16xi32> to vector<16xf32>
        %shift_left3A_757 = arith.constant 16 : i32
        %shift_left3A_758 = vector.broadcast %shift_left3A_757 : i32 to vector<16xi32>
        %shift_left3A_759 = arith.shli %bitcast3A_752, %shift_left3A_758 : vector<16xi32>
        %bitcast3A_760 = vector.bitcast %shift_left3A_759 : vector<16xi32> to vector<16xf32>
        %get3A_761 = arith.index_cast %add3A_749 : i32 to index
        %get3A_762 = tpu.vector_load %arg6[%get3A_761] {strides = array<i32>} : memref<8192xf32, #tpu.memory_space<vmem>>, vector<16xf32>,
        %get3A_763 = arith.index_cast %add3A_749 : i32 to index
        %get3A_764 = tpu.vector_load %arg7[%get3A_763] {strides = array<i32>} : memref<8192xf32, #tpu.memory_space<vmem>>, vector<16xf32>,
        %mul3A_765 = arith.mulf %bitcast3A_118, %bitcast3A_756 : vector<16xf32>
        %mul3A_766 = arith.mulf %bitcast3A_133, %bitcast3A_760 : vector<16xf32>
        %add3A_767 = arith.addf %mul3A_765, %mul3A_766 : vector<16xf32>
        %mul3A_768 = arith.mulf %bitcast3A_148, %get3A_762 : vector<16xf32>
        %add3A_769 = arith.addf %add3A_767, %mul3A_768 : vector<16xf32>
        %add3A_770 = arith.addf %add3A_105, %get3A_764 : vector<16xf32>
        %sub3A_771 = arith.subf %add3A_770, %add3A_769 : vector<16xf32>
        %le3A_772 = arith.constant 4.000000e-02 : f32
        %le3A_773 = vector.broadcast %le3A_772 : f32 to vector<16xf32>
        %le3A_774 = arith.cmpf ole, %sub3A_771, %le3A_773 : vector<16xf32>
        %masked_cumsum3A_775 = tpu.scan <sum>, %broadcast_in_dim3A_83 masked %le3A_774 : vector<16xi32>, vector<16xi1> -> vector<16xi32>
        %all_reduce_population_count3A_776 = tpu.all_reduce %le3A_774 {dim = 0 : i64, kind = #tpu.reduction_kind<sum>} : vector<16xi1> -> vector<16xi32>
        %add3A_777 = arith.constant 288 : i32
        %add3A_778 = arith.addi %mul3A_225, %add3A_777 : i32
        %get3A_779 = arith.index_cast %add3A_778 : i32 to index
        %get3A_780 = tpu.vector_load %arg5[%get3A_779] {strides = array<i32>} : memref<8192xf32, #tpu.memory_space<vmem>>, vector<16xf32>,
        %bitcast3A_781 = vector.bitcast %get3A_780 : vector<16xf32> to vector<16xi32>
        %and3A_782 = arith.constant -65536 : i32
        %and3A_783 = vector.broadcast %and3A_782 : i32 to vector<16xi32>
        %and3A_784 = arith.andi %bitcast3A_781, %and3A_783 : vector<16xi32>
        %bitcast3A_785 = vector.bitcast %and3A_784 : vector<16xi32> to vector<16xf32>
        %shift_left3A_786 = arith.constant 16 : i32
        %shift_left3A_787 = vector.broadcast %shift_left3A_786 : i32 to vector<16xi32>
        %shift_left3A_788 = arith.shli %bitcast3A_781, %shift_left3A_787 : vector<16xi32>
        %bitcast3A_789 = vector.bitcast %shift_left3A_788 : vector<16xi32> to vector<16xf32>
        %get3A_790 = arith.index_cast %add3A_778 : i32 to index
        %get3A_791 = tpu.vector_load %arg6[%get3A_790] {strides = array<i32>} : memref<8192xf32, #tpu.memory_space<vmem>>, vector<16xf32>,
        %get3A_792 = arith.index_cast %add3A_778 : i32 to index
        %get3A_793 = tpu.vector_load %arg7[%get3A_792] {strides = array<i32>} : memref<8192xf32, #tpu.memory_space<vmem>>, vector<16xf32>,
        %mul3A_794 = arith.mulf %bitcast3A_118, %bitcast3A_785 : vector<16xf32>
        %mul3A_795 = arith.mulf %bitcast3A_133, %bitcast3A_789 : vector<16xf32>
        %add3A_796 = arith.addf %mul3A_794, %mul3A_795 : vector<16xf32>
        %mul3A_797 = arith.mulf %bitcast3A_148, %get3A_791 : vector<16xf32>
        %add3A_798 = arith.addf %add3A_796, %mul3A_797 : vector<16xf32>
        %add3A_799 = arith.addf %add3A_105, %get3A_793 : vector<16xf32>
        %sub3A_800 = arith.subf %add3A_799, %add3A_798 : vector<16xf32>
        %le3A_801 = arith.constant 4.000000e-02 : f32
        %le3A_802 = vector.broadcast %le3A_801 : f32 to vector<16xf32>
        %le3A_803 = arith.cmpf ole, %sub3A_800, %le3A_802 : vector<16xf32>
        %masked_cumsum3A_804 = tpu.scan <sum>, %broadcast_in_dim3A_83 masked %le3A_803 : vector<16xi32>, vector<16xi1> -> vector<16xi32>
        %all_reduce_population_count3A_805 = tpu.all_reduce %le3A_803 {dim = 0 : i64, kind = #tpu.reduction_kind<sum>} : vector<16xi1> -> vector<16xi32>
        %add3A_806 = arith.constant 304 : i32
        %add3A_807 = arith.addi %mul3A_225, %add3A_806 : i32
        %get3A_808 = arith.index_cast %add3A_807 : i32 to index
        %get3A_809 = tpu.vector_load %arg5[%get3A_808] {strides = array<i32>} : memref<8192xf32, #tpu.memory_space<vmem>>, vector<16xf32>,
        %bitcast3A_810 = vector.bitcast %get3A_809 : vector<16xf32> to vector<16xi32>
        %and3A_811 = arith.constant -65536 : i32
        %and3A_812 = vector.broadcast %and3A_811 : i32 to vector<16xi32>
        %and3A_813 = arith.andi %bitcast3A_810, %and3A_812 : vector<16xi32>
        %bitcast3A_814 = vector.bitcast %and3A_813 : vector<16xi32> to vector<16xf32>
        %shift_left3A_815 = arith.constant 16 : i32
        %shift_left3A_816 = vector.broadcast %shift_left3A_815 : i32 to vector<16xi32>
        %shift_left3A_817 = arith.shli %bitcast3A_810, %shift_left3A_816 : vector<16xi32>
        %bitcast3A_818 = vector.bitcast %shift_left3A_817 : vector<16xi32> to vector<16xf32>
        %get3A_819 = arith.index_cast %add3A_807 : i32 to index
        %get3A_820 = tpu.vector_load %arg6[%get3A_819] {strides = array<i32>} : memref<8192xf32, #tpu.memory_space<vmem>>, vector<16xf32>,
        %get3A_821 = arith.index_cast %add3A_807 : i32 to index
        %get3A_822 = tpu.vector_load %arg7[%get3A_821] {strides = array<i32>} : memref<8192xf32, #tpu.memory_space<vmem>>, vector<16xf32>,
        %mul3A_823 = arith.mulf %bitcast3A_118, %bitcast3A_814 : vector<16xf32>
        %mul3A_824 = arith.mulf %bitcast3A_133, %bitcast3A_818 : vector<16xf32>
        %add3A_825 = arith.addf %mul3A_823, %mul3A_824 : vector<16xf32>
        %mul3A_826 = arith.mulf %bitcast3A_148, %get3A_820 : vector<16xf32>
        %add3A_827 = arith.addf %add3A_825, %mul3A_826 : vector<16xf32>
        %add3A_828 = arith.addf %add3A_105, %get3A_822 : vector<16xf32>
        %sub3A_829 = arith.subf %add3A_828, %add3A_827 : vector<16xf32>
        %le3A_830 = arith.constant 4.000000e-02 : f32
        %le3A_831 = vector.broadcast %le3A_830 : f32 to vector<16xf32>
        %le3A_832 = arith.cmpf ole, %sub3A_829, %le3A_831 : vector<16xf32>
        %masked_cumsum3A_833 = tpu.scan <sum>, %broadcast_in_dim3A_83 masked %le3A_832 : vector<16xi32>, vector<16xi1> -> vector<16xi32>
        %all_reduce_population_count3A_834 = tpu.all_reduce %le3A_832 {dim = 0 : i64, kind = #tpu.reduction_kind<sum>} : vector<16xi1> -> vector<16xi32>
        %add3A_835 = arith.constant 320 : i32
        %add3A_836 = arith.addi %mul3A_225, %add3A_835 : i32
        %get3A_837 = arith.index_cast %add3A_836 : i32 to index
        %get3A_838 = tpu.vector_load %arg5[%get3A_837] {strides = array<i32>} : memref<8192xf32, #tpu.memory_space<vmem>>, vector<16xf32>,
        %bitcast3A_839 = vector.bitcast %get3A_838 : vector<16xf32> to vector<16xi32>
        %and3A_840 = arith.constant -65536 : i32
        %and3A_841 = vector.broadcast %and3A_840 : i32 to vector<16xi32>
        %and3A_842 = arith.andi %bitcast3A_839, %and3A_841 : vector<16xi32>
        %bitcast3A_843 = vector.bitcast %and3A_842 : vector<16xi32> to vector<16xf32>
        %shift_left3A_844 = arith.constant 16 : i32
        %shift_left3A_845 = vector.broadcast %shift_left3A_844 : i32 to vector<16xi32>
        %shift_left3A_846 = arith.shli %bitcast3A_839, %shift_left3A_845 : vector<16xi32>
        %bitcast3A_847 = vector.bitcast %shift_left3A_846 : vector<16xi32> to vector<16xf32>
        %get3A_848 = arith.index_cast %add3A_836 : i32 to index
        %get3A_849 = tpu.vector_load %arg6[%get3A_848] {strides = array<i32>} : memref<8192xf32, #tpu.memory_space<vmem>>, vector<16xf32>,
        %get3A_850 = arith.index_cast %add3A_836 : i32 to index
        %get3A_851 = tpu.vector_load %arg7[%get3A_850] {strides = array<i32>} : memref<8192xf32, #tpu.memory_space<vmem>>, vector<16xf32>,
        %mul3A_852 = arith.mulf %bitcast3A_118, %bitcast3A_843 : vector<16xf32>
        %mul3A_853 = arith.mulf %bitcast3A_133, %bitcast3A_847 : vector<16xf32>
        %add3A_854 = arith.addf %mul3A_852, %mul3A_853 : vector<16xf32>
        %mul3A_855 = arith.mulf %bitcast3A_148, %get3A_849 : vector<16xf32>
        %add3A_856 = arith.addf %add3A_854, %mul3A_855 : vector<16xf32>
        %add3A_857 = arith.addf %add3A_105, %get3A_851 : vector<16xf32>
        %sub3A_858 = arith.subf %add3A_857, %add3A_856 : vector<16xf32>
        %le3A_859 = arith.constant 4.000000e-02 : f32
        %le3A_860 = vector.broadcast %le3A_859 : f32 to vector<16xf32>
        %le3A_861 = arith.cmpf ole, %sub3A_858, %le3A_860 : vector<16xf32>
        %masked_cumsum3A_862 = tpu.scan <sum>, %broadcast_in_dim3A_83 masked %le3A_861 : vector<16xi32>, vector<16xi1> -> vector<16xi32>
        %all_reduce_population_count3A_863 = tpu.all_reduce %le3A_861 {dim = 0 : i64, kind = #tpu.reduction_kind<sum>} : vector<16xi1> -> vector<16xi32>
        %add3A_864 = arith.constant 336 : i32
        %add3A_865 = arith.addi %mul3A_225, %add3A_864 : i32
        %get3A_866 = arith.index_cast %add3A_865 : i32 to index
        %get3A_867 = tpu.vector_load %arg5[%get3A_866] {strides = array<i32>} : memref<8192xf32, #tpu.memory_space<vmem>>, vector<16xf32>,
        %bitcast3A_868 = vector.bitcast %get3A_867 : vector<16xf32> to vector<16xi32>
        %and3A_869 = arith.constant -65536 : i32
        %and3A_870 = vector.broadcast %and3A_869 : i32 to vector<16xi32>
        %and3A_871 = arith.andi %bitcast3A_868, %and3A_870 : vector<16xi32>
        %bitcast3A_872 = vector.bitcast %and3A_871 : vector<16xi32> to vector<16xf32>
        %shift_left3A_873 = arith.constant 16 : i32
        %shift_left3A_874 = vector.broadcast %shift_left3A_873 : i32 to vector<16xi32>
        %shift_left3A_875 = arith.shli %bitcast3A_868, %shift_left3A_874 : vector<16xi32>
        %bitcast3A_876 = vector.bitcast %shift_left3A_875 : vector<16xi32> to vector<16xf32>
        %get3A_877 = arith.index_cast %add3A_865 : i32 to index
        %get3A_878 = tpu.vector_load %arg6[%get3A_877] {strides = array<i32>} : memref<8192xf32, #tpu.memory_space<vmem>>, vector<16xf32>,
        %get3A_879 = arith.index_cast %add3A_865 : i32 to index
        %get3A_880 = tpu.vector_load %arg7[%get3A_879] {strides = array<i32>} : memref<8192xf32, #tpu.memory_space<vmem>>, vector<16xf32>,
        %mul3A_881 = arith.mulf %bitcast3A_118, %bitcast3A_872 : vector<16xf32>
        %mul3A_882 = arith.mulf %bitcast3A_133, %bitcast3A_876 : vector<16xf32>
        %add3A_883 = arith.addf %mul3A_881, %mul3A_882 : vector<16xf32>
        %mul3A_884 = arith.mulf %bitcast3A_148, %get3A_878 : vector<16xf32>
        %add3A_885 = arith.addf %add3A_883, %mul3A_884 : vector<16xf32>
        %add3A_886 = arith.addf %add3A_105, %get3A_880 : vector<16xf32>
        %sub3A_887 = arith.subf %add3A_886, %add3A_885 : vector<16xf32>
        %le3A_888 = arith.constant 4.000000e-02 : f32
        %le3A_889 = vector.broadcast %le3A_888 : f32 to vector<16xf32>
        %le3A_890 = arith.cmpf ole, %sub3A_887, %le3A_889 : vector<16xf32>
        %masked_cumsum3A_891 = tpu.scan <sum>, %broadcast_in_dim3A_83 masked %le3A_890 : vector<16xi32>, vector<16xi1> -> vector<16xi32>
        %all_reduce_population_count3A_892 = tpu.all_reduce %le3A_890 {dim = 0 : i64, kind = #tpu.reduction_kind<sum>} : vector<16xi1> -> vector<16xi32>
        %add3A_893 = arith.constant 352 : i32
        %add3A_894 = arith.addi %mul3A_225, %add3A_893 : i32
        %get3A_895 = arith.index_cast %add3A_894 : i32 to index
        %get3A_896 = tpu.vector_load %arg5[%get3A_895] {strides = array<i32>} : memref<8192xf32, #tpu.memory_space<vmem>>, vector<16xf32>,
        %bitcast3A_897 = vector.bitcast %get3A_896 : vector<16xf32> to vector<16xi32>
        %and3A_898 = arith.constant -65536 : i32
        %and3A_899 = vector.broadcast %and3A_898 : i32 to vector<16xi32>
        %and3A_900 = arith.andi %bitcast3A_897, %and3A_899 : vector<16xi32>
        %bitcast3A_901 = vector.bitcast %and3A_900 : vector<16xi32> to vector<16xf32>
        %shift_left3A_902 = arith.constant 16 : i32
        %shift_left3A_903 = vector.broadcast %shift_left3A_902 : i32 to vector<16xi32>
        %shift_left3A_904 = arith.shli %bitcast3A_897, %shift_left3A_903 : vector<16xi32>
        %bitcast3A_905 = vector.bitcast %shift_left3A_904 : vector<16xi32> to vector<16xf32>
        %get3A_906 = arith.index_cast %add3A_894 : i32 to index
        %get3A_907 = tpu.vector_load %arg6[%get3A_906] {strides = array<i32>} : memref<8192xf32, #tpu.memory_space<vmem>>, vector<16xf32>,
        %get3A_908 = arith.index_cast %add3A_894 : i32 to index
        %get3A_909 = tpu.vector_load %arg7[%get3A_908] {strides = array<i32>} : memref<8192xf32, #tpu.memory_space<vmem>>, vector<16xf32>,
        %mul3A_910 = arith.mulf %bitcast3A_118, %bitcast3A_901 : vector<16xf32>
        %mul3A_911 = arith.mulf %bitcast3A_133, %bitcast3A_905 : vector<16xf32>
        %add3A_912 = arith.addf %mul3A_910, %mul3A_911 : vector<16xf32>
        %mul3A_913 = arith.mulf %bitcast3A_148, %get3A_907 : vector<16xf32>
        %add3A_914 = arith.addf %add3A_912, %mul3A_913 : vector<16xf32>
        %add3A_915 = arith.addf %add3A_105, %get3A_909 : vector<16xf32>
        %sub3A_916 = arith.subf %add3A_915, %add3A_914 : vector<16xf32>
        %le3A_917 = arith.constant 4.000000e-02 : f32
        %le3A_918 = vector.broadcast %le3A_917 : f32 to vector<16xf32>
        %le3A_919 = arith.cmpf ole, %sub3A_916, %le3A_918 : vector<16xf32>
        %masked_cumsum3A_920 = tpu.scan <sum>, %broadcast_in_dim3A_83 masked %le3A_919 : vector<16xi32>, vector<16xi1> -> vector<16xi32>
        %all_reduce_population_count3A_921 = tpu.all_reduce %le3A_919 {dim = 0 : i64, kind = #tpu.reduction_kind<sum>} : vector<16xi1> -> vector<16xi32>
        %add3A_922 = arith.constant 368 : i32
        %add3A_923 = arith.addi %mul3A_225, %add3A_922 : i32
        %get3A_924 = arith.index_cast %add3A_923 : i32 to index
        %get3A_925 = tpu.vector_load %arg5[%get3A_924] {strides = array<i32>} : memref<8192xf32, #tpu.memory_space<vmem>>, vector<16xf32>,
        %bitcast3A_926 = vector.bitcast %get3A_925 : vector<16xf32> to vector<16xi32>
        %and3A_927 = arith.constant -65536 : i32
        %and3A_928 = vector.broadcast %and3A_927 : i32 to vector<16xi32>
        %and3A_929 = arith.andi %bitcast3A_926, %and3A_928 : vector<16xi32>
        %bitcast3A_930 = vector.bitcast %and3A_929 : vector<16xi32> to vector<16xf32>
        %shift_left3A_931 = arith.constant 16 : i32
        %shift_left3A_932 = vector.broadcast %shift_left3A_931 : i32 to vector<16xi32>
        %shift_left3A_933 = arith.shli %bitcast3A_926, %shift_left3A_932 : vector<16xi32>
        %bitcast3A_934 = vector.bitcast %shift_left3A_933 : vector<16xi32> to vector<16xf32>
        %get3A_935 = arith.index_cast %add3A_923 : i32 to index
        %get3A_936 = tpu.vector_load %arg6[%get3A_935] {strides = array<i32>} : memref<8192xf32, #tpu.memory_space<vmem>>, vector<16xf32>,
        %get3A_937 = arith.index_cast %add3A_923 : i32 to index
        %get3A_938 = tpu.vector_load %arg7[%get3A_937] {strides = array<i32>} : memref<8192xf32, #tpu.memory_space<vmem>>, vector<16xf32>,
        %mul3A_939 = arith.mulf %bitcast3A_118, %bitcast3A_930 : vector<16xf32>
        %mul3A_940 = arith.mulf %bitcast3A_133, %bitcast3A_934 : vector<16xf32>
        %add3A_941 = arith.addf %mul3A_939, %mul3A_940 : vector<16xf32>
        %mul3A_942 = arith.mulf %bitcast3A_148, %get3A_936 : vector<16xf32>
        %add3A_943 = arith.addf %add3A_941, %mul3A_942 : vector<16xf32>
        %add3A_944 = arith.addf %add3A_105, %get3A_938 : vector<16xf32>
        %sub3A_945 = arith.subf %add3A_944, %add3A_943 : vector<16xf32>
        %le3A_946 = arith.constant 4.000000e-02 : f32
        %le3A_947 = vector.broadcast %le3A_946 : f32 to vector<16xf32>
        %le3A_948 = arith.cmpf ole, %sub3A_945, %le3A_947 : vector<16xf32>
        %masked_cumsum3A_949 = tpu.scan <sum>, %broadcast_in_dim3A_83 masked %le3A_948 : vector<16xi32>, vector<16xi1> -> vector<16xi32>
        %all_reduce_population_count3A_950 = tpu.all_reduce %le3A_948 {dim = 0 : i64, kind = #tpu.reduction_kind<sum>} : vector<16xi1> -> vector<16xi32>
        %add3A_951 = arith.addi %add3A_718, %masked_cumsum3A_482 : vector<16xi32>
        %add3A_952 = vector.broadcast %add3A_456 : i32 to vector<16xi32>
        %add3A_953 = arith.addi %iota3A, %add3A_952 : vector<16xi32>
        tpu.vector_store_idx %arg11[%add3A_951], %add3A_953 masked %le3A_481 : memref<1088xi32, #tpu.memory_space<vmem>>[vector<16xi32>], vector<16xi32>, vector<16xi1>
        %add3A_954 = arith.addi %add3A_718, %all_reduce_population_count3A_483 : vector<16xi32>
        %add3A_955 = arith.addi %add3A_954, %masked_cumsum3A_511 : vector<16xi32>
        %add3A_956 = vector.broadcast %add3A_485 : i32 to vector<16xi32>
        %add3A_957 = arith.addi %iota3A, %add3A_956 : vector<16xi32>
        tpu.vector_store_idx %arg11[%add3A_955], %add3A_957 masked %le3A_510 : memref<1088xi32, #tpu.memory_space<vmem>>[vector<16xi32>], vector<16xi32>, vector<16xi1>
        %add3A_958 = arith.addi %add3A_954, %all_reduce_population_count3A_512 : vector<16xi32>
        %add3A_959 = arith.addi %add3A_958, %masked_cumsum3A_540 : vector<16xi32>
        %add3A_960 = vector.broadcast %add3A_514 : i32 to vector<16xi32>
        %add3A_961 = arith.addi %iota3A, %add3A_960 : vector<16xi32>
        tpu.vector_store_idx %arg11[%add3A_959], %add3A_961 masked %le3A_539 : memref<1088xi32, #tpu.memory_space<vmem>>[vector<16xi32>], vector<16xi32>, vector<16xi1>
        %add3A_962 = arith.addi %add3A_958, %all_reduce_population_count3A_541 : vector<16xi32>
        %add3A_963 = arith.addi %add3A_962, %masked_cumsum3A_569 : vector<16xi32>
        %add3A_964 = vector.broadcast %add3A_543 : i32 to vector<16xi32>
        %add3A_965 = arith.addi %iota3A, %add3A_964 : vector<16xi32>
        tpu.vector_store_idx %arg11[%add3A_963], %add3A_965 masked %le3A_568 : memref<1088xi32, #tpu.memory_space<vmem>>[vector<16xi32>], vector<16xi32>, vector<16xi1>
        %add3A_966 = arith.addi %add3A_962, %all_reduce_population_count3A_570 : vector<16xi32>
        %add3A_967 = arith.addi %add3A_966, %masked_cumsum3A_598 : vector<16xi32>
        %add3A_968 = vector.broadcast %add3A_572 : i32 to vector<16xi32>
        %add3A_969 = arith.addi %iota3A, %add3A_968 : vector<16xi32>
        tpu.vector_store_idx %arg11[%add3A_967], %add3A_969 masked %le3A_597 : memref<1088xi32, #tpu.memory_space<vmem>>[vector<16xi32>], vector<16xi32>, vector<16xi1>
        %add3A_970 = arith.addi %add3A_966, %all_reduce_population_count3A_599 : vector<16xi32>
        %add3A_971 = arith.addi %add3A_970, %masked_cumsum3A_627 : vector<16xi32>
        %add3A_972 = vector.broadcast %add3A_601 : i32 to vector<16xi32>
        %add3A_973 = arith.addi %iota3A, %add3A_972 : vector<16xi32>
        tpu.vector_store_idx %arg11[%add3A_971], %add3A_973 masked %le3A_626 : memref<1088xi32, #tpu.memory_space<vmem>>[vector<16xi32>], vector<16xi32>, vector<16xi1>
        %add3A_974 = arith.addi %add3A_970, %all_reduce_population_count3A_628 : vector<16xi32>
        %add3A_975 = arith.addi %add3A_974, %masked_cumsum3A_656 : vector<16xi32>
        %add3A_976 = vector.broadcast %add3A_630 : i32 to vector<16xi32>
        %add3A_977 = arith.addi %iota3A, %add3A_976 : vector<16xi32>
        tpu.vector_store_idx %arg11[%add3A_975], %add3A_977 masked %le3A_655 : memref<1088xi32, #tpu.memory_space<vmem>>[vector<16xi32>], vector<16xi32>, vector<16xi1>
        %add3A_978 = arith.addi %add3A_974, %all_reduce_population_count3A_657 : vector<16xi32>
        %add3A_979 = arith.addi %add3A_978, %masked_cumsum3A_685 : vector<16xi32>
        %add3A_980 = vector.broadcast %add3A_659 : i32 to vector<16xi32>
        %add3A_981 = arith.addi %iota3A, %add3A_980 : vector<16xi32>
        tpu.vector_store_idx %arg11[%add3A_979], %add3A_981 masked %le3A_684 : memref<1088xi32, #tpu.memory_space<vmem>>[vector<16xi32>], vector<16xi32>, vector<16xi1>
        %add3A_982 = arith.addi %add3A_978, %all_reduce_population_count3A_686 : vector<16xi32>
        %add3A_983 = arith.constant 384 : i32
        %add3A_984 = arith.addi %mul3A_225, %add3A_983 : i32
        %get3A_985 = arith.index_cast %add3A_984 : i32 to index
        %get3A_986 = tpu.vector_load %arg5[%get3A_985] {strides = array<i32>} : memref<8192xf32, #tpu.memory_space<vmem>>, vector<16xf32>,
        %bitcast3A_987 = vector.bitcast %get3A_986 : vector<16xf32> to vector<16xi32>
        %and3A_988 = arith.constant -65536 : i32
        %and3A_989 = vector.broadcast %and3A_988 : i32 to vector<16xi32>
        %and3A_990 = arith.andi %bitcast3A_987, %and3A_989 : vector<16xi32>
        %bitcast3A_991 = vector.bitcast %and3A_990 : vector<16xi32> to vector<16xf32>
        %shift_left3A_992 = arith.constant 16 : i32
        %shift_left3A_993 = vector.broadcast %shift_left3A_992 : i32 to vector<16xi32>
        %shift_left3A_994 = arith.shli %bitcast3A_987, %shift_left3A_993 : vector<16xi32>
        %bitcast3A_995 = vector.bitcast %shift_left3A_994 : vector<16xi32> to vector<16xf32>
        %get3A_996 = arith.index_cast %add3A_984 : i32 to index
        %get3A_997 = tpu.vector_load %arg6[%get3A_996] {strides = array<i32>} : memref<8192xf32, #tpu.memory_space<vmem>>, vector<16xf32>,
        %get3A_998 = arith.index_cast %add3A_984 : i32 to index
        %get3A_999 = tpu.vector_load %arg7[%get3A_998] {strides = array<i32>} : memref<8192xf32, #tpu.memory_space<vmem>>, vector<16xf32>,
        %mul3A_1000 = arith.mulf %bitcast3A_118, %bitcast3A_991 : vector<16xf32>
        %mul3A_1001 = arith.mulf %bitcast3A_133, %bitcast3A_995 : vector<16xf32>
        %add3A_1002 = arith.addf %mul3A_1000, %mul3A_1001 : vector<16xf32>
        %mul3A_1003 = arith.mulf %bitcast3A_148, %get3A_997 : vector<16xf32>
        %add3A_1004 = arith.addf %add3A_1002, %mul3A_1003 : vector<16xf32>
        %add3A_1005 = arith.addf %add3A_105, %get3A_999 : vector<16xf32>
        %sub3A_1006 = arith.subf %add3A_1005, %add3A_1004 : vector<16xf32>
        %le3A_1007 = arith.constant 4.000000e-02 : f32
        %le3A_1008 = vector.broadcast %le3A_1007 : f32 to vector<16xf32>
        %le3A_1009 = arith.cmpf ole, %sub3A_1006, %le3A_1008 : vector<16xf32>
        %masked_cumsum3A_1010 = tpu.scan <sum>, %broadcast_in_dim3A_83 masked %le3A_1009 : vector<16xi32>, vector<16xi1> -> vector<16xi32>
        %all_reduce_population_count3A_1011 = tpu.all_reduce %le3A_1009 {dim = 0 : i64, kind = #tpu.reduction_kind<sum>} : vector<16xi1> -> vector<16xi32>
        %add3A_1012 = arith.constant 400 : i32
        %add3A_1013 = arith.addi %mul3A_225, %add3A_1012 : i32
        %get3A_1014 = arith.index_cast %add3A_1013 : i32 to index
        %get3A_1015 = tpu.vector_load %arg5[%get3A_1014] {strides = array<i32>} : memref<8192xf32, #tpu.memory_space<vmem>>, vector<16xf32>,
        %bitcast3A_1016 = vector.bitcast %get3A_1015 : vector<16xf32> to vector<16xi32>
        %and3A_1017 = arith.constant -65536 : i32
        %and3A_1018 = vector.broadcast %and3A_1017 : i32 to vector<16xi32>
        %and3A_1019 = arith.andi %bitcast3A_1016, %and3A_1018 : vector<16xi32>
        %bitcast3A_1020 = vector.bitcast %and3A_1019 : vector<16xi32> to vector<16xf32>
        %shift_left3A_1021 = arith.constant 16 : i32
        %shift_left3A_1022 = vector.broadcast %shift_left3A_1021 : i32 to vector<16xi32>
        %shift_left3A_1023 = arith.shli %bitcast3A_1016, %shift_left3A_1022 : vector<16xi32>
        %bitcast3A_1024 = vector.bitcast %shift_left3A_1023 : vector<16xi32> to vector<16xf32>
        %get3A_1025 = arith.index_cast %add3A_1013 : i32 to index
        %get3A_1026 = tpu.vector_load %arg6[%get3A_1025] {strides = array<i32>} : memref<8192xf32, #tpu.memory_space<vmem>>, vector<16xf32>,
        %get3A_1027 = arith.index_cast %add3A_1013 : i32 to index
        %get3A_1028 = tpu.vector_load %arg7[%get3A_1027] {strides = array<i32>} : memref<8192xf32, #tpu.memory_space<vmem>>, vector<16xf32>,
        %mul3A_1029 = arith.mulf %bitcast3A_118, %bitcast3A_1020 : vector<16xf32>
        %mul3A_1030 = arith.mulf %bitcast3A_133, %bitcast3A_1024 : vector<16xf32>
        %add3A_1031 = arith.addf %mul3A_1029, %mul3A_1030 : vector<16xf32>
        %mul3A_1032 = arith.mulf %bitcast3A_148, %get3A_1026 : vector<16xf32>
        %add3A_1033 = arith.addf %add3A_1031, %mul3A_1032 : vector<16xf32>
        %add3A_1034 = arith.addf %add3A_105, %get3A_1028 : vector<16xf32>
        %sub3A_1035 = arith.subf %add3A_1034, %add3A_1033 : vector<16xf32>
        %le3A_1036 = arith.constant 4.000000e-02 : f32
        %le3A_1037 = vector.broadcast %le3A_1036 : f32 to vector<16xf32>
        %le3A_1038 = arith.cmpf ole, %sub3A_1035, %le3A_1037 : vector<16xf32>
        %masked_cumsum3A_1039 = tpu.scan <sum>, %broadcast_in_dim3A_83 masked %le3A_1038 : vector<16xi32>, vector<16xi1> -> vector<16xi32>
        %all_reduce_population_count3A_1040 = tpu.all_reduce %le3A_1038 {dim = 0 : i64, kind = #tpu.reduction_kind<sum>} : vector<16xi1> -> vector<16xi32>
        %add3A_1041 = arith.constant 416 : i32
        %add3A_1042 = arith.addi %mul3A_225, %add3A_1041 : i32
        %get3A_1043 = arith.index_cast %add3A_1042 : i32 to index
        %get3A_1044 = tpu.vector_load %arg5[%get3A_1043] {strides = array<i32>} : memref<8192xf32, #tpu.memory_space<vmem>>, vector<16xf32>,
        %bitcast3A_1045 = vector.bitcast %get3A_1044 : vector<16xf32> to vector<16xi32>
        %and3A_1046 = arith.constant -65536 : i32
        %and3A_1047 = vector.broadcast %and3A_1046 : i32 to vector<16xi32>
        %and3A_1048 = arith.andi %bitcast3A_1045, %and3A_1047 : vector<16xi32>
        %bitcast3A_1049 = vector.bitcast %and3A_1048 : vector<16xi32> to vector<16xf32>
        %shift_left3A_1050 = arith.constant 16 : i32
        %shift_left3A_1051 = vector.broadcast %shift_left3A_1050 : i32 to vector<16xi32>
        %shift_left3A_1052 = arith.shli %bitcast3A_1045, %shift_left3A_1051 : vector<16xi32>
        %bitcast3A_1053 = vector.bitcast %shift_left3A_1052 : vector<16xi32> to vector<16xf32>
        %get3A_1054 = arith.index_cast %add3A_1042 : i32 to index
        %get3A_1055 = tpu.vector_load %arg6[%get3A_1054] {strides = array<i32>} : memref<8192xf32, #tpu.memory_space<vmem>>, vector<16xf32>,
        %get3A_1056 = arith.index_cast %add3A_1042 : i32 to index
        %get3A_1057 = tpu.vector_load %arg7[%get3A_1056] {strides = array<i32>} : memref<8192xf32, #tpu.memory_space<vmem>>, vector<16xf32>,
        %mul3A_1058 = arith.mulf %bitcast3A_118, %bitcast3A_1049 : vector<16xf32>
        %mul3A_1059 = arith.mulf %bitcast3A_133, %bitcast3A_1053 : vector<16xf32>
        %add3A_1060 = arith.addf %mul3A_1058, %mul3A_1059 : vector<16xf32>
        %mul3A_1061 = arith.mulf %bitcast3A_148, %get3A_1055 : vector<16xf32>
        %add3A_1062 = arith.addf %add3A_1060, %mul3A_1061 : vector<16xf32>
        %add3A_1063 = arith.addf %add3A_105, %get3A_1057 : vector<16xf32>
        %sub3A_1064 = arith.subf %add3A_1063, %add3A_1062 : vector<16xf32>
        %le3A_1065 = arith.constant 4.000000e-02 : f32
        %le3A_1066 = vector.broadcast %le3A_1065 : f32 to vector<16xf32>
        %le3A_1067 = arith.cmpf ole, %sub3A_1064, %le3A_1066 : vector<16xf32>
        %masked_cumsum3A_1068 = tpu.scan <sum>, %broadcast_in_dim3A_83 masked %le3A_1067 : vector<16xi32>, vector<16xi1> -> vector<16xi32>
        %all_reduce_population_count3A_1069 = tpu.all_reduce %le3A_1067 {dim = 0 : i64, kind = #tpu.reduction_kind<sum>} : vector<16xi1> -> vector<16xi32>
        %add3A_1070 = arith.constant 432 : i32
        %add3A_1071 = arith.addi %mul3A_225, %add3A_1070 : i32
        %get3A_1072 = arith.index_cast %add3A_1071 : i32 to index
        %get3A_1073 = tpu.vector_load %arg5[%get3A_1072] {strides = array<i32>} : memref<8192xf32, #tpu.memory_space<vmem>>, vector<16xf32>,
        %bitcast3A_1074 = vector.bitcast %get3A_1073 : vector<16xf32> to vector<16xi32>
        %and3A_1075 = arith.constant -65536 : i32
        %and3A_1076 = vector.broadcast %and3A_1075 : i32 to vector<16xi32>
        %and3A_1077 = arith.andi %bitcast3A_1074, %and3A_1076 : vector<16xi32>
        %bitcast3A_1078 = vector.bitcast %and3A_1077 : vector<16xi32> to vector<16xf32>
        %shift_left3A_1079 = arith.constant 16 : i32
        %shift_left3A_1080 = vector.broadcast %shift_left3A_1079 : i32 to vector<16xi32>
        %shift_left3A_1081 = arith.shli %bitcast3A_1074, %shift_left3A_1080 : vector<16xi32>
        %bitcast3A_1082 = vector.bitcast %shift_left3A_1081 : vector<16xi32> to vector<16xf32>
        %get3A_1083 = arith.index_cast %add3A_1071 : i32 to index
        %get3A_1084 = tpu.vector_load %arg6[%get3A_1083] {strides = array<i32>} : memref<8192xf32, #tpu.memory_space<vmem>>, vector<16xf32>,
        %get3A_1085 = arith.index_cast %add3A_1071 : i32 to index
        %get3A_1086 = tpu.vector_load %arg7[%get3A_1085] {strides = array<i32>} : memref<8192xf32, #tpu.memory_space<vmem>>, vector<16xf32>,
        %mul3A_1087 = arith.mulf %bitcast3A_118, %bitcast3A_1078 : vector<16xf32>
        %mul3A_1088 = arith.mulf %bitcast3A_133, %bitcast3A_1082 : vector<16xf32>
        %add3A_1089 = arith.addf %mul3A_1087, %mul3A_1088 : vector<16xf32>
        %mul3A_1090 = arith.mulf %bitcast3A_148, %get3A_1084 : vector<16xf32>
        %add3A_1091 = arith.addf %add3A_1089, %mul3A_1090 : vector<16xf32>
        %add3A_1092 = arith.addf %add3A_105, %get3A_1086 : vector<16xf32>
        %sub3A_1093 = arith.subf %add3A_1092, %add3A_1091 : vector<16xf32>
        %le3A_1094 = arith.constant 4.000000e-02 : f32
        %le3A_1095 = vector.broadcast %le3A_1094 : f32 to vector<16xf32>
        %le3A_1096 = arith.cmpf ole, %sub3A_1093, %le3A_1095 : vector<16xf32>
        %masked_cumsum3A_1097 = tpu.scan <sum>, %broadcast_in_dim3A_83 masked %le3A_1096 : vector<16xi32>, vector<16xi1> -> vector<16xi32>
        %all_reduce_population_count3A_1098 = tpu.all_reduce %le3A_1096 {dim = 0 : i64, kind = #tpu.reduction_kind<sum>} : vector<16xi1> -> vector<16xi32>
        %add3A_1099 = arith.constant 448 : i32
        %add3A_1100 = arith.addi %mul3A_225, %add3A_1099 : i32
        %get3A_1101 = arith.index_cast %add3A_1100 : i32 to index
        %get3A_1102 = tpu.vector_load %arg5[%get3A_1101] {strides = array<i32>} : memref<8192xf32, #tpu.memory_space<vmem>>, vector<16xf32>,
        %bitcast3A_1103 = vector.bitcast %get3A_1102 : vector<16xf32> to vector<16xi32>
        %and3A_1104 = arith.constant -65536 : i32
        %and3A_1105 = vector.broadcast %and3A_1104 : i32 to vector<16xi32>
        %and3A_1106 = arith.andi %bitcast3A_1103, %and3A_1105 : vector<16xi32>
        %bitcast3A_1107 = vector.bitcast %and3A_1106 : vector<16xi32> to vector<16xf32>
        %shift_left3A_1108 = arith.constant 16 : i32
        %shift_left3A_1109 = vector.broadcast %shift_left3A_1108 : i32 to vector<16xi32>
        %shift_left3A_1110 = arith.shli %bitcast3A_1103, %shift_left3A_1109 : vector<16xi32>
        %bitcast3A_1111 = vector.bitcast %shift_left3A_1110 : vector<16xi32> to vector<16xf32>
        %get3A_1112 = arith.index_cast %add3A_1100 : i32 to index
        %get3A_1113 = tpu.vector_load %arg6[%get3A_1112] {strides = array<i32>} : memref<8192xf32, #tpu.memory_space<vmem>>, vector<16xf32>,
        %get3A_1114 = arith.index_cast %add3A_1100 : i32 to index
        %get3A_1115 = tpu.vector_load %arg7[%get3A_1114] {strides = array<i32>} : memref<8192xf32, #tpu.memory_space<vmem>>, vector<16xf32>,
        %mul3A_1116 = arith.mulf %bitcast3A_118, %bitcast3A_1107 : vector<16xf32>
        %mul3A_1117 = arith.mulf %bitcast3A_133, %bitcast3A_1111 : vector<16xf32>
        %add3A_1118 = arith.addf %mul3A_1116, %mul3A_1117 : vector<16xf32>
        %mul3A_1119 = arith.mulf %bitcast3A_148, %get3A_1113 : vector<16xf32>
        %add3A_1120 = arith.addf %add3A_1118, %mul3A_1119 : vector<16xf32>
        %add3A_1121 = arith.addf %add3A_105, %get3A_1115 : vector<16xf32>
        %sub3A_1122 = arith.subf %add3A_1121, %add3A_1120 : vector<16xf32>
        %le3A_1123 = arith.constant 4.000000e-02 : f32
        %le3A_1124 = vector.broadcast %le3A_1123 : f32 to vector<16xf32>
        %le3A_1125 = arith.cmpf ole, %sub3A_1122, %le3A_1124 : vector<16xf32>
        %masked_cumsum3A_1126 = tpu.scan <sum>, %broadcast_in_dim3A_83 masked %le3A_1125 : vector<16xi32>, vector<16xi1> -> vector<16xi32>
        %all_reduce_population_count3A_1127 = tpu.all_reduce %le3A_1125 {dim = 0 : i64, kind = #tpu.reduction_kind<sum>} : vector<16xi1> -> vector<16xi32>
        %add3A_1128 = arith.constant 464 : i32
        %add3A_1129 = arith.addi %mul3A_225, %add3A_1128 : i32
        %get3A_1130 = arith.index_cast %add3A_1129 : i32 to index
        %get3A_1131 = tpu.vector_load %arg5[%get3A_1130] {strides = array<i32>} : memref<8192xf32, #tpu.memory_space<vmem>>, vector<16xf32>,
        %bitcast3A_1132 = vector.bitcast %get3A_1131 : vector<16xf32> to vector<16xi32>
        %and3A_1133 = arith.constant -65536 : i32
        %and3A_1134 = vector.broadcast %and3A_1133 : i32 to vector<16xi32>
        %and3A_1135 = arith.andi %bitcast3A_1132, %and3A_1134 : vector<16xi32>
        %bitcast3A_1136 = vector.bitcast %and3A_1135 : vector<16xi32> to vector<16xf32>
        %shift_left3A_1137 = arith.constant 16 : i32
        %shift_left3A_1138 = vector.broadcast %shift_left3A_1137 : i32 to vector<16xi32>
        %shift_left3A_1139 = arith.shli %bitcast3A_1132, %shift_left3A_1138 : vector<16xi32>
        %bitcast3A_1140 = vector.bitcast %shift_left3A_1139 : vector<16xi32> to vector<16xf32>
        %get3A_1141 = arith.index_cast %add3A_1129 : i32 to index
        %get3A_1142 = tpu.vector_load %arg6[%get3A_1141] {strides = array<i32>} : memref<8192xf32, #tpu.memory_space<vmem>>, vector<16xf32>,
        %get3A_1143 = arith.index_cast %add3A_1129 : i32 to index
        %get3A_1144 = tpu.vector_load %arg7[%get3A_1143] {strides = array<i32>} : memref<8192xf32, #tpu.memory_space<vmem>>, vector<16xf32>,
        %mul3A_1145 = arith.mulf %bitcast3A_118, %bitcast3A_1136 : vector<16xf32>
        %mul3A_1146 = arith.mulf %bitcast3A_133, %bitcast3A_1140 : vector<16xf32>
        %add3A_1147 = arith.addf %mul3A_1145, %mul3A_1146 : vector<16xf32>
        %mul3A_1148 = arith.mulf %bitcast3A_148, %get3A_1142 : vector<16xf32>
        %add3A_1149 = arith.addf %add3A_1147, %mul3A_1148 : vector<16xf32>
        %add3A_1150 = arith.addf %add3A_105, %get3A_1144 : vector<16xf32>
        %sub3A_1151 = arith.subf %add3A_1150, %add3A_1149 : vector<16xf32>
        %le3A_1152 = arith.constant 4.000000e-02 : f32
        %le3A_1153 = vector.broadcast %le3A_1152 : f32 to vector<16xf32>
        %le3A_1154 = arith.cmpf ole, %sub3A_1151, %le3A_1153 : vector<16xf32>
        %masked_cumsum3A_1155 = tpu.scan <sum>, %broadcast_in_dim3A_83 masked %le3A_1154 : vector<16xi32>, vector<16xi1> -> vector<16xi32>
        %all_reduce_population_count3A_1156 = tpu.all_reduce %le3A_1154 {dim = 0 : i64, kind = #tpu.reduction_kind<sum>} : vector<16xi1> -> vector<16xi32>
        %add3A_1157 = arith.constant 480 : i32
        %add3A_1158 = arith.addi %mul3A_225, %add3A_1157 : i32
        %get3A_1159 = arith.index_cast %add3A_1158 : i32 to index
        %get3A_1160 = tpu.vector_load %arg5[%get3A_1159] {strides = array<i32>} : memref<8192xf32, #tpu.memory_space<vmem>>, vector<16xf32>,
        %bitcast3A_1161 = vector.bitcast %get3A_1160 : vector<16xf32> to vector<16xi32>
        %and3A_1162 = arith.constant -65536 : i32
        %and3A_1163 = vector.broadcast %and3A_1162 : i32 to vector<16xi32>
        %and3A_1164 = arith.andi %bitcast3A_1161, %and3A_1163 : vector<16xi32>
        %bitcast3A_1165 = vector.bitcast %and3A_1164 : vector<16xi32> to vector<16xf32>
        %shift_left3A_1166 = arith.constant 16 : i32
        %shift_left3A_1167 = vector.broadcast %shift_left3A_1166 : i32 to vector<16xi32>
        %shift_left3A_1168 = arith.shli %bitcast3A_1161, %shift_left3A_1167 : vector<16xi32>
        %bitcast3A_1169 = vector.bitcast %shift_left3A_1168 : vector<16xi32> to vector<16xf32>
        %get3A_1170 = arith.index_cast %add3A_1158 : i32 to index
        %get3A_1171 = tpu.vector_load %arg6[%get3A_1170] {strides = array<i32>} : memref<8192xf32, #tpu.memory_space<vmem>>, vector<16xf32>,
        %get3A_1172 = arith.index_cast %add3A_1158 : i32 to index
        %get3A_1173 = tpu.vector_load %arg7[%get3A_1172] {strides = array<i32>} : memref<8192xf32, #tpu.memory_space<vmem>>, vector<16xf32>,
        %mul3A_1174 = arith.mulf %bitcast3A_118, %bitcast3A_1165 : vector<16xf32>
        %mul3A_1175 = arith.mulf %bitcast3A_133, %bitcast3A_1169 : vector<16xf32>
        %add3A_1176 = arith.addf %mul3A_1174, %mul3A_1175 : vector<16xf32>
        %mul3A_1177 = arith.mulf %bitcast3A_148, %get3A_1171 : vector<16xf32>
        %add3A_1178 = arith.addf %add3A_1176, %mul3A_1177 : vector<16xf32>
        %add3A_1179 = arith.addf %add3A_105, %get3A_1173 : vector<16xf32>
        %sub3A_1180 = arith.subf %add3A_1179, %add3A_1178 : vector<16xf32>
        %le3A_1181 = arith.constant 4.000000e-02 : f32
        %le3A_1182 = vector.broadcast %le3A_1181 : f32 to vector<16xf32>
        %le3A_1183 = arith.cmpf ole, %sub3A_1180, %le3A_1182 : vector<16xf32>
        %masked_cumsum3A_1184 = tpu.scan <sum>, %broadcast_in_dim3A_83 masked %le3A_1183 : vector<16xi32>, vector<16xi1> -> vector<16xi32>
        %all_reduce_population_count3A_1185 = tpu.all_reduce %le3A_1183 {dim = 0 : i64, kind = #tpu.reduction_kind<sum>} : vector<16xi1> -> vector<16xi32>
        %add3A_1186 = arith.constant 496 : i32
        %add3A_1187 = arith.addi %mul3A_225, %add3A_1186 : i32
        %get3A_1188 = arith.index_cast %add3A_1187 : i32 to index
        %get3A_1189 = tpu.vector_load %arg5[%get3A_1188] {strides = array<i32>} : memref<8192xf32, #tpu.memory_space<vmem>>, vector<16xf32>,
        %bitcast3A_1190 = vector.bitcast %get3A_1189 : vector<16xf32> to vector<16xi32>
        %and3A_1191 = arith.constant -65536 : i32
        %and3A_1192 = vector.broadcast %and3A_1191 : i32 to vector<16xi32>
        %and3A_1193 = arith.andi %bitcast3A_1190, %and3A_1192 : vector<16xi32>
        %bitcast3A_1194 = vector.bitcast %and3A_1193 : vector<16xi32> to vector<16xf32>
        %shift_left3A_1195 = arith.constant 16 : i32
        %shift_left3A_1196 = vector.broadcast %shift_left3A_1195 : i32 to vector<16xi32>
        %shift_left3A_1197 = arith.shli %bitcast3A_1190, %shift_left3A_1196 : vector<16xi32>
        %bitcast3A_1198 = vector.bitcast %shift_left3A_1197 : vector<16xi32> to vector<16xf32>
        %get3A_1199 = arith.index_cast %add3A_1187 : i32 to index
        %get3A_1200 = tpu.vector_load %arg6[%get3A_1199] {strides = array<i32>} : memref<8192xf32, #tpu.memory_space<vmem>>, vector<16xf32>,
        %get3A_1201 = arith.index_cast %add3A_1187 : i32 to index
        %get3A_1202 = tpu.vector_load %arg7[%get3A_1201] {strides = array<i32>} : memref<8192xf32, #tpu.memory_space<vmem>>, vector<16xf32>,
        %mul3A_1203 = arith.mulf %bitcast3A_118, %bitcast3A_1194 : vector<16xf32>
        %mul3A_1204 = arith.mulf %bitcast3A_133, %bitcast3A_1198 : vector<16xf32>
        %add3A_1205 = arith.addf %mul3A_1203, %mul3A_1204 : vector<16xf32>
        %mul3A_1206 = arith.mulf %bitcast3A_148, %get3A_1200 : vector<16xf32>
        %add3A_1207 = arith.addf %add3A_1205, %mul3A_1206 : vector<16xf32>
        %add3A_1208 = arith.addf %add3A_105, %get3A_1202 : vector<16xf32>
        %sub3A_1209 = arith.subf %add3A_1208, %add3A_1207 : vector<16xf32>
        %le3A_1210 = arith.constant 4.000000e-02 : f32
        %le3A_1211 = vector.broadcast %le3A_1210 : f32 to vector<16xf32>
        %le3A_1212 = arith.cmpf ole, %sub3A_1209, %le3A_1211 : vector<16xf32>
        %masked_cumsum3A_1213 = tpu.scan <sum>, %broadcast_in_dim3A_83 masked %le3A_1212 : vector<16xi32>, vector<16xi1> -> vector<16xi32>
        %all_reduce_population_count3A_1214 = tpu.all_reduce %le3A_1212 {dim = 0 : i64, kind = #tpu.reduction_kind<sum>} : vector<16xi1> -> vector<16xi32>
        %add3A_1215 = arith.addi %add3A_982, %masked_cumsum3A_746 : vector<16xi32>
        %add3A_1216 = vector.broadcast %add3A_720 : i32 to vector<16xi32>
        %add3A_1217 = arith.addi %iota3A, %add3A_1216 : vector<16xi32>
        tpu.vector_store_idx %arg11[%add3A_1215], %add3A_1217 masked %le3A_745 : memref<1088xi32, #tpu.memory_space<vmem>>[vector<16xi32>], vector<16xi32>, vector<16xi1>
        %add3A_1218 = arith.addi %add3A_982, %all_reduce_population_count3A_747 : vector<16xi32>
        %add3A_1219 = arith.addi %add3A_1218, %masked_cumsum3A_775 : vector<16xi32>
        %add3A_1220 = vector.broadcast %add3A_749 : i32 to vector<16xi32>
        %add3A_1221 = arith.addi %iota3A, %add3A_1220 : vector<16xi32>
        tpu.vector_store_idx %arg11[%add3A_1219], %add3A_1221 masked %le3A_774 : memref<1088xi32, #tpu.memory_space<vmem>>[vector<16xi32>], vector<16xi32>, vector<16xi1>
        %add3A_1222 = arith.addi %add3A_1218, %all_reduce_population_count3A_776 : vector<16xi32>
        %add3A_1223 = arith.addi %add3A_1222, %masked_cumsum3A_804 : vector<16xi32>
        %add3A_1224 = vector.broadcast %add3A_778 : i32 to vector<16xi32>
        %add3A_1225 = arith.addi %iota3A, %add3A_1224 : vector<16xi32>
        tpu.vector_store_idx %arg11[%add3A_1223], %add3A_1225 masked %le3A_803 : memref<1088xi32, #tpu.memory_space<vmem>>[vector<16xi32>], vector<16xi32>, vector<16xi1>
        %add3A_1226 = arith.addi %add3A_1222, %all_reduce_population_count3A_805 : vector<16xi32>
        %add3A_1227 = arith.addi %add3A_1226, %masked_cumsum3A_833 : vector<16xi32>
        %add3A_1228 = vector.broadcast %add3A_807 : i32 to vector<16xi32>
        %add3A_1229 = arith.addi %iota3A, %add3A_1228 : vector<16xi32>
        tpu.vector_store_idx %arg11[%add3A_1227], %add3A_1229 masked %le3A_832 : memref<1088xi32, #tpu.memory_space<vmem>>[vector<16xi32>], vector<16xi32>, vector<16xi1>
        %add3A_1230 = arith.addi %add3A_1226, %all_reduce_population_count3A_834 : vector<16xi32>
        %add3A_1231 = arith.addi %add3A_1230, %masked_cumsum3A_862 : vector<16xi32>
        %add3A_1232 = vector.broadcast %add3A_836 : i32 to vector<16xi32>
        %add3A_1233 = arith.addi %iota3A, %add3A_1232 : vector<16xi32>
        tpu.vector_store_idx %arg11[%add3A_1231], %add3A_1233 masked %le3A_861 : memref<1088xi32, #tpu.memory_space<vmem>>[vector<16xi32>], vector<16xi32>, vector<16xi1>
        %add3A_1234 = arith.addi %add3A_1230, %all_reduce_population_count3A_863 : vector<16xi32>
        %add3A_1235 = arith.addi %add3A_1234, %masked_cumsum3A_891 : vector<16xi32>
        %add3A_1236 = vector.broadcast %add3A_865 : i32 to vector<16xi32>
        %add3A_1237 = arith.addi %iota3A, %add3A_1236 : vector<16xi32>
        tpu.vector_store_idx %arg11[%add3A_1235], %add3A_1237 masked %le3A_890 : memref<1088xi32, #tpu.memory_space<vmem>>[vector<16xi32>], vector<16xi32>, vector<16xi1>
        %add3A_1238 = arith.addi %add3A_1234, %all_reduce_population_count3A_892 : vector<16xi32>
        %add3A_1239 = arith.addi %add3A_1238, %masked_cumsum3A_920 : vector<16xi32>
        %add3A_1240 = vector.broadcast %add3A_894 : i32 to vector<16xi32>
        %add3A_1241 = arith.addi %iota3A, %add3A_1240 : vector<16xi32>
        tpu.vector_store_idx %arg11[%add3A_1239], %add3A_1241 masked %le3A_919 : memref<1088xi32, #tpu.memory_space<vmem>>[vector<16xi32>], vector<16xi32>, vector<16xi1>
        %add3A_1242 = arith.addi %add3A_1238, %all_reduce_population_count3A_921 : vector<16xi32>
        %add3A_1243 = arith.addi %add3A_1242, %masked_cumsum3A_949 : vector<16xi32>
        %add3A_1244 = vector.broadcast %add3A_923 : i32 to vector<16xi32>
        %add3A_1245 = arith.addi %iota3A, %add3A_1244 : vector<16xi32>
        tpu.vector_store_idx %arg11[%add3A_1243], %add3A_1245 masked %le3A_948 : memref<1088xi32, #tpu.memory_space<vmem>>[vector<16xi32>], vector<16xi32>, vector<16xi1>
        %add3A_1246 = arith.addi %add3A_1242, %all_reduce_population_count3A_950 : vector<16xi32>
        %add3A_1247 = arith.constant 512 : i32
        %add3A_1248 = arith.addi %mul3A_225, %add3A_1247 : i32
        %get3A_1249 = arith.index_cast %add3A_1248 : i32 to index
        %get3A_1250 = tpu.vector_load %arg5[%get3A_1249] {strides = array<i32>} : memref<8192xf32, #tpu.memory_space<vmem>>, vector<16xf32>,
        %bitcast3A_1251 = vector.bitcast %get3A_1250 : vector<16xf32> to vector<16xi32>
        %and3A_1252 = arith.constant -65536 : i32
        %and3A_1253 = vector.broadcast %and3A_1252 : i32 to vector<16xi32>
        %and3A_1254 = arith.andi %bitcast3A_1251, %and3A_1253 : vector<16xi32>
        %bitcast3A_1255 = vector.bitcast %and3A_1254 : vector<16xi32> to vector<16xf32>
        %shift_left3A_1256 = arith.constant 16 : i32
        %shift_left3A_1257 = vector.broadcast %shift_left3A_1256 : i32 to vector<16xi32>
        %shift_left3A_1258 = arith.shli %bitcast3A_1251, %shift_left3A_1257 : vector<16xi32>
        %bitcast3A_1259 = vector.bitcast %shift_left3A_1258 : vector<16xi32> to vector<16xf32>
        %get3A_1260 = arith.index_cast %add3A_1248 : i32 to index
        %get3A_1261 = tpu.vector_load %arg6[%get3A_1260] {strides = array<i32>} : memref<8192xf32, #tpu.memory_space<vmem>>, vector<16xf32>,
        %get3A_1262 = arith.index_cast %add3A_1248 : i32 to index
        %get3A_1263 = tpu.vector_load %arg7[%get3A_1262] {strides = array<i32>} : memref<8192xf32, #tpu.memory_space<vmem>>, vector<16xf32>,
        %mul3A_1264 = arith.mulf %bitcast3A_118, %bitcast3A_1255 : vector<16xf32>
        %mul3A_1265 = arith.mulf %bitcast3A_133, %bitcast3A_1259 : vector<16xf32>
        %add3A_1266 = arith.addf %mul3A_1264, %mul3A_1265 : vector<16xf32>
        %mul3A_1267 = arith.mulf %bitcast3A_148, %get3A_1261 : vector<16xf32>
        %add3A_1268 = arith.addf %add3A_1266, %mul3A_1267 : vector<16xf32>
        %add3A_1269 = arith.addf %add3A_105, %get3A_1263 : vector<16xf32>
        %sub3A_1270 = arith.subf %add3A_1269, %add3A_1268 : vector<16xf32>
        %le3A_1271 = arith.constant 4.000000e-02 : f32
        %le3A_1272 = vector.broadcast %le3A_1271 : f32 to vector<16xf32>
        %le3A_1273 = arith.cmpf ole, %sub3A_1270, %le3A_1272 : vector<16xf32>
        %masked_cumsum3A_1274 = tpu.scan <sum>, %broadcast_in_dim3A_83 masked %le3A_1273 : vector<16xi32>, vector<16xi1> -> vector<16xi32>
        %all_reduce_population_count3A_1275 = tpu.all_reduce %le3A_1273 {dim = 0 : i64, kind = #tpu.reduction_kind<sum>} : vector<16xi1> -> vector<16xi32>
        %add3A_1276 = arith.constant 528 : i32
        %add3A_1277 = arith.addi %mul3A_225, %add3A_1276 : i32
        %get3A_1278 = arith.index_cast %add3A_1277 : i32 to index
        %get3A_1279 = tpu.vector_load %arg5[%get3A_1278] {strides = array<i32>} : memref<8192xf32, #tpu.memory_space<vmem>>, vector<16xf32>,
        %bitcast3A_1280 = vector.bitcast %get3A_1279 : vector<16xf32> to vector<16xi32>
        %and3A_1281 = arith.constant -65536 : i32
        %and3A_1282 = vector.broadcast %and3A_1281 : i32 to vector<16xi32>
        %and3A_1283 = arith.andi %bitcast3A_1280, %and3A_1282 : vector<16xi32>
        %bitcast3A_1284 = vector.bitcast %and3A_1283 : vector<16xi32> to vector<16xf32>
        %shift_left3A_1285 = arith.constant 16 : i32
        %shift_left3A_1286 = vector.broadcast %shift_left3A_1285 : i32 to vector<16xi32>
        %shift_left3A_1287 = arith.shli %bitcast3A_1280, %shift_left3A_1286 : vector<16xi32>
        %bitcast3A_1288 = vector.bitcast %shift_left3A_1287 : vector<16xi32> to vector<16xf32>
        %get3A_1289 = arith.index_cast %add3A_1277 : i32 to index
        %get3A_1290 = tpu.vector_load %arg6[%get3A_1289] {strides = array<i32>} : memref<8192xf32, #tpu.memory_space<vmem>>, vector<16xf32>,
        %get3A_1291 = arith.index_cast %add3A_1277 : i32 to index
        %get3A_1292 = tpu.vector_load %arg7[%get3A_1291] {strides = array<i32>} : memref<8192xf32, #tpu.memory_space<vmem>>, vector<16xf32>,
        %mul3A_1293 = arith.mulf %bitcast3A_118, %bitcast3A_1284 : vector<16xf32>
        %mul3A_1294 = arith.mulf %bitcast3A_133, %bitcast3A_1288 : vector<16xf32>
        %add3A_1295 = arith.addf %mul3A_1293, %mul3A_1294 : vector<16xf32>
        %mul3A_1296 = arith.mulf %bitcast3A_148, %get3A_1290 : vector<16xf32>
        %add3A_1297 = arith.addf %add3A_1295, %mul3A_1296 : vector<16xf32>
        %add3A_1298 = arith.addf %add3A_105, %get3A_1292 : vector<16xf32>
        %sub3A_1299 = arith.subf %add3A_1298, %add3A_1297 : vector<16xf32>
        %le3A_1300 = arith.constant 4.000000e-02 : f32
        %le3A_1301 = vector.broadcast %le3A_1300 : f32 to vector<16xf32>
        %le3A_1302 = arith.cmpf ole, %sub3A_1299, %le3A_1301 : vector<16xf32>
        %masked_cumsum3A_1303 = tpu.scan <sum>, %broadcast_in_dim3A_83 masked %le3A_1302 : vector<16xi32>, vector<16xi1> -> vector<16xi32>
        %all_reduce_population_count3A_1304 = tpu.all_reduce %le3A_1302 {dim = 0 : i64, kind = #tpu.reduction_kind<sum>} : vector<16xi1> -> vector<16xi32>
        %add3A_1305 = arith.constant 544 : i32
        %add3A_1306 = arith.addi %mul3A_225, %add3A_1305 : i32
        %get3A_1307 = arith.index_cast %add3A_1306 : i32 to index
        %get3A_1308 = tpu.vector_load %arg5[%get3A_1307] {strides = array<i32>} : memref<8192xf32, #tpu.memory_space<vmem>>, vector<16xf32>,
        %bitcast3A_1309 = vector.bitcast %get3A_1308 : vector<16xf32> to vector<16xi32>
        %and3A_1310 = arith.constant -65536 : i32
        %and3A_1311 = vector.broadcast %and3A_1310 : i32 to vector<16xi32>
        %and3A_1312 = arith.andi %bitcast3A_1309, %and3A_1311 : vector<16xi32>
        %bitcast3A_1313 = vector.bitcast %and3A_1312 : vector<16xi32> to vector<16xf32>
        %shift_left3A_1314 = arith.constant 16 : i32
        %shift_left3A_1315 = vector.broadcast %shift_left3A_1314 : i32 to vector<16xi32>
        %shift_left3A_1316 = arith.shli %bitcast3A_1309, %shift_left3A_1315 : vector<16xi32>
        %bitcast3A_1317 = vector.bitcast %shift_left3A_1316 : vector<16xi32> to vector<16xf32>
        %get3A_1318 = arith.index_cast %add3A_1306 : i32 to index
        %get3A_1319 = tpu.vector_load %arg6[%get3A_1318] {strides = array<i32>} : memref<8192xf32, #tpu.memory_space<vmem>>, vector<16xf32>,
        %get3A_1320 = arith.index_cast %add3A_1306 : i32 to index
        %get3A_1321 = tpu.vector_load %arg7[%get3A_1320] {strides = array<i32>} : memref<8192xf32, #tpu.memory_space<vmem>>, vector<16xf32>,
        %mul3A_1322 = arith.mulf %bitcast3A_118, %bitcast3A_1313 : vector<16xf32>
        %mul3A_1323 = arith.mulf %bitcast3A_133, %bitcast3A_1317 : vector<16xf32>
        %add3A_1324 = arith.addf %mul3A_1322, %mul3A_1323 : vector<16xf32>
        %mul3A_1325 = arith.mulf %bitcast3A_148, %get3A_1319 : vector<16xf32>
        %add3A_1326 = arith.addf %add3A_1324, %mul3A_1325 : vector<16xf32>
        %add3A_1327 = arith.addf %add3A_105, %get3A_1321 : vector<16xf32>
        %sub3A_1328 = arith.subf %add3A_1327, %add3A_1326 : vector<16xf32>
        %le3A_1329 = arith.constant 4.000000e-02 : f32
        %le3A_1330 = vector.broadcast %le3A_1329 : f32 to vector<16xf32>
        %le3A_1331 = arith.cmpf ole, %sub3A_1328, %le3A_1330 : vector<16xf32>
        %masked_cumsum3A_1332 = tpu.scan <sum>, %broadcast_in_dim3A_83 masked %le3A_1331 : vector<16xi32>, vector<16xi1> -> vector<16xi32>
        %all_reduce_population_count3A_1333 = tpu.all_reduce %le3A_1331 {dim = 0 : i64, kind = #tpu.reduction_kind<sum>} : vector<16xi1> -> vector<16xi32>
        %add3A_1334 = arith.constant 560 : i32
        %add3A_1335 = arith.addi %mul3A_225, %add3A_1334 : i32
        %get3A_1336 = arith.index_cast %add3A_1335 : i32 to index
        %get3A_1337 = tpu.vector_load %arg5[%get3A_1336] {strides = array<i32>} : memref<8192xf32, #tpu.memory_space<vmem>>, vector<16xf32>,
        %bitcast3A_1338 = vector.bitcast %get3A_1337 : vector<16xf32> to vector<16xi32>
        %and3A_1339 = arith.constant -65536 : i32
        %and3A_1340 = vector.broadcast %and3A_1339 : i32 to vector<16xi32>
        %and3A_1341 = arith.andi %bitcast3A_1338, %and3A_1340 : vector<16xi32>
        %bitcast3A_1342 = vector.bitcast %and3A_1341 : vector<16xi32> to vector<16xf32>
        %shift_left3A_1343 = arith.constant 16 : i32
        %shift_left3A_1344 = vector.broadcast %shift_left3A_1343 : i32 to vector<16xi32>
        %shift_left3A_1345 = arith.shli %bitcast3A_1338, %shift_left3A_1344 : vector<16xi32>
        %bitcast3A_1346 = vector.bitcast %shift_left3A_1345 : vector<16xi32> to vector<16xf32>
        %get3A_1347 = arith.index_cast %add3A_1335 : i32 to index
        %get3A_1348 = tpu.vector_load %arg6[%get3A_1347] {strides = array<i32>} : memref<8192xf32, #tpu.memory_space<vmem>>, vector<16xf32>,
        %get3A_1349 = arith.index_cast %add3A_1335 : i32 to index
        %get3A_1350 = tpu.vector_load %arg7[%get3A_1349] {strides = array<i32>} : memref<8192xf32, #tpu.memory_space<vmem>>, vector<16xf32>,
        %mul3A_1351 = arith.mulf %bitcast3A_118, %bitcast3A_1342 : vector<16xf32>
        %mul3A_1352 = arith.mulf %bitcast3A_133, %bitcast3A_1346 : vector<16xf32>
        %add3A_1353 = arith.addf %mul3A_1351, %mul3A_1352 : vector<16xf32>
        %mul3A_1354 = arith.mulf %bitcast3A_148, %get3A_1348 : vector<16xf32>
        %add3A_1355 = arith.addf %add3A_1353, %mul3A_1354 : vector<16xf32>
        %add3A_1356 = arith.addf %add3A_105, %get3A_1350 : vector<16xf32>
        %sub3A_1357 = arith.subf %add3A_1356, %add3A_1355 : vector<16xf32>
        %le3A_1358 = arith.constant 4.000000e-02 : f32
        %le3A_1359 = vector.broadcast %le3A_1358 : f32 to vector<16xf32>
        %le3A_1360 = arith.cmpf ole, %sub3A_1357, %le3A_1359 : vector<16xf32>
        %masked_cumsum3A_1361 = tpu.scan <sum>, %broadcast_in_dim3A_83 masked %le3A_1360 : vector<16xi32>, vector<16xi1> -> vector<16xi32>
        %all_reduce_population_count3A_1362 = tpu.all_reduce %le3A_1360 {dim = 0 : i64, kind = #tpu.reduction_kind<sum>} : vector<16xi1> -> vector<16xi32>
        %add3A_1363 = arith.constant 576 : i32
        %add3A_1364 = arith.addi %mul3A_225, %add3A_1363 : i32
        %get3A_1365 = arith.index_cast %add3A_1364 : i32 to index
        %get3A_1366 = tpu.vector_load %arg5[%get3A_1365] {strides = array<i32>} : memref<8192xf32, #tpu.memory_space<vmem>>, vector<16xf32>,
        %bitcast3A_1367 = vector.bitcast %get3A_1366 : vector<16xf32> to vector<16xi32>
        %and3A_1368 = arith.constant -65536 : i32
        %and3A_1369 = vector.broadcast %and3A_1368 : i32 to vector<16xi32>
        %and3A_1370 = arith.andi %bitcast3A_1367, %and3A_1369 : vector<16xi32>
        %bitcast3A_1371 = vector.bitcast %and3A_1370 : vector<16xi32> to vector<16xf32>
        %shift_left3A_1372 = arith.constant 16 : i32
        %shift_left3A_1373 = vector.broadcast %shift_left3A_1372 : i32 to vector<16xi32>
        %shift_left3A_1374 = arith.shli %bitcast3A_1367, %shift_left3A_1373 : vector<16xi32>
        %bitcast3A_1375 = vector.bitcast %shift_left3A_1374 : vector<16xi32> to vector<16xf32>
        %get3A_1376 = arith.index_cast %add3A_1364 : i32 to index
        %get3A_1377 = tpu.vector_load %arg6[%get3A_1376] {strides = array<i32>} : memref<8192xf32, #tpu.memory_space<vmem>>, vector<16xf32>,
        %get3A_1378 = arith.index_cast %add3A_1364 : i32 to index
        %get3A_1379 = tpu.vector_load %arg7[%get3A_1378] {strides = array<i32>} : memref<8192xf32, #tpu.memory_space<vmem>>, vector<16xf32>,
        %mul3A_1380 = arith.mulf %bitcast3A_118, %bitcast3A_1371 : vector<16xf32>
        %mul3A_1381 = arith.mulf %bitcast3A_133, %bitcast3A_1375 : vector<16xf32>
        %add3A_1382 = arith.addf %mul3A_1380, %mul3A_1381 : vector<16xf32>
        %mul3A_1383 = arith.mulf %bitcast3A_148, %get3A_1377 : vector<16xf32>
        %add3A_1384 = arith.addf %add3A_1382, %mul3A_1383 : vector<16xf32>
        %add3A_1385 = arith.addf %add3A_105, %get3A_1379 : vector<16xf32>
        %sub3A_1386 = arith.subf %add3A_1385, %add3A_1384 : vector<16xf32>
        %le3A_1387 = arith.constant 4.000000e-02 : f32
        %le3A_1388 = vector.broadcast %le3A_1387 : f32 to vector<16xf32>
        %le3A_1389 = arith.cmpf ole, %sub3A_1386, %le3A_1388 : vector<16xf32>
        %masked_cumsum3A_1390 = tpu.scan <sum>, %broadcast_in_dim3A_83 masked %le3A_1389 : vector<16xi32>, vector<16xi1> -> vector<16xi32>
        %all_reduce_population_count3A_1391 = tpu.all_reduce %le3A_1389 {dim = 0 : i64, kind = #tpu.reduction_kind<sum>} : vector<16xi1> -> vector<16xi32>
        %add3A_1392 = arith.constant 592 : i32
        %add3A_1393 = arith.addi %mul3A_225, %add3A_1392 : i32
        %get3A_1394 = arith.index_cast %add3A_1393 : i32 to index
        %get3A_1395 = tpu.vector_load %arg5[%get3A_1394] {strides = array<i32>} : memref<8192xf32, #tpu.memory_space<vmem>>, vector<16xf32>,
        %bitcast3A_1396 = vector.bitcast %get3A_1395 : vector<16xf32> to vector<16xi32>
        %and3A_1397 = arith.constant -65536 : i32
        %and3A_1398 = vector.broadcast %and3A_1397 : i32 to vector<16xi32>
        %and3A_1399 = arith.andi %bitcast3A_1396, %and3A_1398 : vector<16xi32>
        %bitcast3A_1400 = vector.bitcast %and3A_1399 : vector<16xi32> to vector<16xf32>
        %shift_left3A_1401 = arith.constant 16 : i32
        %shift_left3A_1402 = vector.broadcast %shift_left3A_1401 : i32 to vector<16xi32>
        %shift_left3A_1403 = arith.shli %bitcast3A_1396, %shift_left3A_1402 : vector<16xi32>
        %bitcast3A_1404 = vector.bitcast %shift_left3A_1403 : vector<16xi32> to vector<16xf32>
        %get3A_1405 = arith.index_cast %add3A_1393 : i32 to index
        %get3A_1406 = tpu.vector_load %arg6[%get3A_1405] {strides = array<i32>} : memref<8192xf32, #tpu.memory_space<vmem>>, vector<16xf32>,
        %get3A_1407 = arith.index_cast %add3A_1393 : i32 to index
        %get3A_1408 = tpu.vector_load %arg7[%get3A_1407] {strides = array<i32>} : memref<8192xf32, #tpu.memory_space<vmem>>, vector<16xf32>,
        %mul3A_1409 = arith.mulf %bitcast3A_118, %bitcast3A_1400 : vector<16xf32>
        %mul3A_1410 = arith.mulf %bitcast3A_133, %bitcast3A_1404 : vector<16xf32>
        %add3A_1411 = arith.addf %mul3A_1409, %mul3A_1410 : vector<16xf32>
        %mul3A_1412 = arith.mulf %bitcast3A_148, %get3A_1406 : vector<16xf32>
        %add3A_1413 = arith.addf %add3A_1411, %mul3A_1412 : vector<16xf32>
        %add3A_1414 = arith.addf %add3A_105, %get3A_1408 : vector<16xf32>
        %sub3A_1415 = arith.subf %add3A_1414, %add3A_1413 : vector<16xf32>
        %le3A_1416 = arith.constant 4.000000e-02 : f32
        %le3A_1417 = vector.broadcast %le3A_1416 : f32 to vector<16xf32>
        %le3A_1418 = arith.cmpf ole, %sub3A_1415, %le3A_1417 : vector<16xf32>
        %masked_cumsum3A_1419 = tpu.scan <sum>, %broadcast_in_dim3A_83 masked %le3A_1418 : vector<16xi32>, vector<16xi1> -> vector<16xi32>
        %all_reduce_population_count3A_1420 = tpu.all_reduce %le3A_1418 {dim = 0 : i64, kind = #tpu.reduction_kind<sum>} : vector<16xi1> -> vector<16xi32>
        %add3A_1421 = arith.constant 608 : i32
        %add3A_1422 = arith.addi %mul3A_225, %add3A_1421 : i32
        %get3A_1423 = arith.index_cast %add3A_1422 : i32 to index
        %get3A_1424 = tpu.vector_load %arg5[%get3A_1423] {strides = array<i32>} : memref<8192xf32, #tpu.memory_space<vmem>>, vector<16xf32>,
        %bitcast3A_1425 = vector.bitcast %get3A_1424 : vector<16xf32> to vector<16xi32>
        %and3A_1426 = arith.constant -65536 : i32
        %and3A_1427 = vector.broadcast %and3A_1426 : i32 to vector<16xi32>
        %and3A_1428 = arith.andi %bitcast3A_1425, %and3A_1427 : vector<16xi32>
        %bitcast3A_1429 = vector.bitcast %and3A_1428 : vector<16xi32> to vector<16xf32>
        %shift_left3A_1430 = arith.constant 16 : i32
        %shift_left3A_1431 = vector.broadcast %shift_left3A_1430 : i32 to vector<16xi32>
        %shift_left3A_1432 = arith.shli %bitcast3A_1425, %shift_left3A_1431 : vector<16xi32>
        %bitcast3A_1433 = vector.bitcast %shift_left3A_1432 : vector<16xi32> to vector<16xf32>
        %get3A_1434 = arith.index_cast %add3A_1422 : i32 to index
        %get3A_1435 = tpu.vector_load %arg6[%get3A_1434] {strides = array<i32>} : memref<8192xf32, #tpu.memory_space<vmem>>, vector<16xf32>,
        %get3A_1436 = arith.index_cast %add3A_1422 : i32 to index
        %get3A_1437 = tpu.vector_load %arg7[%get3A_1436] {strides = array<i32>} : memref<8192xf32, #tpu.memory_space<vmem>>, vector<16xf32>,
        %mul3A_1438 = arith.mulf %bitcast3A_118, %bitcast3A_1429 : vector<16xf32>
        %mul3A_1439 = arith.mulf %bitcast3A_133, %bitcast3A_1433 : vector<16xf32>
        %add3A_1440 = arith.addf %mul3A_1438, %mul3A_1439 : vector<16xf32>
        %mul3A_1441 = arith.mulf %bitcast3A_148, %get3A_1435 : vector<16xf32>
        %add3A_1442 = arith.addf %add3A_1440, %mul3A_1441 : vector<16xf32>
        %add3A_1443 = arith.addf %add3A_105, %get3A_1437 : vector<16xf32>
        %sub3A_1444 = arith.subf %add3A_1443, %add3A_1442 : vector<16xf32>
        %le3A_1445 = arith.constant 4.000000e-02 : f32
        %le3A_1446 = vector.broadcast %le3A_1445 : f32 to vector<16xf32>
        %le3A_1447 = arith.cmpf ole, %sub3A_1444, %le3A_1446 : vector<16xf32>
        %masked_cumsum3A_1448 = tpu.scan <sum>, %broadcast_in_dim3A_83 masked %le3A_1447 : vector<16xi32>, vector<16xi1> -> vector<16xi32>
        %all_reduce_population_count3A_1449 = tpu.all_reduce %le3A_1447 {dim = 0 : i64, kind = #tpu.reduction_kind<sum>} : vector<16xi1> -> vector<16xi32>
        %add3A_1450 = arith.constant 624 : i32
        %add3A_1451 = arith.addi %mul3A_225, %add3A_1450 : i32
        %get3A_1452 = arith.index_cast %add3A_1451 : i32 to index
        %get3A_1453 = tpu.vector_load %arg5[%get3A_1452] {strides = array<i32>} : memref<8192xf32, #tpu.memory_space<vmem>>, vector<16xf32>,
        %bitcast3A_1454 = vector.bitcast %get3A_1453 : vector<16xf32> to vector<16xi32>
        %and3A_1455 = arith.constant -65536 : i32
        %and3A_1456 = vector.broadcast %and3A_1455 : i32 to vector<16xi32>
        %and3A_1457 = arith.andi %bitcast3A_1454, %and3A_1456 : vector<16xi32>
        %bitcast3A_1458 = vector.bitcast %and3A_1457 : vector<16xi32> to vector<16xf32>
        %shift_left3A_1459 = arith.constant 16 : i32
        %shift_left3A_1460 = vector.broadcast %shift_left3A_1459 : i32 to vector<16xi32>
        %shift_left3A_1461 = arith.shli %bitcast3A_1454, %shift_left3A_1460 : vector<16xi32>
        %bitcast3A_1462 = vector.bitcast %shift_left3A_1461 : vector<16xi32> to vector<16xf32>
        %get3A_1463 = arith.index_cast %add3A_1451 : i32 to index
        %get3A_1464 = tpu.vector_load %arg6[%get3A_1463] {strides = array<i32>} : memref<8192xf32, #tpu.memory_space<vmem>>, vector<16xf32>,
        %get3A_1465 = arith.index_cast %add3A_1451 : i32 to index
        %get3A_1466 = tpu.vector_load %arg7[%get3A_1465] {strides = array<i32>} : memref<8192xf32, #tpu.memory_space<vmem>>, vector<16xf32>,
        %mul3A_1467 = arith.mulf %bitcast3A_118, %bitcast3A_1458 : vector<16xf32>
        %mul3A_1468 = arith.mulf %bitcast3A_133, %bitcast3A_1462 : vector<16xf32>
        %add3A_1469 = arith.addf %mul3A_1467, %mul3A_1468 : vector<16xf32>
        %mul3A_1470 = arith.mulf %bitcast3A_148, %get3A_1464 : vector<16xf32>
        %add3A_1471 = arith.addf %add3A_1469, %mul3A_1470 : vector<16xf32>
        %add3A_1472 = arith.addf %add3A_105, %get3A_1466 : vector<16xf32>
        %sub3A_1473 = arith.subf %add3A_1472, %add3A_1471 : vector<16xf32>
        %le3A_1474 = arith.constant 4.000000e-02 : f32
        %le3A_1475 = vector.broadcast %le3A_1474 : f32 to vector<16xf32>
        %le3A_1476 = arith.cmpf ole, %sub3A_1473, %le3A_1475 : vector<16xf32>
        %masked_cumsum3A_1477 = tpu.scan <sum>, %broadcast_in_dim3A_83 masked %le3A_1476 : vector<16xi32>, vector<16xi1> -> vector<16xi32>
        %all_reduce_population_count3A_1478 = tpu.all_reduce %le3A_1476 {dim = 0 : i64, kind = #tpu.reduction_kind<sum>} : vector<16xi1> -> vector<16xi32>
        %add3A_1479 = arith.addi %add3A_1246, %masked_cumsum3A_1010 : vector<16xi32>
        %add3A_1480 = vector.broadcast %add3A_984 : i32 to vector<16xi32>
        %add3A_1481 = arith.addi %iota3A, %add3A_1480 : vector<16xi32>
        tpu.vector_store_idx %arg11[%add3A_1479], %add3A_1481 masked %le3A_1009 : memref<1088xi32, #tpu.memory_space<vmem>>[vector<16xi32>], vector<16xi32>, vector<16xi1>
        %add3A_1482 = arith.addi %add3A_1246, %all_reduce_population_count3A_1011 : vector<16xi32>
        %add3A_1483 = arith.addi %add3A_1482, %masked_cumsum3A_1039 : vector<16xi32>
        %add3A_1484 = vector.broadcast %add3A_1013 : i32 to vector<16xi32>
        %add3A_1485 = arith.addi %iota3A, %add3A_1484 : vector<16xi32>
        tpu.vector_store_idx %arg11[%add3A_1483], %add3A_1485 masked %le3A_1038 : memref<1088xi32, #tpu.memory_space<vmem>>[vector<16xi32>], vector<16xi32>, vector<16xi1>
        %add3A_1486 = arith.addi %add3A_1482, %all_reduce_population_count3A_1040 : vector<16xi32>
        %add3A_1487 = arith.addi %add3A_1486, %masked_cumsum3A_1068 : vector<16xi32>
        %add3A_1488 = vector.broadcast %add3A_1042 : i32 to vector<16xi32>
        %add3A_1489 = arith.addi %iota3A, %add3A_1488 : vector<16xi32>
        tpu.vector_store_idx %arg11[%add3A_1487], %add3A_1489 masked %le3A_1067 : memref<1088xi32, #tpu.memory_space<vmem>>[vector<16xi32>], vector<16xi32>, vector<16xi1>
        %add3A_1490 = arith.addi %add3A_1486, %all_reduce_population_count3A_1069 : vector<16xi32>
        %add3A_1491 = arith.addi %add3A_1490, %masked_cumsum3A_1097 : vector<16xi32>
        %add3A_1492 = vector.broadcast %add3A_1071 : i32 to vector<16xi32>
        %add3A_1493 = arith.addi %iota3A, %add3A_1492 : vector<16xi32>
        tpu.vector_store_idx %arg11[%add3A_1491], %add3A_1493 masked %le3A_1096 : memref<1088xi32, #tpu.memory_space<vmem>>[vector<16xi32>], vector<16xi32>, vector<16xi1>
        %add3A_1494 = arith.addi %add3A_1490, %all_reduce_population_count3A_1098 : vector<16xi32>
        %add3A_1495 = arith.addi %add3A_1494, %masked_cumsum3A_1126 : vector<16xi32>
        %add3A_1496 = vector.broadcast %add3A_1100 : i32 to vector<16xi32>
        %add3A_1497 = arith.addi %iota3A, %add3A_1496 : vector<16xi32>
        tpu.vector_store_idx %arg11[%add3A_1495], %add3A_1497 masked %le3A_1125 : memref<1088xi32, #tpu.memory_space<vmem>>[vector<16xi32>], vector<16xi32>, vector<16xi1>
        %add3A_1498 = arith.addi %add3A_1494, %all_reduce_population_count3A_1127 : vector<16xi32>
        %add3A_1499 = arith.addi %add3A_1498, %masked_cumsum3A_1155 : vector<16xi32>
        %add3A_1500 = vector.broadcast %add3A_1129 : i32 to vector<16xi32>
        %add3A_1501 = arith.addi %iota3A, %add3A_1500 : vector<16xi32>
        tpu.vector_store_idx %arg11[%add3A_1499], %add3A_1501 masked %le3A_1154 : memref<1088xi32, #tpu.memory_space<vmem>>[vector<16xi32>], vector<16xi32>, vector<16xi1>
        %add3A_1502 = arith.addi %add3A_1498, %all_reduce_population_count3A_1156 : vector<16xi32>
        %add3A_1503 = arith.addi %add3A_1502, %masked_cumsum3A_1184 : vector<16xi32>
        %add3A_1504 = vector.broadcast %add3A_1158 : i32 to vector<16xi32>
        %add3A_1505 = arith.addi %iota3A, %add3A_1504 : vector<16xi32>
        tpu.vector_store_idx %arg11[%add3A_1503], %add3A_1505 masked %le3A_1183 : memref<1088xi32, #tpu.memory_space<vmem>>[vector<16xi32>], vector<16xi32>, vector<16xi1>
        %add3A_1506 = arith.addi %add3A_1502, %all_reduce_population_count3A_1185 : vector<16xi32>
        %add3A_1507 = arith.addi %add3A_1506, %masked_cumsum3A_1213 : vector<16xi32>
        %add3A_1508 = vector.broadcast %add3A_1187 : i32 to vector<16xi32>
        %add3A_1509 = arith.addi %iota3A, %add3A_1508 : vector<16xi32>
        tpu.vector_store_idx %arg11[%add3A_1507], %add3A_1509 masked %le3A_1212 : memref<1088xi32, #tpu.memory_space<vmem>>[vector<16xi32>], vector<16xi32>, vector<16xi1>
        %add3A_1510 = arith.addi %add3A_1506, %all_reduce_population_count3A_1214 : vector<16xi32>
        %add3A_1511 = arith.constant 640 : i32
        %add3A_1512 = arith.addi %mul3A_225, %add3A_1511 : i32
        %get3A_1513 = arith.index_cast %add3A_1512 : i32 to index
        %get3A_1514 = tpu.vector_load %arg5[%get3A_1513] {strides = array<i32>} : memref<8192xf32, #tpu.memory_space<vmem>>, vector<16xf32>,
        %bitcast3A_1515 = vector.bitcast %get3A_1514 : vector<16xf32> to vector<16xi32>
        %and3A_1516 = arith.constant -65536 : i32
        %and3A_1517 = vector.broadcast %and3A_1516 : i32 to vector<16xi32>
        %and3A_1518 = arith.andi %bitcast3A_1515, %and3A_1517 : vector<16xi32>
        %bitcast3A_1519 = vector.bitcast %and3A_1518 : vector<16xi32> to vector<16xf32>
        %shift_left3A_1520 = arith.constant 16 : i32
        %shift_left3A_1521 = vector.broadcast %shift_left3A_1520 : i32 to vector<16xi32>
        %shift_left3A_1522 = arith.shli %bitcast3A_1515, %shift_left3A_1521 : vector<16xi32>
        %bitcast3A_1523 = vector.bitcast %shift_left3A_1522 : vector<16xi32> to vector<16xf32>
        %get3A_1524 = arith.index_cast %add3A_1512 : i32 to index
        %get3A_1525 = tpu.vector_load %arg6[%get3A_1524] {strides = array<i32>} : memref<8192xf32, #tpu.memory_space<vmem>>, vector<16xf32>,
        %get3A_1526 = arith.index_cast %add3A_1512 : i32 to index
        %get3A_1527 = tpu.vector_load %arg7[%get3A_1526] {strides = array<i32>} : memref<8192xf32, #tpu.memory_space<vmem>>, vector<16xf32>,
        %mul3A_1528 = arith.mulf %bitcast3A_118, %bitcast3A_1519 : vector<16xf32>
        %mul3A_1529 = arith.mulf %bitcast3A_133, %bitcast3A_1523 : vector<16xf32>
        %add3A_1530 = arith.addf %mul3A_1528, %mul3A_1529 : vector<16xf32>
        %mul3A_1531 = arith.mulf %bitcast3A_148, %get3A_1525 : vector<16xf32>
        %add3A_1532 = arith.addf %add3A_1530, %mul3A_1531 : vector<16xf32>
        %add3A_1533 = arith.addf %add3A_105, %get3A_1527 : vector<16xf32>
        %sub3A_1534 = arith.subf %add3A_1533, %add3A_1532 : vector<16xf32>
        %le3A_1535 = arith.constant 4.000000e-02 : f32
        %le3A_1536 = vector.broadcast %le3A_1535 : f32 to vector<16xf32>
        %le3A_1537 = arith.cmpf ole, %sub3A_1534, %le3A_1536 : vector<16xf32>
        %masked_cumsum3A_1538 = tpu.scan <sum>, %broadcast_in_dim3A_83 masked %le3A_1537 : vector<16xi32>, vector<16xi1> -> vector<16xi32>
        %all_reduce_population_count3A_1539 = tpu.all_reduce %le3A_1537 {dim = 0 : i64, kind = #tpu.reduction_kind<sum>} : vector<16xi1> -> vector<16xi32>
        %add3A_1540 = arith.constant 656 : i32
        %add3A_1541 = arith.addi %mul3A_225, %add3A_1540 : i32
        %get3A_1542 = arith.index_cast %add3A_1541 : i32 to index
        %get3A_1543 = tpu.vector_load %arg5[%get3A_1542] {strides = array<i32>} : memref<8192xf32, #tpu.memory_space<vmem>>, vector<16xf32>,
        %bitcast3A_1544 = vector.bitcast %get3A_1543 : vector<16xf32> to vector<16xi32>
        %and3A_1545 = arith.constant -65536 : i32
        %and3A_1546 = vector.broadcast %and3A_1545 : i32 to vector<16xi32>
        %and3A_1547 = arith.andi %bitcast3A_1544, %and3A_1546 : vector<16xi32>
        %bitcast3A_1548 = vector.bitcast %and3A_1547 : vector<16xi32> to vector<16xf32>
        %shift_left3A_1549 = arith.constant 16 : i32
        %shift_left3A_1550 = vector.broadcast %shift_left3A_1549 : i32 to vector<16xi32>
        %shift_left3A_1551 = arith.shli %bitcast3A_1544, %shift_left3A_1550 : vector<16xi32>
        %bitcast3A_1552 = vector.bitcast %shift_left3A_1551 : vector<16xi32> to vector<16xf32>
        %get3A_1553 = arith.index_cast %add3A_1541 : i32 to index
        %get3A_1554 = tpu.vector_load %arg6[%get3A_1553] {strides = array<i32>} : memref<8192xf32, #tpu.memory_space<vmem>>, vector<16xf32>,
        %get3A_1555 = arith.index_cast %add3A_1541 : i32 to index
        %get3A_1556 = tpu.vector_load %arg7[%get3A_1555] {strides = array<i32>} : memref<8192xf32, #tpu.memory_space<vmem>>, vector<16xf32>,
        %mul3A_1557 = arith.mulf %bitcast3A_118, %bitcast3A_1548 : vector<16xf32>
        %mul3A_1558 = arith.mulf %bitcast3A_133, %bitcast3A_1552 : vector<16xf32>
        %add3A_1559 = arith.addf %mul3A_1557, %mul3A_1558 : vector<16xf32>
        %mul3A_1560 = arith.mulf %bitcast3A_148, %get3A_1554 : vector<16xf32>
        %add3A_1561 = arith.addf %add3A_1559, %mul3A_1560 : vector<16xf32>
        %add3A_1562 = arith.addf %add3A_105, %get3A_1556 : vector<16xf32>
        %sub3A_1563 = arith.subf %add3A_1562, %add3A_1561 : vector<16xf32>
        %le3A_1564 = arith.constant 4.000000e-02 : f32
        %le3A_1565 = vector.broadcast %le3A_1564 : f32 to vector<16xf32>
        %le3A_1566 = arith.cmpf ole, %sub3A_1563, %le3A_1565 : vector<16xf32>
        %masked_cumsum3A_1567 = tpu.scan <sum>, %broadcast_in_dim3A_83 masked %le3A_1566 : vector<16xi32>, vector<16xi1> -> vector<16xi32>
        %all_reduce_population_count3A_1568 = tpu.all_reduce %le3A_1566 {dim = 0 : i64, kind = #tpu.reduction_kind<sum>} : vector<16xi1> -> vector<16xi32>
        %add3A_1569 = arith.constant 672 : i32
        %add3A_1570 = arith.addi %mul3A_225, %add3A_1569 : i32
        %get3A_1571 = arith.index_cast %add3A_1570 : i32 to index
        %get3A_1572 = tpu.vector_load %arg5[%get3A_1571] {strides = array<i32>} : memref<8192xf32, #tpu.memory_space<vmem>>, vector<16xf32>,
        %bitcast3A_1573 = vector.bitcast %get3A_1572 : vector<16xf32> to vector<16xi32>
        %and3A_1574 = arith.constant -65536 : i32
        %and3A_1575 = vector.broadcast %and3A_1574 : i32 to vector<16xi32>
        %and3A_1576 = arith.andi %bitcast3A_1573, %and3A_1575 : vector<16xi32>
        %bitcast3A_1577 = vector.bitcast %and3A_1576 : vector<16xi32> to vector<16xf32>
        %shift_left3A_1578 = arith.constant 16 : i32
        %shift_left3A_1579 = vector.broadcast %shift_left3A_1578 : i32 to vector<16xi32>
        %shift_left3A_1580 = arith.shli %bitcast3A_1573, %shift_left3A_1579 : vector<16xi32>
        %bitcast3A_1581 = vector.bitcast %shift_left3A_1580 : vector<16xi32> to vector<16xf32>
        %get3A_1582 = arith.index_cast %add3A_1570 : i32 to index
        %get3A_1583 = tpu.vector_load %arg6[%get3A_1582] {strides = array<i32>} : memref<8192xf32, #tpu.memory_space<vmem>>, vector<16xf32>,
        %get3A_1584 = arith.index_cast %add3A_1570 : i32 to index
        %get3A_1585 = tpu.vector_load %arg7[%get3A_1584] {strides = array<i32>} : memref<8192xf32, #tpu.memory_space<vmem>>, vector<16xf32>,
        %mul3A_1586 = arith.mulf %bitcast3A_118, %bitcast3A_1577 : vector<16xf32>
        %mul3A_1587 = arith.mulf %bitcast3A_133, %bitcast3A_1581 : vector<16xf32>
        %add3A_1588 = arith.addf %mul3A_1586, %mul3A_1587 : vector<16xf32>
        %mul3A_1589 = arith.mulf %bitcast3A_148, %get3A_1583 : vector<16xf32>
        %add3A_1590 = arith.addf %add3A_1588, %mul3A_1589 : vector<16xf32>
        %add3A_1591 = arith.addf %add3A_105, %get3A_1585 : vector<16xf32>
        %sub3A_1592 = arith.subf %add3A_1591, %add3A_1590 : vector<16xf32>
        %le3A_1593 = arith.constant 4.000000e-02 : f32
        %le3A_1594 = vector.broadcast %le3A_1593 : f32 to vector<16xf32>
        %le3A_1595 = arith.cmpf ole, %sub3A_1592, %le3A_1594 : vector<16xf32>
        %masked_cumsum3A_1596 = tpu.scan <sum>, %broadcast_in_dim3A_83 masked %le3A_1595 : vector<16xi32>, vector<16xi1> -> vector<16xi32>
        %all_reduce_population_count3A_1597 = tpu.all_reduce %le3A_1595 {dim = 0 : i64, kind = #tpu.reduction_kind<sum>} : vector<16xi1> -> vector<16xi32>
        %add3A_1598 = arith.constant 688 : i32
        %add3A_1599 = arith.addi %mul3A_225, %add3A_1598 : i32
        %get3A_1600 = arith.index_cast %add3A_1599 : i32 to index
        %get3A_1601 = tpu.vector_load %arg5[%get3A_1600] {strides = array<i32>} : memref<8192xf32, #tpu.memory_space<vmem>>, vector<16xf32>,
        %bitcast3A_1602 = vector.bitcast %get3A_1601 : vector<16xf32> to vector<16xi32>
        %and3A_1603 = arith.constant -65536 : i32
        %and3A_1604 = vector.broadcast %and3A_1603 : i32 to vector<16xi32>
        %and3A_1605 = arith.andi %bitcast3A_1602, %and3A_1604 : vector<16xi32>
        %bitcast3A_1606 = vector.bitcast %and3A_1605 : vector<16xi32> to vector<16xf32>
        %shift_left3A_1607 = arith.constant 16 : i32
        %shift_left3A_1608 = vector.broadcast %shift_left3A_1607 : i32 to vector<16xi32>
        %shift_left3A_1609 = arith.shli %bitcast3A_1602, %shift_left3A_1608 : vector<16xi32>
        %bitcast3A_1610 = vector.bitcast %shift_left3A_1609 : vector<16xi32> to vector<16xf32>
        %get3A_1611 = arith.index_cast %add3A_1599 : i32 to index
        %get3A_1612 = tpu.vector_load %arg6[%get3A_1611] {strides = array<i32>} : memref<8192xf32, #tpu.memory_space<vmem>>, vector<16xf32>,
        %get3A_1613 = arith.index_cast %add3A_1599 : i32 to index
        %get3A_1614 = tpu.vector_load %arg7[%get3A_1613] {strides = array<i32>} : memref<8192xf32, #tpu.memory_space<vmem>>, vector<16xf32>,
        %mul3A_1615 = arith.mulf %bitcast3A_118, %bitcast3A_1606 : vector<16xf32>
        %mul3A_1616 = arith.mulf %bitcast3A_133, %bitcast3A_1610 : vector<16xf32>
        %add3A_1617 = arith.addf %mul3A_1615, %mul3A_1616 : vector<16xf32>
        %mul3A_1618 = arith.mulf %bitcast3A_148, %get3A_1612 : vector<16xf32>
        %add3A_1619 = arith.addf %add3A_1617, %mul3A_1618 : vector<16xf32>
        %add3A_1620 = arith.addf %add3A_105, %get3A_1614 : vector<16xf32>
        %sub3A_1621 = arith.subf %add3A_1620, %add3A_1619 : vector<16xf32>
        %le3A_1622 = arith.constant 4.000000e-02 : f32
        %le3A_1623 = vector.broadcast %le3A_1622 : f32 to vector<16xf32>
        %le3A_1624 = arith.cmpf ole, %sub3A_1621, %le3A_1623 : vector<16xf32>
        %masked_cumsum3A_1625 = tpu.scan <sum>, %broadcast_in_dim3A_83 masked %le3A_1624 : vector<16xi32>, vector<16xi1> -> vector<16xi32>
        %all_reduce_population_count3A_1626 = tpu.all_reduce %le3A_1624 {dim = 0 : i64, kind = #tpu.reduction_kind<sum>} : vector<16xi1> -> vector<16xi32>
        %add3A_1627 = arith.constant 704 : i32
        %add3A_1628 = arith.addi %mul3A_225, %add3A_1627 : i32
        %get3A_1629 = arith.index_cast %add3A_1628 : i32 to index
        %get3A_1630 = tpu.vector_load %arg5[%get3A_1629] {strides = array<i32>} : memref<8192xf32, #tpu.memory_space<vmem>>, vector<16xf32>,
        %bitcast3A_1631 = vector.bitcast %get3A_1630 : vector<16xf32> to vector<16xi32>
        %and3A_1632 = arith.constant -65536 : i32
        %and3A_1633 = vector.broadcast %and3A_1632 : i32 to vector<16xi32>
        %and3A_1634 = arith.andi %bitcast3A_1631, %and3A_1633 : vector<16xi32>
        %bitcast3A_1635 = vector.bitcast %and3A_1634 : vector<16xi32> to vector<16xf32>
        %shift_left3A_1636 = arith.constant 16 : i32
        %shift_left3A_1637 = vector.broadcast %shift_left3A_1636 : i32 to vector<16xi32>
        %shift_left3A_1638 = arith.shli %bitcast3A_1631, %shift_left3A_1637 : vector<16xi32>
        %bitcast3A_1639 = vector.bitcast %shift_left3A_1638 : vector<16xi32> to vector<16xf32>
        %get3A_1640 = arith.index_cast %add3A_1628 : i32 to index
        %get3A_1641 = tpu.vector_load %arg6[%get3A_1640] {strides = array<i32>} : memref<8192xf32, #tpu.memory_space<vmem>>, vector<16xf32>,
        %get3A_1642 = arith.index_cast %add3A_1628 : i32 to index
        %get3A_1643 = tpu.vector_load %arg7[%get3A_1642] {strides = array<i32>} : memref<8192xf32, #tpu.memory_space<vmem>>, vector<16xf32>,
        %mul3A_1644 = arith.mulf %bitcast3A_118, %bitcast3A_1635 : vector<16xf32>
        %mul3A_1645 = arith.mulf %bitcast3A_133, %bitcast3A_1639 : vector<16xf32>
        %add3A_1646 = arith.addf %mul3A_1644, %mul3A_1645 : vector<16xf32>
        %mul3A_1647 = arith.mulf %bitcast3A_148, %get3A_1641 : vector<16xf32>
        %add3A_1648 = arith.addf %add3A_1646, %mul3A_1647 : vector<16xf32>
        %add3A_1649 = arith.addf %add3A_105, %get3A_1643 : vector<16xf32>
        %sub3A_1650 = arith.subf %add3A_1649, %add3A_1648 : vector<16xf32>
        %le3A_1651 = arith.constant 4.000000e-02 : f32
        %le3A_1652 = vector.broadcast %le3A_1651 : f32 to vector<16xf32>
        %le3A_1653 = arith.cmpf ole, %sub3A_1650, %le3A_1652 : vector<16xf32>
        %masked_cumsum3A_1654 = tpu.scan <sum>, %broadcast_in_dim3A_83 masked %le3A_1653 : vector<16xi32>, vector<16xi1> -> vector<16xi32>
        %all_reduce_population_count3A_1655 = tpu.all_reduce %le3A_1653 {dim = 0 : i64, kind = #tpu.reduction_kind<sum>} : vector<16xi1> -> vector<16xi32>
        %add3A_1656 = arith.constant 720 : i32
        %add3A_1657 = arith.addi %mul3A_225, %add3A_1656 : i32
        %get3A_1658 = arith.index_cast %add3A_1657 : i32 to index
        %get3A_1659 = tpu.vector_load %arg5[%get3A_1658] {strides = array<i32>} : memref<8192xf32, #tpu.memory_space<vmem>>, vector<16xf32>,
        %bitcast3A_1660 = vector.bitcast %get3A_1659 : vector<16xf32> to vector<16xi32>
        %and3A_1661 = arith.constant -65536 : i32
        %and3A_1662 = vector.broadcast %and3A_1661 : i32 to vector<16xi32>
        %and3A_1663 = arith.andi %bitcast3A_1660, %and3A_1662 : vector<16xi32>
        %bitcast3A_1664 = vector.bitcast %and3A_1663 : vector<16xi32> to vector<16xf32>
        %shift_left3A_1665 = arith.constant 16 : i32
        %shift_left3A_1666 = vector.broadcast %shift_left3A_1665 : i32 to vector<16xi32>
        %shift_left3A_1667 = arith.shli %bitcast3A_1660, %shift_left3A_1666 : vector<16xi32>
        %bitcast3A_1668 = vector.bitcast %shift_left3A_1667 : vector<16xi32> to vector<16xf32>
        %get3A_1669 = arith.index_cast %add3A_1657 : i32 to index
        %get3A_1670 = tpu.vector_load %arg6[%get3A_1669] {strides = array<i32>} : memref<8192xf32, #tpu.memory_space<vmem>>, vector<16xf32>,
        %get3A_1671 = arith.index_cast %add3A_1657 : i32 to index
        %get3A_1672 = tpu.vector_load %arg7[%get3A_1671] {strides = array<i32>} : memref<8192xf32, #tpu.memory_space<vmem>>, vector<16xf32>,
        %mul3A_1673 = arith.mulf %bitcast3A_118, %bitcast3A_1664 : vector<16xf32>
        %mul3A_1674 = arith.mulf %bitcast3A_133, %bitcast3A_1668 : vector<16xf32>
        %add3A_1675 = arith.addf %mul3A_1673, %mul3A_1674 : vector<16xf32>
        %mul3A_1676 = arith.mulf %bitcast3A_148, %get3A_1670 : vector<16xf32>
        %add3A_1677 = arith.addf %add3A_1675, %mul3A_1676 : vector<16xf32>
        %add3A_1678 = arith.addf %add3A_105, %get3A_1672 : vector<16xf32>
        %sub3A_1679 = arith.subf %add3A_1678, %add3A_1677 : vector<16xf32>
        %le3A_1680 = arith.constant 4.000000e-02 : f32
        %le3A_1681 = vector.broadcast %le3A_1680 : f32 to vector<16xf32>
        %le3A_1682 = arith.cmpf ole, %sub3A_1679, %le3A_1681 : vector<16xf32>
        %masked_cumsum3A_1683 = tpu.scan <sum>, %broadcast_in_dim3A_83 masked %le3A_1682 : vector<16xi32>, vector<16xi1> -> vector<16xi32>
        %all_reduce_population_count3A_1684 = tpu.all_reduce %le3A_1682 {dim = 0 : i64, kind = #tpu.reduction_kind<sum>} : vector<16xi1> -> vector<16xi32>
        %add3A_1685 = arith.constant 736 : i32
        %add3A_1686 = arith.addi %mul3A_225, %add3A_1685 : i32
        %get3A_1687 = arith.index_cast %add3A_1686 : i32 to index
        %get3A_1688 = tpu.vector_load %arg5[%get3A_1687] {strides = array<i32>} : memref<8192xf32, #tpu.memory_space<vmem>>, vector<16xf32>,
        %bitcast3A_1689 = vector.bitcast %get3A_1688 : vector<16xf32> to vector<16xi32>
        %and3A_1690 = arith.constant -65536 : i32
        %and3A_1691 = vector.broadcast %and3A_1690 : i32 to vector<16xi32>
        %and3A_1692 = arith.andi %bitcast3A_1689, %and3A_1691 : vector<16xi32>
        %bitcast3A_1693 = vector.bitcast %and3A_1692 : vector<16xi32> to vector<16xf32>
        %shift_left3A_1694 = arith.constant 16 : i32
        %shift_left3A_1695 = vector.broadcast %shift_left3A_1694 : i32 to vector<16xi32>
        %shift_left3A_1696 = arith.shli %bitcast3A_1689, %shift_left3A_1695 : vector<16xi32>
        %bitcast3A_1697 = vector.bitcast %shift_left3A_1696 : vector<16xi32> to vector<16xf32>
        %get3A_1698 = arith.index_cast %add3A_1686 : i32 to index
        %get3A_1699 = tpu.vector_load %arg6[%get3A_1698] {strides = array<i32>} : memref<8192xf32, #tpu.memory_space<vmem>>, vector<16xf32>,
        %get3A_1700 = arith.index_cast %add3A_1686 : i32 to index
        %get3A_1701 = tpu.vector_load %arg7[%get3A_1700] {strides = array<i32>} : memref<8192xf32, #tpu.memory_space<vmem>>, vector<16xf32>,
        %mul3A_1702 = arith.mulf %bitcast3A_118, %bitcast3A_1693 : vector<16xf32>
        %mul3A_1703 = arith.mulf %bitcast3A_133, %bitcast3A_1697 : vector<16xf32>
        %add3A_1704 = arith.addf %mul3A_1702, %mul3A_1703 : vector<16xf32>
        %mul3A_1705 = arith.mulf %bitcast3A_148, %get3A_1699 : vector<16xf32>
        %add3A_1706 = arith.addf %add3A_1704, %mul3A_1705 : vector<16xf32>
        %add3A_1707 = arith.addf %add3A_105, %get3A_1701 : vector<16xf32>
        %sub3A_1708 = arith.subf %add3A_1707, %add3A_1706 : vector<16xf32>
        %le3A_1709 = arith.constant 4.000000e-02 : f32
        %le3A_1710 = vector.broadcast %le3A_1709 : f32 to vector<16xf32>
        %le3A_1711 = arith.cmpf ole, %sub3A_1708, %le3A_1710 : vector<16xf32>
        %masked_cumsum3A_1712 = tpu.scan <sum>, %broadcast_in_dim3A_83 masked %le3A_1711 : vector<16xi32>, vector<16xi1> -> vector<16xi32>
        %all_reduce_population_count3A_1713 = tpu.all_reduce %le3A_1711 {dim = 0 : i64, kind = #tpu.reduction_kind<sum>} : vector<16xi1> -> vector<16xi32>
        %add3A_1714 = arith.constant 752 : i32
        %add3A_1715 = arith.addi %mul3A_225, %add3A_1714 : i32
        %get3A_1716 = arith.index_cast %add3A_1715 : i32 to index
        %get3A_1717 = tpu.vector_load %arg5[%get3A_1716] {strides = array<i32>} : memref<8192xf32, #tpu.memory_space<vmem>>, vector<16xf32>,
        %bitcast3A_1718 = vector.bitcast %get3A_1717 : vector<16xf32> to vector<16xi32>
        %and3A_1719 = arith.constant -65536 : i32
        %and3A_1720 = vector.broadcast %and3A_1719 : i32 to vector<16xi32>
        %and3A_1721 = arith.andi %bitcast3A_1718, %and3A_1720 : vector<16xi32>
        %bitcast3A_1722 = vector.bitcast %and3A_1721 : vector<16xi32> to vector<16xf32>
        %shift_left3A_1723 = arith.constant 16 : i32
        %shift_left3A_1724 = vector.broadcast %shift_left3A_1723 : i32 to vector<16xi32>
        %shift_left3A_1725 = arith.shli %bitcast3A_1718, %shift_left3A_1724 : vector<16xi32>
        %bitcast3A_1726 = vector.bitcast %shift_left3A_1725 : vector<16xi32> to vector<16xf32>
        %get3A_1727 = arith.index_cast %add3A_1715 : i32 to index
        %get3A_1728 = tpu.vector_load %arg6[%get3A_1727] {strides = array<i32>} : memref<8192xf32, #tpu.memory_space<vmem>>, vector<16xf32>,
        %get3A_1729 = arith.index_cast %add3A_1715 : i32 to index
        %get3A_1730 = tpu.vector_load %arg7[%get3A_1729] {strides = array<i32>} : memref<8192xf32, #tpu.memory_space<vmem>>, vector<16xf32>,
        %mul3A_1731 = arith.mulf %bitcast3A_118, %bitcast3A_1722 : vector<16xf32>
        %mul3A_1732 = arith.mulf %bitcast3A_133, %bitcast3A_1726 : vector<16xf32>
        %add3A_1733 = arith.addf %mul3A_1731, %mul3A_1732 : vector<16xf32>
        %mul3A_1734 = arith.mulf %bitcast3A_148, %get3A_1728 : vector<16xf32>
        %add3A_1735 = arith.addf %add3A_1733, %mul3A_1734 : vector<16xf32>
        %add3A_1736 = arith.addf %add3A_105, %get3A_1730 : vector<16xf32>
        %sub3A_1737 = arith.subf %add3A_1736, %add3A_1735 : vector<16xf32>
        %le3A_1738 = arith.constant 4.000000e-02 : f32
        %le3A_1739 = vector.broadcast %le3A_1738 : f32 to vector<16xf32>
        %le3A_1740 = arith.cmpf ole, %sub3A_1737, %le3A_1739 : vector<16xf32>
        %masked_cumsum3A_1741 = tpu.scan <sum>, %broadcast_in_dim3A_83 masked %le3A_1740 : vector<16xi32>, vector<16xi1> -> vector<16xi32>
        %all_reduce_population_count3A_1742 = tpu.all_reduce %le3A_1740 {dim = 0 : i64, kind = #tpu.reduction_kind<sum>} : vector<16xi1> -> vector<16xi32>
        %add3A_1743 = arith.addi %add3A_1510, %masked_cumsum3A_1274 : vector<16xi32>
        %add3A_1744 = vector.broadcast %add3A_1248 : i32 to vector<16xi32>
        %add3A_1745 = arith.addi %iota3A, %add3A_1744 : vector<16xi32>
        tpu.vector_store_idx %arg11[%add3A_1743], %add3A_1745 masked %le3A_1273 : memref<1088xi32, #tpu.memory_space<vmem>>[vector<16xi32>], vector<16xi32>, vector<16xi1>
        %add3A_1746 = arith.addi %add3A_1510, %all_reduce_population_count3A_1275 : vector<16xi32>
        %add3A_1747 = arith.addi %add3A_1746, %masked_cumsum3A_1303 : vector<16xi32>
        %add3A_1748 = vector.broadcast %add3A_1277 : i32 to vector<16xi32>
        %add3A_1749 = arith.addi %iota3A, %add3A_1748 : vector<16xi32>
        tpu.vector_store_idx %arg11[%add3A_1747], %add3A_1749 masked %le3A_1302 : memref<1088xi32, #tpu.memory_space<vmem>>[vector<16xi32>], vector<16xi32>, vector<16xi1>
        %add3A_1750 = arith.addi %add3A_1746, %all_reduce_population_count3A_1304 : vector<16xi32>
        %add3A_1751 = arith.addi %add3A_1750, %masked_cumsum3A_1332 : vector<16xi32>
        %add3A_1752 = vector.broadcast %add3A_1306 : i32 to vector<16xi32>
        %add3A_1753 = arith.addi %iota3A, %add3A_1752 : vector<16xi32>
        tpu.vector_store_idx %arg11[%add3A_1751], %add3A_1753 masked %le3A_1331 : memref<1088xi32, #tpu.memory_space<vmem>>[vector<16xi32>], vector<16xi32>, vector<16xi1>
        %add3A_1754 = arith.addi %add3A_1750, %all_reduce_population_count3A_1333 : vector<16xi32>
        %add3A_1755 = arith.addi %add3A_1754, %masked_cumsum3A_1361 : vector<16xi32>
        %add3A_1756 = vector.broadcast %add3A_1335 : i32 to vector<16xi32>
        %add3A_1757 = arith.addi %iota3A, %add3A_1756 : vector<16xi32>
        tpu.vector_store_idx %arg11[%add3A_1755], %add3A_1757 masked %le3A_1360 : memref<1088xi32, #tpu.memory_space<vmem>>[vector<16xi32>], vector<16xi32>, vector<16xi1>
        %add3A_1758 = arith.addi %add3A_1754, %all_reduce_population_count3A_1362 : vector<16xi32>
        %add3A_1759 = arith.addi %add3A_1758, %masked_cumsum3A_1390 : vector<16xi32>
        %add3A_1760 = vector.broadcast %add3A_1364 : i32 to vector<16xi32>
        %add3A_1761 = arith.addi %iota3A, %add3A_1760 : vector<16xi32>
        tpu.vector_store_idx %arg11[%add3A_1759], %add3A_1761 masked %le3A_1389 : memref<1088xi32, #tpu.memory_space<vmem>>[vector<16xi32>], vector<16xi32>, vector<16xi1>
        %add3A_1762 = arith.addi %add3A_1758, %all_reduce_population_count3A_1391 : vector<16xi32>
        %add3A_1763 = arith.addi %add3A_1762, %masked_cumsum3A_1419 : vector<16xi32>
        %add3A_1764 = vector.broadcast %add3A_1393 : i32 to vector<16xi32>
        %add3A_1765 = arith.addi %iota3A, %add3A_1764 : vector<16xi32>
        tpu.vector_store_idx %arg11[%add3A_1763], %add3A_1765 masked %le3A_1418 : memref<1088xi32, #tpu.memory_space<vmem>>[vector<16xi32>], vector<16xi32>, vector<16xi1>
        %add3A_1766 = arith.addi %add3A_1762, %all_reduce_population_count3A_1420 : vector<16xi32>
        %add3A_1767 = arith.addi %add3A_1766, %masked_cumsum3A_1448 : vector<16xi32>
        %add3A_1768 = vector.broadcast %add3A_1422 : i32 to vector<16xi32>
        %add3A_1769 = arith.addi %iota3A, %add3A_1768 : vector<16xi32>
        tpu.vector_store_idx %arg11[%add3A_1767], %add3A_1769 masked %le3A_1447 : memref<1088xi32, #tpu.memory_space<vmem>>[vector<16xi32>], vector<16xi32>, vector<16xi1>
        %add3A_1770 = arith.addi %add3A_1766, %all_reduce_population_count3A_1449 : vector<16xi32>
        %add3A_1771 = arith.addi %add3A_1770, %masked_cumsum3A_1477 : vector<16xi32>
        %add3A_1772 = vector.broadcast %add3A_1451 : i32 to vector<16xi32>
        %add3A_1773 = arith.addi %iota3A, %add3A_1772 : vector<16xi32>
        tpu.vector_store_idx %arg11[%add3A_1771], %add3A_1773 masked %le3A_1476 : memref<1088xi32, #tpu.memory_space<vmem>>[vector<16xi32>], vector<16xi32>, vector<16xi1>
        %add3A_1774 = arith.addi %add3A_1770, %all_reduce_population_count3A_1478 : vector<16xi32>
        %add3A_1775 = arith.constant 768 : i32
        %add3A_1776 = arith.addi %mul3A_225, %add3A_1775 : i32
        %get3A_1777 = arith.index_cast %add3A_1776 : i32 to index
        %get3A_1778 = tpu.vector_load %arg5[%get3A_1777] {strides = array<i32>} : memref<8192xf32, #tpu.memory_space<vmem>>, vector<16xf32>,
        %bitcast3A_1779 = vector.bitcast %get3A_1778 : vector<16xf32> to vector<16xi32>
        %and3A_1780 = arith.constant -65536 : i32
        %and3A_1781 = vector.broadcast %and3A_1780 : i32 to vector<16xi32>
        %and3A_1782 = arith.andi %bitcast3A_1779, %and3A_1781 : vector<16xi32>
        %bitcast3A_1783 = vector.bitcast %and3A_1782 : vector<16xi32> to vector<16xf32>
        %shift_left3A_1784 = arith.constant 16 : i32
        %shift_left3A_1785 = vector.broadcast %shift_left3A_1784 : i32 to vector<16xi32>
        %shift_left3A_1786 = arith.shli %bitcast3A_1779, %shift_left3A_1785 : vector<16xi32>
        %bitcast3A_1787 = vector.bitcast %shift_left3A_1786 : vector<16xi32> to vector<16xf32>
        %get3A_1788 = arith.index_cast %add3A_1776 : i32 to index
        %get3A_1789 = tpu.vector_load %arg6[%get3A_1788] {strides = array<i32>} : memref<8192xf32, #tpu.memory_space<vmem>>, vector<16xf32>,
        %get3A_1790 = arith.index_cast %add3A_1776 : i32 to index
        %get3A_1791 = tpu.vector_load %arg7[%get3A_1790] {strides = array<i32>} : memref<8192xf32, #tpu.memory_space<vmem>>, vector<16xf32>,
        %mul3A_1792 = arith.mulf %bitcast3A_118, %bitcast3A_1783 : vector<16xf32>
        %mul3A_1793 = arith.mulf %bitcast3A_133, %bitcast3A_1787 : vector<16xf32>
        %add3A_1794 = arith.addf %mul3A_1792, %mul3A_1793 : vector<16xf32>
        %mul3A_1795 = arith.mulf %bitcast3A_148, %get3A_1789 : vector<16xf32>
        %add3A_1796 = arith.addf %add3A_1794, %mul3A_1795 : vector<16xf32>
        %add3A_1797 = arith.addf %add3A_105, %get3A_1791 : vector<16xf32>
        %sub3A_1798 = arith.subf %add3A_1797, %add3A_1796 : vector<16xf32>
        %le3A_1799 = arith.constant 4.000000e-02 : f32
        %le3A_1800 = vector.broadcast %le3A_1799 : f32 to vector<16xf32>
        %le3A_1801 = arith.cmpf ole, %sub3A_1798, %le3A_1800 : vector<16xf32>
        %masked_cumsum3A_1802 = tpu.scan <sum>, %broadcast_in_dim3A_83 masked %le3A_1801 : vector<16xi32>, vector<16xi1> -> vector<16xi32>
        %all_reduce_population_count3A_1803 = tpu.all_reduce %le3A_1801 {dim = 0 : i64, kind = #tpu.reduction_kind<sum>} : vector<16xi1> -> vector<16xi32>
        %add3A_1804 = arith.constant 784 : i32
        %add3A_1805 = arith.addi %mul3A_225, %add3A_1804 : i32
        %get3A_1806 = arith.index_cast %add3A_1805 : i32 to index
        %get3A_1807 = tpu.vector_load %arg5[%get3A_1806] {strides = array<i32>} : memref<8192xf32, #tpu.memory_space<vmem>>, vector<16xf32>,
        %bitcast3A_1808 = vector.bitcast %get3A_1807 : vector<16xf32> to vector<16xi32>
        %and3A_1809 = arith.constant -65536 : i32
        %and3A_1810 = vector.broadcast %and3A_1809 : i32 to vector<16xi32>
        %and3A_1811 = arith.andi %bitcast3A_1808, %and3A_1810 : vector<16xi32>
        %bitcast3A_1812 = vector.bitcast %and3A_1811 : vector<16xi32> to vector<16xf32>
        %shift_left3A_1813 = arith.constant 16 : i32
        %shift_left3A_1814 = vector.broadcast %shift_left3A_1813 : i32 to vector<16xi32>
        %shift_left3A_1815 = arith.shli %bitcast3A_1808, %shift_left3A_1814 : vector<16xi32>
        %bitcast3A_1816 = vector.bitcast %shift_left3A_1815 : vector<16xi32> to vector<16xf32>
        %get3A_1817 = arith.index_cast %add3A_1805 : i32 to index
        %get3A_1818 = tpu.vector_load %arg6[%get3A_1817] {strides = array<i32>} : memref<8192xf32, #tpu.memory_space<vmem>>, vector<16xf32>,
        %get3A_1819 = arith.index_cast %add3A_1805 : i32 to index
        %get3A_1820 = tpu.vector_load %arg7[%get3A_1819] {strides = array<i32>} : memref<8192xf32, #tpu.memory_space<vmem>>, vector<16xf32>,
        %mul3A_1821 = arith.mulf %bitcast3A_118, %bitcast3A_1812 : vector<16xf32>
        %mul3A_1822 = arith.mulf %bitcast3A_133, %bitcast3A_1816 : vector<16xf32>
        %add3A_1823 = arith.addf %mul3A_1821, %mul3A_1822 : vector<16xf32>
        %mul3A_1824 = arith.mulf %bitcast3A_148, %get3A_1818 : vector<16xf32>
        %add3A_1825 = arith.addf %add3A_1823, %mul3A_1824 : vector<16xf32>
        %add3A_1826 = arith.addf %add3A_105, %get3A_1820 : vector<16xf32>
        %sub3A_1827 = arith.subf %add3A_1826, %add3A_1825 : vector<16xf32>
        %le3A_1828 = arith.constant 4.000000e-02 : f32
        %le3A_1829 = vector.broadcast %le3A_1828 : f32 to vector<16xf32>
        %le3A_1830 = arith.cmpf ole, %sub3A_1827, %le3A_1829 : vector<16xf32>
        %masked_cumsum3A_1831 = tpu.scan <sum>, %broadcast_in_dim3A_83 masked %le3A_1830 : vector<16xi32>, vector<16xi1> -> vector<16xi32>
        %all_reduce_population_count3A_1832 = tpu.all_reduce %le3A_1830 {dim = 0 : i64, kind = #tpu.reduction_kind<sum>} : vector<16xi1> -> vector<16xi32>
        %add3A_1833 = arith.constant 800 : i32
        %add3A_1834 = arith.addi %mul3A_225, %add3A_1833 : i32
        %get3A_1835 = arith.index_cast %add3A_1834 : i32 to index
        %get3A_1836 = tpu.vector_load %arg5[%get3A_1835] {strides = array<i32>} : memref<8192xf32, #tpu.memory_space<vmem>>, vector<16xf32>,
        %bitcast3A_1837 = vector.bitcast %get3A_1836 : vector<16xf32> to vector<16xi32>
        %and3A_1838 = arith.constant -65536 : i32
        %and3A_1839 = vector.broadcast %and3A_1838 : i32 to vector<16xi32>
        %and3A_1840 = arith.andi %bitcast3A_1837, %and3A_1839 : vector<16xi32>
        %bitcast3A_1841 = vector.bitcast %and3A_1840 : vector<16xi32> to vector<16xf32>
        %shift_left3A_1842 = arith.constant 16 : i32
        %shift_left3A_1843 = vector.broadcast %shift_left3A_1842 : i32 to vector<16xi32>
        %shift_left3A_1844 = arith.shli %bitcast3A_1837, %shift_left3A_1843 : vector<16xi32>
        %bitcast3A_1845 = vector.bitcast %shift_left3A_1844 : vector<16xi32> to vector<16xf32>
        %get3A_1846 = arith.index_cast %add3A_1834 : i32 to index
        %get3A_1847 = tpu.vector_load %arg6[%get3A_1846] {strides = array<i32>} : memref<8192xf32, #tpu.memory_space<vmem>>, vector<16xf32>,
        %get3A_1848 = arith.index_cast %add3A_1834 : i32 to index
        %get3A_1849 = tpu.vector_load %arg7[%get3A_1848] {strides = array<i32>} : memref<8192xf32, #tpu.memory_space<vmem>>, vector<16xf32>,
        %mul3A_1850 = arith.mulf %bitcast3A_118, %bitcast3A_1841 : vector<16xf32>
        %mul3A_1851 = arith.mulf %bitcast3A_133, %bitcast3A_1845 : vector<16xf32>
        %add3A_1852 = arith.addf %mul3A_1850, %mul3A_1851 : vector<16xf32>
        %mul3A_1853 = arith.mulf %bitcast3A_148, %get3A_1847 : vector<16xf32>
        %add3A_1854 = arith.addf %add3A_1852, %mul3A_1853 : vector<16xf32>
        %add3A_1855 = arith.addf %add3A_105, %get3A_1849 : vector<16xf32>
        %sub3A_1856 = arith.subf %add3A_1855, %add3A_1854 : vector<16xf32>
        %le3A_1857 = arith.constant 4.000000e-02 : f32
        %le3A_1858 = vector.broadcast %le3A_1857 : f32 to vector<16xf32>
        %le3A_1859 = arith.cmpf ole, %sub3A_1856, %le3A_1858 : vector<16xf32>
        %masked_cumsum3A_1860 = tpu.scan <sum>, %broadcast_in_dim3A_83 masked %le3A_1859 : vector<16xi32>, vector<16xi1> -> vector<16xi32>
        %all_reduce_population_count3A_1861 = tpu.all_reduce %le3A_1859 {dim = 0 : i64, kind = #tpu.reduction_kind<sum>} : vector<16xi1> -> vector<16xi32>
        %add3A_1862 = arith.constant 816 : i32
        %add3A_1863 = arith.addi %mul3A_225, %add3A_1862 : i32
        %get3A_1864 = arith.index_cast %add3A_1863 : i32 to index
        %get3A_1865 = tpu.vector_load %arg5[%get3A_1864] {strides = array<i32>} : memref<8192xf32, #tpu.memory_space<vmem>>, vector<16xf32>,
        %bitcast3A_1866 = vector.bitcast %get3A_1865 : vector<16xf32> to vector<16xi32>
        %and3A_1867 = arith.constant -65536 : i32
        %and3A_1868 = vector.broadcast %and3A_1867 : i32 to vector<16xi32>
        %and3A_1869 = arith.andi %bitcast3A_1866, %and3A_1868 : vector<16xi32>
        %bitcast3A_1870 = vector.bitcast %and3A_1869 : vector<16xi32> to vector<16xf32>
        %shift_left3A_1871 = arith.constant 16 : i32
        %shift_left3A_1872 = vector.broadcast %shift_left3A_1871 : i32 to vector<16xi32>
        %shift_left3A_1873 = arith.shli %bitcast3A_1866, %shift_left3A_1872 : vector<16xi32>
        %bitcast3A_1874 = vector.bitcast %shift_left3A_1873 : vector<16xi32> to vector<16xf32>
        %get3A_1875 = arith.index_cast %add3A_1863 : i32 to index
        %get3A_1876 = tpu.vector_load %arg6[%get3A_1875] {strides = array<i32>} : memref<8192xf32, #tpu.memory_space<vmem>>, vector<16xf32>,
        %get3A_1877 = arith.index_cast %add3A_1863 : i32 to index
        %get3A_1878 = tpu.vector_load %arg7[%get3A_1877] {strides = array<i32>} : memref<8192xf32, #tpu.memory_space<vmem>>, vector<16xf32>,
        %mul3A_1879 = arith.mulf %bitcast3A_118, %bitcast3A_1870 : vector<16xf32>
        %mul3A_1880 = arith.mulf %bitcast3A_133, %bitcast3A_1874 : vector<16xf32>
        %add3A_1881 = arith.addf %mul3A_1879, %mul3A_1880 : vector<16xf32>
        %mul3A_1882 = arith.mulf %bitcast3A_148, %get3A_1876 : vector<16xf32>
        %add3A_1883 = arith.addf %add3A_1881, %mul3A_1882 : vector<16xf32>
        %add3A_1884 = arith.addf %add3A_105, %get3A_1878 : vector<16xf32>
        %sub3A_1885 = arith.subf %add3A_1884, %add3A_1883 : vector<16xf32>
        %le3A_1886 = arith.constant 4.000000e-02 : f32
        %le3A_1887 = vector.broadcast %le3A_1886 : f32 to vector<16xf32>
        %le3A_1888 = arith.cmpf ole, %sub3A_1885, %le3A_1887 : vector<16xf32>
        %masked_cumsum3A_1889 = tpu.scan <sum>, %broadcast_in_dim3A_83 masked %le3A_1888 : vector<16xi32>, vector<16xi1> -> vector<16xi32>
        %all_reduce_population_count3A_1890 = tpu.all_reduce %le3A_1888 {dim = 0 : i64, kind = #tpu.reduction_kind<sum>} : vector<16xi1> -> vector<16xi32>
        %add3A_1891 = arith.constant 832 : i32
        %add3A_1892 = arith.addi %mul3A_225, %add3A_1891 : i32
        %get3A_1893 = arith.index_cast %add3A_1892 : i32 to index
        %get3A_1894 = tpu.vector_load %arg5[%get3A_1893] {strides = array<i32>} : memref<8192xf32, #tpu.memory_space<vmem>>, vector<16xf32>,
        %bitcast3A_1895 = vector.bitcast %get3A_1894 : vector<16xf32> to vector<16xi32>
        %and3A_1896 = arith.constant -65536 : i32
        %and3A_1897 = vector.broadcast %and3A_1896 : i32 to vector<16xi32>
        %and3A_1898 = arith.andi %bitcast3A_1895, %and3A_1897 : vector<16xi32>
        %bitcast3A_1899 = vector.bitcast %and3A_1898 : vector<16xi32> to vector<16xf32>
        %shift_left3A_1900 = arith.constant 16 : i32
        %shift_left3A_1901 = vector.broadcast %shift_left3A_1900 : i32 to vector<16xi32>
        %shift_left3A_1902 = arith.shli %bitcast3A_1895, %shift_left3A_1901 : vector<16xi32>
        %bitcast3A_1903 = vector.bitcast %shift_left3A_1902 : vector<16xi32> to vector<16xf32>
        %get3A_1904 = arith.index_cast %add3A_1892 : i32 to index
        %get3A_1905 = tpu.vector_load %arg6[%get3A_1904] {strides = array<i32>} : memref<8192xf32, #tpu.memory_space<vmem>>, vector<16xf32>,
        %get3A_1906 = arith.index_cast %add3A_1892 : i32 to index
        %get3A_1907 = tpu.vector_load %arg7[%get3A_1906] {strides = array<i32>} : memref<8192xf32, #tpu.memory_space<vmem>>, vector<16xf32>,
        %mul3A_1908 = arith.mulf %bitcast3A_118, %bitcast3A_1899 : vector<16xf32>
        %mul3A_1909 = arith.mulf %bitcast3A_133, %bitcast3A_1903 : vector<16xf32>
        %add3A_1910 = arith.addf %mul3A_1908, %mul3A_1909 : vector<16xf32>
        %mul3A_1911 = arith.mulf %bitcast3A_148, %get3A_1905 : vector<16xf32>
        %add3A_1912 = arith.addf %add3A_1910, %mul3A_1911 : vector<16xf32>
        %add3A_1913 = arith.addf %add3A_105, %get3A_1907 : vector<16xf32>
        %sub3A_1914 = arith.subf %add3A_1913, %add3A_1912 : vector<16xf32>
        %le3A_1915 = arith.constant 4.000000e-02 : f32
        %le3A_1916 = vector.broadcast %le3A_1915 : f32 to vector<16xf32>
        %le3A_1917 = arith.cmpf ole, %sub3A_1914, %le3A_1916 : vector<16xf32>
        %masked_cumsum3A_1918 = tpu.scan <sum>, %broadcast_in_dim3A_83 masked %le3A_1917 : vector<16xi32>, vector<16xi1> -> vector<16xi32>
        %all_reduce_population_count3A_1919 = tpu.all_reduce %le3A_1917 {dim = 0 : i64, kind = #tpu.reduction_kind<sum>} : vector<16xi1> -> vector<16xi32>
        %add3A_1920 = arith.constant 848 : i32
        %add3A_1921 = arith.addi %mul3A_225, %add3A_1920 : i32
        %get3A_1922 = arith.index_cast %add3A_1921 : i32 to index
        %get3A_1923 = tpu.vector_load %arg5[%get3A_1922] {strides = array<i32>} : memref<8192xf32, #tpu.memory_space<vmem>>, vector<16xf32>,
        %bitcast3A_1924 = vector.bitcast %get3A_1923 : vector<16xf32> to vector<16xi32>
        %and3A_1925 = arith.constant -65536 : i32
        %and3A_1926 = vector.broadcast %and3A_1925 : i32 to vector<16xi32>
        %and3A_1927 = arith.andi %bitcast3A_1924, %and3A_1926 : vector<16xi32>
        %bitcast3A_1928 = vector.bitcast %and3A_1927 : vector<16xi32> to vector<16xf32>
        %shift_left3A_1929 = arith.constant 16 : i32
        %shift_left3A_1930 = vector.broadcast %shift_left3A_1929 : i32 to vector<16xi32>
        %shift_left3A_1931 = arith.shli %bitcast3A_1924, %shift_left3A_1930 : vector<16xi32>
        %bitcast3A_1932 = vector.bitcast %shift_left3A_1931 : vector<16xi32> to vector<16xf32>
        %get3A_1933 = arith.index_cast %add3A_1921 : i32 to index
        %get3A_1934 = tpu.vector_load %arg6[%get3A_1933] {strides = array<i32>} : memref<8192xf32, #tpu.memory_space<vmem>>, vector<16xf32>,
        %get3A_1935 = arith.index_cast %add3A_1921 : i32 to index
        %get3A_1936 = tpu.vector_load %arg7[%get3A_1935] {strides = array<i32>} : memref<8192xf32, #tpu.memory_space<vmem>>, vector<16xf32>,
        %mul3A_1937 = arith.mulf %bitcast3A_118, %bitcast3A_1928 : vector<16xf32>
        %mul3A_1938 = arith.mulf %bitcast3A_133, %bitcast3A_1932 : vector<16xf32>
        %add3A_1939 = arith.addf %mul3A_1937, %mul3A_1938 : vector<16xf32>
        %mul3A_1940 = arith.mulf %bitcast3A_148, %get3A_1934 : vector<16xf32>
        %add3A_1941 = arith.addf %add3A_1939, %mul3A_1940 : vector<16xf32>
        %add3A_1942 = arith.addf %add3A_105, %get3A_1936 : vector<16xf32>
        %sub3A_1943 = arith.subf %add3A_1942, %add3A_1941 : vector<16xf32>
        %le3A_1944 = arith.constant 4.000000e-02 : f32
        %le3A_1945 = vector.broadcast %le3A_1944 : f32 to vector<16xf32>
        %le3A_1946 = arith.cmpf ole, %sub3A_1943, %le3A_1945 : vector<16xf32>
        %masked_cumsum3A_1947 = tpu.scan <sum>, %broadcast_in_dim3A_83 masked %le3A_1946 : vector<16xi32>, vector<16xi1> -> vector<16xi32>
        %all_reduce_population_count3A_1948 = tpu.all_reduce %le3A_1946 {dim = 0 : i64, kind = #tpu.reduction_kind<sum>} : vector<16xi1> -> vector<16xi32>
        %add3A_1949 = arith.constant 864 : i32
        %add3A_1950 = arith.addi %mul3A_225, %add3A_1949 : i32
        %get3A_1951 = arith.index_cast %add3A_1950 : i32 to index
        %get3A_1952 = tpu.vector_load %arg5[%get3A_1951] {strides = array<i32>} : memref<8192xf32, #tpu.memory_space<vmem>>, vector<16xf32>,
        %bitcast3A_1953 = vector.bitcast %get3A_1952 : vector<16xf32> to vector<16xi32>
        %and3A_1954 = arith.constant -65536 : i32
        %and3A_1955 = vector.broadcast %and3A_1954 : i32 to vector<16xi32>
        %and3A_1956 = arith.andi %bitcast3A_1953, %and3A_1955 : vector<16xi32>
        %bitcast3A_1957 = vector.bitcast %and3A_1956 : vector<16xi32> to vector<16xf32>
        %shift_left3A_1958 = arith.constant 16 : i32
        %shift_left3A_1959 = vector.broadcast %shift_left3A_1958 : i32 to vector<16xi32>
        %shift_left3A_1960 = arith.shli %bitcast3A_1953, %shift_left3A_1959 : vector<16xi32>
        %bitcast3A_1961 = vector.bitcast %shift_left3A_1960 : vector<16xi32> to vector<16xf32>
        %get3A_1962 = arith.index_cast %add3A_1950 : i32 to index
        %get3A_1963 = tpu.vector_load %arg6[%get3A_1962] {strides = array<i32>} : memref<8192xf32, #tpu.memory_space<vmem>>, vector<16xf32>,
        %get3A_1964 = arith.index_cast %add3A_1950 : i32 to index
        %get3A_1965 = tpu.vector_load %arg7[%get3A_1964] {strides = array<i32>} : memref<8192xf32, #tpu.memory_space<vmem>>, vector<16xf32>,
        %mul3A_1966 = arith.mulf %bitcast3A_118, %bitcast3A_1957 : vector<16xf32>
        %mul3A_1967 = arith.mulf %bitcast3A_133, %bitcast3A_1961 : vector<16xf32>
        %add3A_1968 = arith.addf %mul3A_1966, %mul3A_1967 : vector<16xf32>
        %mul3A_1969 = arith.mulf %bitcast3A_148, %get3A_1963 : vector<16xf32>
        %add3A_1970 = arith.addf %add3A_1968, %mul3A_1969 : vector<16xf32>
        %add3A_1971 = arith.addf %add3A_105, %get3A_1965 : vector<16xf32>
        %sub3A_1972 = arith.subf %add3A_1971, %add3A_1970 : vector<16xf32>
        %le3A_1973 = arith.constant 4.000000e-02 : f32
        %le3A_1974 = vector.broadcast %le3A_1973 : f32 to vector<16xf32>
        %le3A_1975 = arith.cmpf ole, %sub3A_1972, %le3A_1974 : vector<16xf32>
        %masked_cumsum3A_1976 = tpu.scan <sum>, %broadcast_in_dim3A_83 masked %le3A_1975 : vector<16xi32>, vector<16xi1> -> vector<16xi32>
        %all_reduce_population_count3A_1977 = tpu.all_reduce %le3A_1975 {dim = 0 : i64, kind = #tpu.reduction_kind<sum>} : vector<16xi1> -> vector<16xi32>
        %add3A_1978 = arith.constant 880 : i32
        %add3A_1979 = arith.addi %mul3A_225, %add3A_1978 : i32
        %get3A_1980 = arith.index_cast %add3A_1979 : i32 to index
        %get3A_1981 = tpu.vector_load %arg5[%get3A_1980] {strides = array<i32>} : memref<8192xf32, #tpu.memory_space<vmem>>, vector<16xf32>,
        %bitcast3A_1982 = vector.bitcast %get3A_1981 : vector<16xf32> to vector<16xi32>
        %and3A_1983 = arith.constant -65536 : i32
        %and3A_1984 = vector.broadcast %and3A_1983 : i32 to vector<16xi32>
        %and3A_1985 = arith.andi %bitcast3A_1982, %and3A_1984 : vector<16xi32>
        %bitcast3A_1986 = vector.bitcast %and3A_1985 : vector<16xi32> to vector<16xf32>
        %shift_left3A_1987 = arith.constant 16 : i32
        %shift_left3A_1988 = vector.broadcast %shift_left3A_1987 : i32 to vector<16xi32>
        %shift_left3A_1989 = arith.shli %bitcast3A_1982, %shift_left3A_1988 : vector<16xi32>
        %bitcast3A_1990 = vector.bitcast %shift_left3A_1989 : vector<16xi32> to vector<16xf32>
        %get3A_1991 = arith.index_cast %add3A_1979 : i32 to index
        %get3A_1992 = tpu.vector_load %arg6[%get3A_1991] {strides = array<i32>} : memref<8192xf32, #tpu.memory_space<vmem>>, vector<16xf32>,
        %get3A_1993 = arith.index_cast %add3A_1979 : i32 to index
        %get3A_1994 = tpu.vector_load %arg7[%get3A_1993] {strides = array<i32>} : memref<8192xf32, #tpu.memory_space<vmem>>, vector<16xf32>,
        %mul3A_1995 = arith.mulf %bitcast3A_118, %bitcast3A_1986 : vector<16xf32>
        %mul3A_1996 = arith.mulf %bitcast3A_133, %bitcast3A_1990 : vector<16xf32>
        %add3A_1997 = arith.addf %mul3A_1995, %mul3A_1996 : vector<16xf32>
        %mul3A_1998 = arith.mulf %bitcast3A_148, %get3A_1992 : vector<16xf32>
        %add3A_1999 = arith.addf %add3A_1997, %mul3A_1998 : vector<16xf32>
        %add3A_2000 = arith.addf %add3A_105, %get3A_1994 : vector<16xf32>
        %sub3A_2001 = arith.subf %add3A_2000, %add3A_1999 : vector<16xf32>
        %le3A_2002 = arith.constant 4.000000e-02 : f32
        %le3A_2003 = vector.broadcast %le3A_2002 : f32 to vector<16xf32>
        %le3A_2004 = arith.cmpf ole, %sub3A_2001, %le3A_2003 : vector<16xf32>
        %masked_cumsum3A_2005 = tpu.scan <sum>, %broadcast_in_dim3A_83 masked %le3A_2004 : vector<16xi32>, vector<16xi1> -> vector<16xi32>
        %all_reduce_population_count3A_2006 = tpu.all_reduce %le3A_2004 {dim = 0 : i64, kind = #tpu.reduction_kind<sum>} : vector<16xi1> -> vector<16xi32>
        %add3A_2007 = arith.addi %add3A_1774, %masked_cumsum3A_1538 : vector<16xi32>
        %add3A_2008 = vector.broadcast %add3A_1512 : i32 to vector<16xi32>
        %add3A_2009 = arith.addi %iota3A, %add3A_2008 : vector<16xi32>
        tpu.vector_store_idx %arg11[%add3A_2007], %add3A_2009 masked %le3A_1537 : memref<1088xi32, #tpu.memory_space<vmem>>[vector<16xi32>], vector<16xi32>, vector<16xi1>
        %add3A_2010 = arith.addi %add3A_1774, %all_reduce_population_count3A_1539 : vector<16xi32>
        %add3A_2011 = arith.addi %add3A_2010, %masked_cumsum3A_1567 : vector<16xi32>
        %add3A_2012 = vector.broadcast %add3A_1541 : i32 to vector<16xi32>
        %add3A_2013 = arith.addi %iota3A, %add3A_2012 : vector<16xi32>
        tpu.vector_store_idx %arg11[%add3A_2011], %add3A_2013 masked %le3A_1566 : memref<1088xi32, #tpu.memory_space<vmem>>[vector<16xi32>], vector<16xi32>, vector<16xi1>
        %add3A_2014 = arith.addi %add3A_2010, %all_reduce_population_count3A_1568 : vector<16xi32>
        %add3A_2015 = arith.addi %add3A_2014, %masked_cumsum3A_1596 : vector<16xi32>
        %add3A_2016 = vector.broadcast %add3A_1570 : i32 to vector<16xi32>
        %add3A_2017 = arith.addi %iota3A, %add3A_2016 : vector<16xi32>
        tpu.vector_store_idx %arg11[%add3A_2015], %add3A_2017 masked %le3A_1595 : memref<1088xi32, #tpu.memory_space<vmem>>[vector<16xi32>], vector<16xi32>, vector<16xi1>
        %add3A_2018 = arith.addi %add3A_2014, %all_reduce_population_count3A_1597 : vector<16xi32>
        %add3A_2019 = arith.addi %add3A_2018, %masked_cumsum3A_1625 : vector<16xi32>
        %add3A_2020 = vector.broadcast %add3A_1599 : i32 to vector<16xi32>
        %add3A_2021 = arith.addi %iota3A, %add3A_2020 : vector<16xi32>
        tpu.vector_store_idx %arg11[%add3A_2019], %add3A_2021 masked %le3A_1624 : memref<1088xi32, #tpu.memory_space<vmem>>[vector<16xi32>], vector<16xi32>, vector<16xi1>
        %add3A_2022 = arith.addi %add3A_2018, %all_reduce_population_count3A_1626 : vector<16xi32>
        %add3A_2023 = arith.addi %add3A_2022, %masked_cumsum3A_1654 : vector<16xi32>
        %add3A_2024 = vector.broadcast %add3A_1628 : i32 to vector<16xi32>
        %add3A_2025 = arith.addi %iota3A, %add3A_2024 : vector<16xi32>
        tpu.vector_store_idx %arg11[%add3A_2023], %add3A_2025 masked %le3A_1653 : memref<1088xi32, #tpu.memory_space<vmem>>[vector<16xi32>], vector<16xi32>, vector<16xi1>
        %add3A_2026 = arith.addi %add3A_2022, %all_reduce_population_count3A_1655 : vector<16xi32>
        %add3A_2027 = arith.addi %add3A_2026, %masked_cumsum3A_1683 : vector<16xi32>
        %add3A_2028 = vector.broadcast %add3A_1657 : i32 to vector<16xi32>
        %add3A_2029 = arith.addi %iota3A, %add3A_2028 : vector<16xi32>
        tpu.vector_store_idx %arg11[%add3A_2027], %add3A_2029 masked %le3A_1682 : memref<1088xi32, #tpu.memory_space<vmem>>[vector<16xi32>], vector<16xi32>, vector<16xi1>
        %add3A_2030 = arith.addi %add3A_2026, %all_reduce_population_count3A_1684 : vector<16xi32>
        %add3A_2031 = arith.addi %add3A_2030, %masked_cumsum3A_1712 : vector<16xi32>
        %add3A_2032 = vector.broadcast %add3A_1686 : i32 to vector<16xi32>
        %add3A_2033 = arith.addi %iota3A, %add3A_2032 : vector<16xi32>
        tpu.vector_store_idx %arg11[%add3A_2031], %add3A_2033 masked %le3A_1711 : memref<1088xi32, #tpu.memory_space<vmem>>[vector<16xi32>], vector<16xi32>, vector<16xi1>
        %add3A_2034 = arith.addi %add3A_2030, %all_reduce_population_count3A_1713 : vector<16xi32>
        %add3A_2035 = arith.addi %add3A_2034, %masked_cumsum3A_1741 : vector<16xi32>
        %add3A_2036 = vector.broadcast %add3A_1715 : i32 to vector<16xi32>
        %add3A_2037 = arith.addi %iota3A, %add3A_2036 : vector<16xi32>
        tpu.vector_store_idx %arg11[%add3A_2035], %add3A_2037 masked %le3A_1740 : memref<1088xi32, #tpu.memory_space<vmem>>[vector<16xi32>], vector<16xi32>, vector<16xi1>
        %add3A_2038 = arith.addi %add3A_2034, %all_reduce_population_count3A_1742 : vector<16xi32>
        %add3A_2039 = arith.constant 896 : i32
        %add3A_2040 = arith.addi %mul3A_225, %add3A_2039 : i32
        %get3A_2041 = arith.index_cast %add3A_2040 : i32 to index
        %get3A_2042 = tpu.vector_load %arg5[%get3A_2041] {strides = array<i32>} : memref<8192xf32, #tpu.memory_space<vmem>>, vector<16xf32>,
        %bitcast3A_2043 = vector.bitcast %get3A_2042 : vector<16xf32> to vector<16xi32>
        %and3A_2044 = arith.constant -65536 : i32
        %and3A_2045 = vector.broadcast %and3A_2044 : i32 to vector<16xi32>
        %and3A_2046 = arith.andi %bitcast3A_2043, %and3A_2045 : vector<16xi32>
        %bitcast3A_2047 = vector.bitcast %and3A_2046 : vector<16xi32> to vector<16xf32>
        %shift_left3A_2048 = arith.constant 16 : i32
        %shift_left3A_2049 = vector.broadcast %shift_left3A_2048 : i32 to vector<16xi32>
        %shift_left3A_2050 = arith.shli %bitcast3A_2043, %shift_left3A_2049 : vector<16xi32>
        %bitcast3A_2051 = vector.bitcast %shift_left3A_2050 : vector<16xi32> to vector<16xf32>
        %get3A_2052 = arith.index_cast %add3A_2040 : i32 to index
        %get3A_2053 = tpu.vector_load %arg6[%get3A_2052] {strides = array<i32>} : memref<8192xf32, #tpu.memory_space<vmem>>, vector<16xf32>,
        %get3A_2054 = arith.index_cast %add3A_2040 : i32 to index
        %get3A_2055 = tpu.vector_load %arg7[%get3A_2054] {strides = array<i32>} : memref<8192xf32, #tpu.memory_space<vmem>>, vector<16xf32>,
        %mul3A_2056 = arith.mulf %bitcast3A_118, %bitcast3A_2047 : vector<16xf32>
        %mul3A_2057 = arith.mulf %bitcast3A_133, %bitcast3A_2051 : vector<16xf32>
        %add3A_2058 = arith.addf %mul3A_2056, %mul3A_2057 : vector<16xf32>
        %mul3A_2059 = arith.mulf %bitcast3A_148, %get3A_2053 : vector<16xf32>
        %add3A_2060 = arith.addf %add3A_2058, %mul3A_2059 : vector<16xf32>
        %add3A_2061 = arith.addf %add3A_105, %get3A_2055 : vector<16xf32>
        %sub3A_2062 = arith.subf %add3A_2061, %add3A_2060 : vector<16xf32>
        %le3A_2063 = arith.constant 4.000000e-02 : f32
        %le3A_2064 = vector.broadcast %le3A_2063 : f32 to vector<16xf32>
        %le3A_2065 = arith.cmpf ole, %sub3A_2062, %le3A_2064 : vector<16xf32>
        %masked_cumsum3A_2066 = tpu.scan <sum>, %broadcast_in_dim3A_83 masked %le3A_2065 : vector<16xi32>, vector<16xi1> -> vector<16xi32>
        %all_reduce_population_count3A_2067 = tpu.all_reduce %le3A_2065 {dim = 0 : i64, kind = #tpu.reduction_kind<sum>} : vector<16xi1> -> vector<16xi32>
        %add3A_2068 = arith.constant 912 : i32
        %add3A_2069 = arith.addi %mul3A_225, %add3A_2068 : i32
        %get3A_2070 = arith.index_cast %add3A_2069 : i32 to index
        %get3A_2071 = tpu.vector_load %arg5[%get3A_2070] {strides = array<i32>} : memref<8192xf32, #tpu.memory_space<vmem>>, vector<16xf32>,
        %bitcast3A_2072 = vector.bitcast %get3A_2071 : vector<16xf32> to vector<16xi32>
        %and3A_2073 = arith.constant -65536 : i32
        %and3A_2074 = vector.broadcast %and3A_2073 : i32 to vector<16xi32>
        %and3A_2075 = arith.andi %bitcast3A_2072, %and3A_2074 : vector<16xi32>
        %bitcast3A_2076 = vector.bitcast %and3A_2075 : vector<16xi32> to vector<16xf32>
        %shift_left3A_2077 = arith.constant 16 : i32
        %shift_left3A_2078 = vector.broadcast %shift_left3A_2077 : i32 to vector<16xi32>
        %shift_left3A_2079 = arith.shli %bitcast3A_2072, %shift_left3A_2078 : vector<16xi32>
        %bitcast3A_2080 = vector.bitcast %shift_left3A_2079 : vector<16xi32> to vector<16xf32>
        %get3A_2081 = arith.index_cast %add3A_2069 : i32 to index
        %get3A_2082 = tpu.vector_load %arg6[%get3A_2081] {strides = array<i32>} : memref<8192xf32, #tpu.memory_space<vmem>>, vector<16xf32>,
        %get3A_2083 = arith.index_cast %add3A_2069 : i32 to index
        %get3A_2084 = tpu.vector_load %arg7[%get3A_2083] {strides = array<i32>} : memref<8192xf32, #tpu.memory_space<vmem>>, vector<16xf32>,
        %mul3A_2085 = arith.mulf %bitcast3A_118, %bitcast3A_2076 : vector<16xf32>
        %mul3A_2086 = arith.mulf %bitcast3A_133, %bitcast3A_2080 : vector<16xf32>
        %add3A_2087 = arith.addf %mul3A_2085, %mul3A_2086 : vector<16xf32>
        %mul3A_2088 = arith.mulf %bitcast3A_148, %get3A_2082 : vector<16xf32>
        %add3A_2089 = arith.addf %add3A_2087, %mul3A_2088 : vector<16xf32>
        %add3A_2090 = arith.addf %add3A_105, %get3A_2084 : vector<16xf32>
        %sub3A_2091 = arith.subf %add3A_2090, %add3A_2089 : vector<16xf32>
        %le3A_2092 = arith.constant 4.000000e-02 : f32
        %le3A_2093 = vector.broadcast %le3A_2092 : f32 to vector<16xf32>
        %le3A_2094 = arith.cmpf ole, %sub3A_2091, %le3A_2093 : vector<16xf32>
        %masked_cumsum3A_2095 = tpu.scan <sum>, %broadcast_in_dim3A_83 masked %le3A_2094 : vector<16xi32>, vector<16xi1> -> vector<16xi32>
        %all_reduce_population_count3A_2096 = tpu.all_reduce %le3A_2094 {dim = 0 : i64, kind = #tpu.reduction_kind<sum>} : vector<16xi1> -> vector<16xi32>
        %add3A_2097 = arith.constant 928 : i32
        %add3A_2098 = arith.addi %mul3A_225, %add3A_2097 : i32
        %get3A_2099 = arith.index_cast %add3A_2098 : i32 to index
        %get3A_2100 = tpu.vector_load %arg5[%get3A_2099] {strides = array<i32>} : memref<8192xf32, #tpu.memory_space<vmem>>, vector<16xf32>,
        %bitcast3A_2101 = vector.bitcast %get3A_2100 : vector<16xf32> to vector<16xi32>
        %and3A_2102 = arith.constant -65536 : i32
        %and3A_2103 = vector.broadcast %and3A_2102 : i32 to vector<16xi32>
        %and3A_2104 = arith.andi %bitcast3A_2101, %and3A_2103 : vector<16xi32>
        %bitcast3A_2105 = vector.bitcast %and3A_2104 : vector<16xi32> to vector<16xf32>
        %shift_left3A_2106 = arith.constant 16 : i32
        %shift_left3A_2107 = vector.broadcast %shift_left3A_2106 : i32 to vector<16xi32>
        %shift_left3A_2108 = arith.shli %bitcast3A_2101, %shift_left3A_2107 : vector<16xi32>
        %bitcast3A_2109 = vector.bitcast %shift_left3A_2108 : vector<16xi32> to vector<16xf32>
        %get3A_2110 = arith.index_cast %add3A_2098 : i32 to index
        %get3A_2111 = tpu.vector_load %arg6[%get3A_2110] {strides = array<i32>} : memref<8192xf32, #tpu.memory_space<vmem>>, vector<16xf32>,
        %get3A_2112 = arith.index_cast %add3A_2098 : i32 to index
        %get3A_2113 = tpu.vector_load %arg7[%get3A_2112] {strides = array<i32>} : memref<8192xf32, #tpu.memory_space<vmem>>, vector<16xf32>,
        %mul3A_2114 = arith.mulf %bitcast3A_118, %bitcast3A_2105 : vector<16xf32>
        %mul3A_2115 = arith.mulf %bitcast3A_133, %bitcast3A_2109 : vector<16xf32>
        %add3A_2116 = arith.addf %mul3A_2114, %mul3A_2115 : vector<16xf32>
        %mul3A_2117 = arith.mulf %bitcast3A_148, %get3A_2111 : vector<16xf32>
        %add3A_2118 = arith.addf %add3A_2116, %mul3A_2117 : vector<16xf32>
        %add3A_2119 = arith.addf %add3A_105, %get3A_2113 : vector<16xf32>
        %sub3A_2120 = arith.subf %add3A_2119, %add3A_2118 : vector<16xf32>
        %le3A_2121 = arith.constant 4.000000e-02 : f32
        %le3A_2122 = vector.broadcast %le3A_2121 : f32 to vector<16xf32>
        %le3A_2123 = arith.cmpf ole, %sub3A_2120, %le3A_2122 : vector<16xf32>
        %masked_cumsum3A_2124 = tpu.scan <sum>, %broadcast_in_dim3A_83 masked %le3A_2123 : vector<16xi32>, vector<16xi1> -> vector<16xi32>
        %all_reduce_population_count3A_2125 = tpu.all_reduce %le3A_2123 {dim = 0 : i64, kind = #tpu.reduction_kind<sum>} : vector<16xi1> -> vector<16xi32>
        %add3A_2126 = arith.constant 944 : i32
        %add3A_2127 = arith.addi %mul3A_225, %add3A_2126 : i32
        %get3A_2128 = arith.index_cast %add3A_2127 : i32 to index
        %get3A_2129 = tpu.vector_load %arg5[%get3A_2128] {strides = array<i32>} : memref<8192xf32, #tpu.memory_space<vmem>>, vector<16xf32>,
        %bitcast3A_2130 = vector.bitcast %get3A_2129 : vector<16xf32> to vector<16xi32>
        %and3A_2131 = arith.constant -65536 : i32
        %and3A_2132 = vector.broadcast %and3A_2131 : i32 to vector<16xi32>
        %and3A_2133 = arith.andi %bitcast3A_2130, %and3A_2132 : vector<16xi32>
        %bitcast3A_2134 = vector.bitcast %and3A_2133 : vector<16xi32> to vector<16xf32>
        %shift_left3A_2135 = arith.constant 16 : i32
        %shift_left3A_2136 = vector.broadcast %shift_left3A_2135 : i32 to vector<16xi32>
        %shift_left3A_2137 = arith.shli %bitcast3A_2130, %shift_left3A_2136 : vector<16xi32>
        %bitcast3A_2138 = vector.bitcast %shift_left3A_2137 : vector<16xi32> to vector<16xf32>
        %get3A_2139 = arith.index_cast %add3A_2127 : i32 to index
        %get3A_2140 = tpu.vector_load %arg6[%get3A_2139] {strides = array<i32>} : memref<8192xf32, #tpu.memory_space<vmem>>, vector<16xf32>,
        %get3A_2141 = arith.index_cast %add3A_2127 : i32 to index
        %get3A_2142 = tpu.vector_load %arg7[%get3A_2141] {strides = array<i32>} : memref<8192xf32, #tpu.memory_space<vmem>>, vector<16xf32>,
        %mul3A_2143 = arith.mulf %bitcast3A_118, %bitcast3A_2134 : vector<16xf32>
        %mul3A_2144 = arith.mulf %bitcast3A_133, %bitcast3A_2138 : vector<16xf32>
        %add3A_2145 = arith.addf %mul3A_2143, %mul3A_2144 : vector<16xf32>
        %mul3A_2146 = arith.mulf %bitcast3A_148, %get3A_2140 : vector<16xf32>
        %add3A_2147 = arith.addf %add3A_2145, %mul3A_2146 : vector<16xf32>
        %add3A_2148 = arith.addf %add3A_105, %get3A_2142 : vector<16xf32>
        %sub3A_2149 = arith.subf %add3A_2148, %add3A_2147 : vector<16xf32>
        %le3A_2150 = arith.constant 4.000000e-02 : f32
        %le3A_2151 = vector.broadcast %le3A_2150 : f32 to vector<16xf32>
        %le3A_2152 = arith.cmpf ole, %sub3A_2149, %le3A_2151 : vector<16xf32>
        %masked_cumsum3A_2153 = tpu.scan <sum>, %broadcast_in_dim3A_83 masked %le3A_2152 : vector<16xi32>, vector<16xi1> -> vector<16xi32>
        %all_reduce_population_count3A_2154 = tpu.all_reduce %le3A_2152 {dim = 0 : i64, kind = #tpu.reduction_kind<sum>} : vector<16xi1> -> vector<16xi32>
        %add3A_2155 = arith.constant 960 : i32
        %add3A_2156 = arith.addi %mul3A_225, %add3A_2155 : i32
        %get3A_2157 = arith.index_cast %add3A_2156 : i32 to index
        %get3A_2158 = tpu.vector_load %arg5[%get3A_2157] {strides = array<i32>} : memref<8192xf32, #tpu.memory_space<vmem>>, vector<16xf32>,
        %bitcast3A_2159 = vector.bitcast %get3A_2158 : vector<16xf32> to vector<16xi32>
        %and3A_2160 = arith.constant -65536 : i32
        %and3A_2161 = vector.broadcast %and3A_2160 : i32 to vector<16xi32>
        %and3A_2162 = arith.andi %bitcast3A_2159, %and3A_2161 : vector<16xi32>
        %bitcast3A_2163 = vector.bitcast %and3A_2162 : vector<16xi32> to vector<16xf32>
        %shift_left3A_2164 = arith.constant 16 : i32
        %shift_left3A_2165 = vector.broadcast %shift_left3A_2164 : i32 to vector<16xi32>
        %shift_left3A_2166 = arith.shli %bitcast3A_2159, %shift_left3A_2165 : vector<16xi32>
        %bitcast3A_2167 = vector.bitcast %shift_left3A_2166 : vector<16xi32> to vector<16xf32>
        %get3A_2168 = arith.index_cast %add3A_2156 : i32 to index
        %get3A_2169 = tpu.vector_load %arg6[%get3A_2168] {strides = array<i32>} : memref<8192xf32, #tpu.memory_space<vmem>>, vector<16xf32>,
        %get3A_2170 = arith.index_cast %add3A_2156 : i32 to index
        %get3A_2171 = tpu.vector_load %arg7[%get3A_2170] {strides = array<i32>} : memref<8192xf32, #tpu.memory_space<vmem>>, vector<16xf32>,
        %mul3A_2172 = arith.mulf %bitcast3A_118, %bitcast3A_2163 : vector<16xf32>
        %mul3A_2173 = arith.mulf %bitcast3A_133, %bitcast3A_2167 : vector<16xf32>
        %add3A_2174 = arith.addf %mul3A_2172, %mul3A_2173 : vector<16xf32>
        %mul3A_2175 = arith.mulf %bitcast3A_148, %get3A_2169 : vector<16xf32>
        %add3A_2176 = arith.addf %add3A_2174, %mul3A_2175 : vector<16xf32>
        %add3A_2177 = arith.addf %add3A_105, %get3A_2171 : vector<16xf32>
        %sub3A_2178 = arith.subf %add3A_2177, %add3A_2176 : vector<16xf32>
        %le3A_2179 = arith.constant 4.000000e-02 : f32
        %le3A_2180 = vector.broadcast %le3A_2179 : f32 to vector<16xf32>
        %le3A_2181 = arith.cmpf ole, %sub3A_2178, %le3A_2180 : vector<16xf32>
        %masked_cumsum3A_2182 = tpu.scan <sum>, %broadcast_in_dim3A_83 masked %le3A_2181 : vector<16xi32>, vector<16xi1> -> vector<16xi32>
        %all_reduce_population_count3A_2183 = tpu.all_reduce %le3A_2181 {dim = 0 : i64, kind = #tpu.reduction_kind<sum>} : vector<16xi1> -> vector<16xi32>
        %add3A_2184 = arith.constant 976 : i32
        %add3A_2185 = arith.addi %mul3A_225, %add3A_2184 : i32
        %get3A_2186 = arith.index_cast %add3A_2185 : i32 to index
        %get3A_2187 = tpu.vector_load %arg5[%get3A_2186] {strides = array<i32>} : memref<8192xf32, #tpu.memory_space<vmem>>, vector<16xf32>,
        %bitcast3A_2188 = vector.bitcast %get3A_2187 : vector<16xf32> to vector<16xi32>
        %and3A_2189 = arith.constant -65536 : i32
        %and3A_2190 = vector.broadcast %and3A_2189 : i32 to vector<16xi32>
        %and3A_2191 = arith.andi %bitcast3A_2188, %and3A_2190 : vector<16xi32>
        %bitcast3A_2192 = vector.bitcast %and3A_2191 : vector<16xi32> to vector<16xf32>
        %shift_left3A_2193 = arith.constant 16 : i32
        %shift_left3A_2194 = vector.broadcast %shift_left3A_2193 : i32 to vector<16xi32>
        %shift_left3A_2195 = arith.shli %bitcast3A_2188, %shift_left3A_2194 : vector<16xi32>
        %bitcast3A_2196 = vector.bitcast %shift_left3A_2195 : vector<16xi32> to vector<16xf32>
        %get3A_2197 = arith.index_cast %add3A_2185 : i32 to index
        %get3A_2198 = tpu.vector_load %arg6[%get3A_2197] {strides = array<i32>} : memref<8192xf32, #tpu.memory_space<vmem>>, vector<16xf32>,
        %get3A_2199 = arith.index_cast %add3A_2185 : i32 to index
        %get3A_2200 = tpu.vector_load %arg7[%get3A_2199] {strides = array<i32>} : memref<8192xf32, #tpu.memory_space<vmem>>, vector<16xf32>,
        %mul3A_2201 = arith.mulf %bitcast3A_118, %bitcast3A_2192 : vector<16xf32>
        %mul3A_2202 = arith.mulf %bitcast3A_133, %bitcast3A_2196 : vector<16xf32>
        %add3A_2203 = arith.addf %mul3A_2201, %mul3A_2202 : vector<16xf32>
        %mul3A_2204 = arith.mulf %bitcast3A_148, %get3A_2198 : vector<16xf32>
        %add3A_2205 = arith.addf %add3A_2203, %mul3A_2204 : vector<16xf32>
        %add3A_2206 = arith.addf %add3A_105, %get3A_2200 : vector<16xf32>
        %sub3A_2207 = arith.subf %add3A_2206, %add3A_2205 : vector<16xf32>
        %le3A_2208 = arith.constant 4.000000e-02 : f32
        %le3A_2209 = vector.broadcast %le3A_2208 : f32 to vector<16xf32>
        %le3A_2210 = arith.cmpf ole, %sub3A_2207, %le3A_2209 : vector<16xf32>
        %masked_cumsum3A_2211 = tpu.scan <sum>, %broadcast_in_dim3A_83 masked %le3A_2210 : vector<16xi32>, vector<16xi1> -> vector<16xi32>
        %all_reduce_population_count3A_2212 = tpu.all_reduce %le3A_2210 {dim = 0 : i64, kind = #tpu.reduction_kind<sum>} : vector<16xi1> -> vector<16xi32>
        %add3A_2213 = arith.constant 992 : i32
        %add3A_2214 = arith.addi %mul3A_225, %add3A_2213 : i32
        %get3A_2215 = arith.index_cast %add3A_2214 : i32 to index
        %get3A_2216 = tpu.vector_load %arg5[%get3A_2215] {strides = array<i32>} : memref<8192xf32, #tpu.memory_space<vmem>>, vector<16xf32>,
        %bitcast3A_2217 = vector.bitcast %get3A_2216 : vector<16xf32> to vector<16xi32>
        %and3A_2218 = arith.constant -65536 : i32
        %and3A_2219 = vector.broadcast %and3A_2218 : i32 to vector<16xi32>
        %and3A_2220 = arith.andi %bitcast3A_2217, %and3A_2219 : vector<16xi32>
        %bitcast3A_2221 = vector.bitcast %and3A_2220 : vector<16xi32> to vector<16xf32>
        %shift_left3A_2222 = arith.constant 16 : i32
        %shift_left3A_2223 = vector.broadcast %shift_left3A_2222 : i32 to vector<16xi32>
        %shift_left3A_2224 = arith.shli %bitcast3A_2217, %shift_left3A_2223 : vector<16xi32>
        %bitcast3A_2225 = vector.bitcast %shift_left3A_2224 : vector<16xi32> to vector<16xf32>
        %get3A_2226 = arith.index_cast %add3A_2214 : i32 to index
        %get3A_2227 = tpu.vector_load %arg6[%get3A_2226] {strides = array<i32>} : memref<8192xf32, #tpu.memory_space<vmem>>, vector<16xf32>,
        %get3A_2228 = arith.index_cast %add3A_2214 : i32 to index
        %get3A_2229 = tpu.vector_load %arg7[%get3A_2228] {strides = array<i32>} : memref<8192xf32, #tpu.memory_space<vmem>>, vector<16xf32>,
        %mul3A_2230 = arith.mulf %bitcast3A_118, %bitcast3A_2221 : vector<16xf32>
        %mul3A_2231 = arith.mulf %bitcast3A_133, %bitcast3A_2225 : vector<16xf32>
        %add3A_2232 = arith.addf %mul3A_2230, %mul3A_2231 : vector<16xf32>
        %mul3A_2233 = arith.mulf %bitcast3A_148, %get3A_2227 : vector<16xf32>
        %add3A_2234 = arith.addf %add3A_2232, %mul3A_2233 : vector<16xf32>
        %add3A_2235 = arith.addf %add3A_105, %get3A_2229 : vector<16xf32>
        %sub3A_2236 = arith.subf %add3A_2235, %add3A_2234 : vector<16xf32>
        %le3A_2237 = arith.constant 4.000000e-02 : f32
        %le3A_2238 = vector.broadcast %le3A_2237 : f32 to vector<16xf32>
        %le3A_2239 = arith.cmpf ole, %sub3A_2236, %le3A_2238 : vector<16xf32>
        %masked_cumsum3A_2240 = tpu.scan <sum>, %broadcast_in_dim3A_83 masked %le3A_2239 : vector<16xi32>, vector<16xi1> -> vector<16xi32>
        %all_reduce_population_count3A_2241 = tpu.all_reduce %le3A_2239 {dim = 0 : i64, kind = #tpu.reduction_kind<sum>} : vector<16xi1> -> vector<16xi32>
        %add3A_2242 = arith.constant 1008 : i32
        %add3A_2243 = arith.addi %mul3A_225, %add3A_2242 : i32
        %get3A_2244 = arith.index_cast %add3A_2243 : i32 to index
        %get3A_2245 = tpu.vector_load %arg5[%get3A_2244] {strides = array<i32>} : memref<8192xf32, #tpu.memory_space<vmem>>, vector<16xf32>,
        %bitcast3A_2246 = vector.bitcast %get3A_2245 : vector<16xf32> to vector<16xi32>
        %and3A_2247 = arith.constant -65536 : i32
        %and3A_2248 = vector.broadcast %and3A_2247 : i32 to vector<16xi32>
        %and3A_2249 = arith.andi %bitcast3A_2246, %and3A_2248 : vector<16xi32>
        %bitcast3A_2250 = vector.bitcast %and3A_2249 : vector<16xi32> to vector<16xf32>
        %shift_left3A_2251 = arith.constant 16 : i32
        %shift_left3A_2252 = vector.broadcast %shift_left3A_2251 : i32 to vector<16xi32>
        %shift_left3A_2253 = arith.shli %bitcast3A_2246, %shift_left3A_2252 : vector<16xi32>
        %bitcast3A_2254 = vector.bitcast %shift_left3A_2253 : vector<16xi32> to vector<16xf32>
        %get3A_2255 = arith.index_cast %add3A_2243 : i32 to index
        %get3A_2256 = tpu.vector_load %arg6[%get3A_2255] {strides = array<i32>} : memref<8192xf32, #tpu.memory_space<vmem>>, vector<16xf32>,
        %get3A_2257 = arith.index_cast %add3A_2243 : i32 to index
        %get3A_2258 = tpu.vector_load %arg7[%get3A_2257] {strides = array<i32>} : memref<8192xf32, #tpu.memory_space<vmem>>, vector<16xf32>,
        %mul3A_2259 = arith.mulf %bitcast3A_118, %bitcast3A_2250 : vector<16xf32>
        %mul3A_2260 = arith.mulf %bitcast3A_133, %bitcast3A_2254 : vector<16xf32>
        %add3A_2261 = arith.addf %mul3A_2259, %mul3A_2260 : vector<16xf32>
        %mul3A_2262 = arith.mulf %bitcast3A_148, %get3A_2256 : vector<16xf32>
        %add3A_2263 = arith.addf %add3A_2261, %mul3A_2262 : vector<16xf32>
        %add3A_2264 = arith.addf %add3A_105, %get3A_2258 : vector<16xf32>
        %sub3A_2265 = arith.subf %add3A_2264, %add3A_2263 : vector<16xf32>
        %le3A_2266 = arith.constant 4.000000e-02 : f32
        %le3A_2267 = vector.broadcast %le3A_2266 : f32 to vector<16xf32>
        %le3A_2268 = arith.cmpf ole, %sub3A_2265, %le3A_2267 : vector<16xf32>
        %masked_cumsum3A_2269 = tpu.scan <sum>, %broadcast_in_dim3A_83 masked %le3A_2268 : vector<16xi32>, vector<16xi1> -> vector<16xi32>
        %all_reduce_population_count3A_2270 = tpu.all_reduce %le3A_2268 {dim = 0 : i64, kind = #tpu.reduction_kind<sum>} : vector<16xi1> -> vector<16xi32>
        %add3A_2271 = arith.addi %add3A_2038, %masked_cumsum3A_1802 : vector<16xi32>
        %add3A_2272 = vector.broadcast %add3A_1776 : i32 to vector<16xi32>
        %add3A_2273 = arith.addi %iota3A, %add3A_2272 : vector<16xi32>
        tpu.vector_store_idx %arg11[%add3A_2271], %add3A_2273 masked %le3A_1801 : memref<1088xi32, #tpu.memory_space<vmem>>[vector<16xi32>], vector<16xi32>, vector<16xi1>
        %add3A_2274 = arith.addi %add3A_2038, %all_reduce_population_count3A_1803 : vector<16xi32>
        %add3A_2275 = arith.addi %add3A_2274, %masked_cumsum3A_1831 : vector<16xi32>
        %add3A_2276 = vector.broadcast %add3A_1805 : i32 to vector<16xi32>
        %add3A_2277 = arith.addi %iota3A, %add3A_2276 : vector<16xi32>
        tpu.vector_store_idx %arg11[%add3A_2275], %add3A_2277 masked %le3A_1830 : memref<1088xi32, #tpu.memory_space<vmem>>[vector<16xi32>], vector<16xi32>, vector<16xi1>
        %add3A_2278 = arith.addi %add3A_2274, %all_reduce_population_count3A_1832 : vector<16xi32>
        %add3A_2279 = arith.addi %add3A_2278, %masked_cumsum3A_1860 : vector<16xi32>
        %add3A_2280 = vector.broadcast %add3A_1834 : i32 to vector<16xi32>
        %add3A_2281 = arith.addi %iota3A, %add3A_2280 : vector<16xi32>
        tpu.vector_store_idx %arg11[%add3A_2279], %add3A_2281 masked %le3A_1859 : memref<1088xi32, #tpu.memory_space<vmem>>[vector<16xi32>], vector<16xi32>, vector<16xi1>
        %add3A_2282 = arith.addi %add3A_2278, %all_reduce_population_count3A_1861 : vector<16xi32>
        %add3A_2283 = arith.addi %add3A_2282, %masked_cumsum3A_1889 : vector<16xi32>
        %add3A_2284 = vector.broadcast %add3A_1863 : i32 to vector<16xi32>
        %add3A_2285 = arith.addi %iota3A, %add3A_2284 : vector<16xi32>
        tpu.vector_store_idx %arg11[%add3A_2283], %add3A_2285 masked %le3A_1888 : memref<1088xi32, #tpu.memory_space<vmem>>[vector<16xi32>], vector<16xi32>, vector<16xi1>
        %add3A_2286 = arith.addi %add3A_2282, %all_reduce_population_count3A_1890 : vector<16xi32>
        %add3A_2287 = arith.addi %add3A_2286, %masked_cumsum3A_1918 : vector<16xi32>
        %add3A_2288 = vector.broadcast %add3A_1892 : i32 to vector<16xi32>
        %add3A_2289 = arith.addi %iota3A, %add3A_2288 : vector<16xi32>
        tpu.vector_store_idx %arg11[%add3A_2287], %add3A_2289 masked %le3A_1917 : memref<1088xi32, #tpu.memory_space<vmem>>[vector<16xi32>], vector<16xi32>, vector<16xi1>
        %add3A_2290 = arith.addi %add3A_2286, %all_reduce_population_count3A_1919 : vector<16xi32>
        %add3A_2291 = arith.addi %add3A_2290, %masked_cumsum3A_1947 : vector<16xi32>
        %add3A_2292 = vector.broadcast %add3A_1921 : i32 to vector<16xi32>
        %add3A_2293 = arith.addi %iota3A, %add3A_2292 : vector<16xi32>
        tpu.vector_store_idx %arg11[%add3A_2291], %add3A_2293 masked %le3A_1946 : memref<1088xi32, #tpu.memory_space<vmem>>[vector<16xi32>], vector<16xi32>, vector<16xi1>
        %add3A_2294 = arith.addi %add3A_2290, %all_reduce_population_count3A_1948 : vector<16xi32>
        %add3A_2295 = arith.addi %add3A_2294, %masked_cumsum3A_1976 : vector<16xi32>
        %add3A_2296 = vector.broadcast %add3A_1950 : i32 to vector<16xi32>
        %add3A_2297 = arith.addi %iota3A, %add3A_2296 : vector<16xi32>
        tpu.vector_store_idx %arg11[%add3A_2295], %add3A_2297 masked %le3A_1975 : memref<1088xi32, #tpu.memory_space<vmem>>[vector<16xi32>], vector<16xi32>, vector<16xi1>
        %add3A_2298 = arith.addi %add3A_2294, %all_reduce_population_count3A_1977 : vector<16xi32>
        %add3A_2299 = arith.addi %add3A_2298, %masked_cumsum3A_2005 : vector<16xi32>
        %add3A_2300 = vector.broadcast %add3A_1979 : i32 to vector<16xi32>
        %add3A_2301 = arith.addi %iota3A, %add3A_2300 : vector<16xi32>
        tpu.vector_store_idx %arg11[%add3A_2299], %add3A_2301 masked %le3A_2004 : memref<1088xi32, #tpu.memory_space<vmem>>[vector<16xi32>], vector<16xi32>, vector<16xi1>
        %add3A_2302 = arith.addi %add3A_2298, %all_reduce_population_count3A_2006 : vector<16xi32>
        %add3A_2303 = arith.addi %add3A_2302, %masked_cumsum3A_2066 : vector<16xi32>
        %add3A_2304 = vector.broadcast %add3A_2040 : i32 to vector<16xi32>
        %add3A_2305 = arith.addi %iota3A, %add3A_2304 : vector<16xi32>
        tpu.vector_store_idx %arg11[%add3A_2303], %add3A_2305 masked %le3A_2065 : memref<1088xi32, #tpu.memory_space<vmem>>[vector<16xi32>], vector<16xi32>, vector<16xi1>
        %add3A_2306 = arith.addi %add3A_2302, %all_reduce_population_count3A_2067 : vector<16xi32>
        %add3A_2307 = arith.addi %add3A_2306, %masked_cumsum3A_2095 : vector<16xi32>
        %add3A_2308 = vector.broadcast %add3A_2069 : i32 to vector<16xi32>
        %add3A_2309 = arith.addi %iota3A, %add3A_2308 : vector<16xi32>
        tpu.vector_store_idx %arg11[%add3A_2307], %add3A_2309 masked %le3A_2094 : memref<1088xi32, #tpu.memory_space<vmem>>[vector<16xi32>], vector<16xi32>, vector<16xi1>
        %add3A_2310 = arith.addi %add3A_2306, %all_reduce_population_count3A_2096 : vector<16xi32>
        %add3A_2311 = arith.addi %add3A_2310, %masked_cumsum3A_2124 : vector<16xi32>
        %add3A_2312 = vector.broadcast %add3A_2098 : i32 to vector<16xi32>
        %add3A_2313 = arith.addi %iota3A, %add3A_2312 : vector<16xi32>
        tpu.vector_store_idx %arg11[%add3A_2311], %add3A_2313 masked %le3A_2123 : memref<1088xi32, #tpu.memory_space<vmem>>[vector<16xi32>], vector<16xi32>, vector<16xi1>
        %add3A_2314 = arith.addi %add3A_2310, %all_reduce_population_count3A_2125 : vector<16xi32>
        %add3A_2315 = arith.addi %add3A_2314, %masked_cumsum3A_2153 : vector<16xi32>
        %add3A_2316 = vector.broadcast %add3A_2127 : i32 to vector<16xi32>
        %add3A_2317 = arith.addi %iota3A, %add3A_2316 : vector<16xi32>
        tpu.vector_store_idx %arg11[%add3A_2315], %add3A_2317 masked %le3A_2152 : memref<1088xi32, #tpu.memory_space<vmem>>[vector<16xi32>], vector<16xi32>, vector<16xi1>
        %add3A_2318 = arith.addi %add3A_2314, %all_reduce_population_count3A_2154 : vector<16xi32>
        %add3A_2319 = arith.addi %add3A_2318, %masked_cumsum3A_2182 : vector<16xi32>
        %add3A_2320 = vector.broadcast %add3A_2156 : i32 to vector<16xi32>
        %add3A_2321 = arith.addi %iota3A, %add3A_2320 : vector<16xi32>
        tpu.vector_store_idx %arg11[%add3A_2319], %add3A_2321 masked %le3A_2181 : memref<1088xi32, #tpu.memory_space<vmem>>[vector<16xi32>], vector<16xi32>, vector<16xi1>
        %add3A_2322 = arith.addi %add3A_2318, %all_reduce_population_count3A_2183 : vector<16xi32>
        %add3A_2323 = arith.addi %add3A_2322, %masked_cumsum3A_2211 : vector<16xi32>
        %add3A_2324 = vector.broadcast %add3A_2185 : i32 to vector<16xi32>
        %add3A_2325 = arith.addi %iota3A, %add3A_2324 : vector<16xi32>
        tpu.vector_store_idx %arg11[%add3A_2323], %add3A_2325 masked %le3A_2210 : memref<1088xi32, #tpu.memory_space<vmem>>[vector<16xi32>], vector<16xi32>, vector<16xi1>
        %add3A_2326 = arith.addi %add3A_2322, %all_reduce_population_count3A_2212 : vector<16xi32>
        %add3A_2327 = arith.addi %add3A_2326, %masked_cumsum3A_2240 : vector<16xi32>
        %add3A_2328 = vector.broadcast %add3A_2214 : i32 to vector<16xi32>
        %add3A_2329 = arith.addi %iota3A, %add3A_2328 : vector<16xi32>
        tpu.vector_store_idx %arg11[%add3A_2327], %add3A_2329 masked %le3A_2239 : memref<1088xi32, #tpu.memory_space<vmem>>[vector<16xi32>], vector<16xi32>, vector<16xi1>
        %add3A_2330 = arith.addi %add3A_2326, %all_reduce_population_count3A_2241 : vector<16xi32>
        %add3A_2331 = arith.addi %add3A_2330, %masked_cumsum3A_2269 : vector<16xi32>
        %add3A_2332 = vector.broadcast %add3A_2243 : i32 to vector<16xi32>
        %add3A_2333 = arith.addi %iota3A, %add3A_2332 : vector<16xi32>
        tpu.vector_store_idx %arg11[%add3A_2331], %add3A_2333 masked %le3A_2268 : memref<1088xi32, #tpu.memory_space<vmem>>[vector<16xi32>], vector<16xi32>, vector<16xi1>
        %add3A_2334 = arith.addi %add3A_2330, %all_reduce_population_count3A_2270 : vector<16xi32>
        %add3A_2335 = arith.constant 1 : i32
        %add3A_2336 = arith.addi %while3A_221, %add3A_2335 : i32
        %reduce_max3A = arith.constant true
        %reduce_max3A_2337 = vector.broadcast %reduce_max3A : i1 to vector<16xi1>
        %reduce_max3A_2338 = arith.constant -2147483648 : i32
        %reduce_max3A_2339 = vector.broadcast %reduce_max3A_2338 : i32 to vector<16xi32>
        %reduce_max3A_2340 = arith.xori %add3A_2334, %reduce_max3A_2339 : vector<16xi32>
        %reduce_max3A_2341 = tpu.scan <max>, %reduce_max3A_2340 masked %reduce_max3A_2337 : vector<16xi32>, vector<16xi1> -> vector<16xi32>
        %reduce_max3A_2342 = arith.xori %reduce_max3A_2341, %reduce_max3A_2339 : vector<16xi32>
        %reduce_max3A_2343 = vector.extract %reduce_max3A_2342[15] : i32 from vector<16xi32>
        scf.yield %add3A_2336, %add3A_2334, %reduce_max3A_2343 : i32, vector<16xi32>, i32
      }
      %get3A = arith.constant 0 : index
      %get3A_153 = tpu.vector_load %arg11[%get3A] {strides = array<i32>} : memref<1088xi32, #tpu.memory_space<vmem>>, vector<16xi32>,
      %eq3A_154 = arith.constant 0 : i32
      %eq3A_155 = vector.broadcast %eq3A_154 : i32 to vector<16xi32>
      %eq3A_156 = arith.cmpi eq, %iota3A, %eq3A_155 : vector<16xi32>
      %jit3A_157 = arith.constant 1073741824 : i32
      %broadcast_in_dim3A_158 = vector.broadcast %jit3A_157 : i32 to vector<16xi32>
      %select_n3A_159 = arith.select %eq3A_156, %get3A_153, %broadcast_in_dim3A_158 : vector<16xi1>, vector<16xi32>
      %reduce_min3A = arith.constant true
      %reduce_min3A_160 = vector.broadcast %reduce_min3A : i1 to vector<16xi1>
      %reduce_min3A_161 = arith.constant -2147483648 : i32
      %reduce_min3A_162 = vector.broadcast %reduce_min3A_161 : i32 to vector<16xi32>
      %reduce_min3A_163 = arith.xori %select_n3A_159, %reduce_min3A_162 : vector<16xi32>
      %reduce_min3A_164 = tpu.scan <min>, %reduce_min3A_163 masked %reduce_min3A_160 : vector<16xi32>, vector<16xi1> -> vector<16xi32>
      %reduce_min3A_165 = arith.xori %reduce_min3A_164, %reduce_min3A_162 : vector<16xi32>
      %reduce_min3A_166 = vector.extract %reduce_min3A_165[15] : i32 from vector<16xi32>
      %ge3A = arith.constant 0 : i32
      %ge3A_167 = vector.broadcast %ge3A : i32 to vector<16xi32>
      %ge3A_168 = arith.cmpi sge, %while3A_152#1, %ge3A_167 : vector<16xi32>
      %broadcast_in_dim3A_169 = vector.broadcast %reduce_min3A_166 : i32 to vector<16xi32>
      %select_n3A_170 = arith.select %ge3A_168, %broadcast_in_dim3A_169, %broadcast_in_dim3A_76 : vector<16xi1>, vector<16xi32>
      %add3A_171 = arith.constant 0 : i32
      %add3A_172 = vector.broadcast %add3A_171 : i32 to vector<16xi32>
      %add3A_173 = arith.addi %iota3A, %add3A_172 : vector<16xi32>
      %get3A_174 = arith.constant 0 : index
      %get3A_175 = tpu.vector_load %arg11[%get3A_174] {strides = array<i32>} : memref<1088xi32, #tpu.memory_space<vmem>>, vector<16xi32>,
      %le3A = arith.cmpi sle, %add3A_173, %while3A_152#1 : vector<16xi32>
      %select_n3A_176 = arith.select %le3A, %get3A_175, %select_n3A_170 : vector<16xi1>, vector<16xi32>
      %mul3A_177 = arith.constant 64 : i32
      %mul3A_178 = arith.muli %scan3A_97, %mul3A_177 : i32
      %add3A_179 = arith.constant 0 : i32
      %add3A_180 = arith.addi %mul3A_178, %add3A_179 : i32
      %swap3A = arith.index_cast %add3A_180 : i32 to index
      %swap3A_181 = tpu.vector_load %arg12[%swap3A] {strides = array<i32>} : memref<16384xi32, #tpu.memory_space<vmem>>, vector<16xi32>,
      tpu.vector_store %arg12[%swap3A], %select_n3A_176 {strides = array<i32>} : memref<16384xi32, #tpu.memory_space<vmem>>, vector<16xi32>,
      %add3A_182 = arith.constant 16 : i32
      %add3A_183 = vector.broadcast %add3A_182 : i32 to vector<16xi32>
      %add3A_184 = arith.addi %iota3A, %add3A_183 : vector<16xi32>
      %get3A_185 = arith.constant 16 : index
      %get3A_186 = tpu.vector_load %arg11[%get3A_185] {strides = array<i32>} : memref<1088xi32, #tpu.memory_space<vmem>>, vector<16xi32>,
      %le3A_187 = arith.cmpi sle, %add3A_184, %while3A_152#1 : vector<16xi32>
      %select_n3A_188 = arith.select %le3A_187, %get3A_186, %select_n3A_170 : vector<16xi1>, vector<16xi32>
      %mul3A_189 = arith.constant 64 : i32
      %mul3A_190 = arith.muli %scan3A_97, %mul3A_189 : i32
      %add3A_191 = arith.constant 16 : i32
      %add3A_192 = arith.addi %mul3A_190, %add3A_191 : i32
      %swap3A_193 = arith.index_cast %add3A_192 : i32 to index
      %swap3A_194 = tpu.vector_load %arg12[%swap3A_193] {strides = array<i32>} : memref<16384xi32, #tpu.memory_space<vmem>>, vector<16xi32>,
      tpu.vector_store %arg12[%swap3A_193], %select_n3A_188 {strides = array<i32>} : memref<16384xi32, #tpu.memory_space<vmem>>, vector<16xi32>,
      %add3A_195 = arith.constant 32 : i32
      %add3A_196 = vector.broadcast %add3A_195 : i32 to vector<16xi32>
      %add3A_197 = arith.addi %iota3A, %add3A_196 : vector<16xi32>
      %get3A_198 = arith.constant 32 : index
      %get3A_199 = tpu.vector_load %arg11[%get3A_198] {strides = array<i32>} : memref<1088xi32, #tpu.memory_space<vmem>>, vector<16xi32>,
      %le3A_200 = arith.cmpi sle, %add3A_197, %while3A_152#1 : vector<16xi32>
      %select_n3A_201 = arith.select %le3A_200, %get3A_199, %select_n3A_170 : vector<16xi1>, vector<16xi32>
      %mul3A_202 = arith.constant 64 : i32
      %mul3A_203 = arith.muli %scan3A_97, %mul3A_202 : i32
      %add3A_204 = arith.constant 32 : i32
      %add3A_205 = arith.addi %mul3A_203, %add3A_204 : i32
      %swap3A_206 = arith.index_cast %add3A_205 : i32 to index
      %swap3A_207 = tpu.vector_load %arg12[%swap3A_206] {strides = array<i32>} : memref<16384xi32, #tpu.memory_space<vmem>>, vector<16xi32>,
      tpu.vector_store %arg12[%swap3A_206], %select_n3A_201 {strides = array<i32>} : memref<16384xi32, #tpu.memory_space<vmem>>, vector<16xi32>,
      %add3A_208 = arith.constant 48 : i32
      %add3A_209 = vector.broadcast %add3A_208 : i32 to vector<16xi32>
      %add3A_210 = arith.addi %iota3A, %add3A_209 : vector<16xi32>
      %get3A_211 = arith.constant 48 : index
      %get3A_212 = tpu.vector_load %arg11[%get3A_211] {strides = array<i32>} : memref<1088xi32, #tpu.memory_space<vmem>>, vector<16xi32>,
      %le3A_213 = arith.cmpi sle, %add3A_210, %while3A_152#1 : vector<16xi32>
      %select_n3A_214 = arith.select %le3A_213, %get3A_212, %select_n3A_170 : vector<16xi1>, vector<16xi32>
      %mul3A_215 = arith.constant 64 : i32
      %mul3A_216 = arith.muli %scan3A_97, %mul3A_215 : i32
      %add3A_217 = arith.constant 48 : i32
      %add3A_218 = arith.addi %mul3A_216, %add3A_217 : i32
      %swap3A_219 = arith.index_cast %add3A_218 : i32 to index
      %swap3A_220 = tpu.vector_load %arg12[%swap3A_219] {strides = array<i32>} : memref<16384xi32, #tpu.memory_space<vmem>>, vector<16xi32>,
      tpu.vector_store %arg12[%swap3A_219], %select_n3A_214 {strides = array<i32>} : memref<16384xi32, #tpu.memory_space<vmem>>, vector<16xi32>,
    }
    %scan3A_89 = arith.constant 256 : i32
    %mul3A_90 = arith.constant 1024 : i32
    %mul3A_91 = arith.muli %select_n3A, %mul3A_90 : i32
    %mul3A_92 = arith.constant 256 : i32
    %mul3A_93 = arith.muli %select_n3A_30, %mul3A_92 : i32
    %add3A_94 = arith.addi %mul3A_91, %mul3A_93 : i32
    %mul3A_95 = arith.constant 64 : i32
    %mul3A_96 = arith.muli %add3A_94, %mul3A_95 : i32
    "tpu.region"() ({
      %run_scoped3A = tpu.sem_alloc : memref<!tpu.dma_semaphore, #tpu.memory_space<semaphore_mem>>
      %dma_start3A = tpu.memref_slice %arg4[%mul3A_96] : memref<524288xi32, #tpu.memory_space<hbm>> -> memref<16384xi32, #tpu.memory_space<hbm>>
      %dma_start3A_97 = tpu.memref_slice %arg4[%mul3A_96] : memref<524288xi32, #tpu.memory_space<hbm>> -> memref<16384xi32, #tpu.memory_space<hbm>>
      tpu.enqueue_dma source(%arg12 : memref<16384xi32, #tpu.memory_space<vmem>>) target(%dma_start3A_97 : memref<16384xi32, #tpu.memory_space<hbm>>) target_semaphore(%run_scoped3A : memref<!tpu.dma_semaphore, #tpu.memory_space<semaphore_mem>>)
      %dma_wait3A = tpu.memref_slice %arg4[%mul3A_96] : memref<524288xi32, #tpu.memory_space<hbm>> -> memref<16384xi32, #tpu.memory_space<hbm>>
      %dma_wait3A_98 = tpu.memref_slice %arg4[%mul3A_96] : memref<524288xi32, #tpu.memory_space<hbm>> -> memref<16384xi32, #tpu.memory_space<hbm>>
      tpu.wait_dma2 semaphore(%run_scoped3A : memref<!tpu.dma_semaphore, #tpu.memory_space<semaphore_mem>>) src(%arg12 : memref<16384xi32, #tpu.memory_space<vmem>>) dst(%dma_wait3A_98 : memref<16384xi32, #tpu.memory_space<hbm>>)
      tpu.yield
    }) : () -> ()
    return
  }
}

</mosaic_0001>

<sc_bundles>
// kernel: kernel.3.cloned.1.call-start
scs
__scs_entry_jumppad:
0x0: {  	(pc) =	sbr.rel $0x88, $3  }
0x1: {  	(tag) =	ssettag $0x0;
	lr =	simm.s32 $0x1  }
0x2: {  	[smem:$0x3F9F] =	sst lr;
	_ =	strace $0xD0000000  }
0x3: {  	_ = 	snop  }
0x4: {  	_ = 	snop  }
0x5: {  	_ = 	snop  }
0x6: {  	_ = 	snop  }
0x7: {  	_ = 	snop  }
__scs_overlays_trampoline_lowered:
0x8: {  	[smem:$0x3FAE] =	sst s0  }
0x9: {  	[smem:$0x3FAF] =	sst s1  }
0xa: {  	[smem:$0x3FB0] =	sst s2  }
0xb: {  	[smem:$0x3FB1] =	sst s3  }
0xc: {  	[smem:$0x3FB2] =	sst s4  }
0xd: {  	[smem:$0x3FB3] =	sst s5  }
0xe: {  	[smem:$0x3FB4] =	sst s6  }
0xf: {  	[smem:$0x3FB5] =	sst s7  }
0x10: {  	[smem:$0x3FB6] =	sst s8  }
0x11: {  	[smem:$0x3FB7] =	sst s9;
	s0 =	simm.s32 @!p0 $0x0  }
0x12: {  	s1 =	sld [smem:$0x3F9D];
	s0 =	simm.s32 @p0 $0x1  }
0x13: {  	[smem:$0x3FB8] =	sst s0;
	s0 =	simm.s32 @!p1 $0x0  }
0x14: {  	s2 =	sld [smem:$0x3F9C];
	s0 =	simm.s32 @p1 $0x1  }
0x15: {  	[smem:$0x3FB9] =	sst s0;
	s0 =	simm.s32 @!p2 $0x0  }
0x16: {  	s3 =	sld [smem:$0x3FDB];
	s0 =	simm.s32 @p2 $0x1  }
0x17: {  	s4 =	simm.s32 $0x1BF5;
	[smem:$0x3FBB] =	sst s0  }
0x18: {  	s0 =	sld [smem:$0x3F9E];
	_ =	swait.ge [sflag:s4], $0x0  }
0x19: {  	s7 =	sld [smem:$0x3F9F]  }
0x1a: {  	s8 =	sadd.s32 $0xFFFFE003, lr  }
0x1b: {  	s9 =	sadd.s32 $0xFFFFFEF7, lr;
	s5 =	simm.s32 $0xFFFFFFFF;
	p2 =	slt.u32 s8, $0xFFFFF086  }
0x1c: {  	p1 =	slt.u32 s9, $0xF7A;
	s5 =	simm.s32 @!p2 $0x0  }
0x1d: {  	s5 =	simm.s32 @p1 $0x1;
	p0 =	seq.s32 s7, s2  }
0x1e: {  	s7 =	smul.u32 @!p0 $0xF7A, s2;
	p2 =	seq.s32 @!p0 s5, $0x0  }
0x1f: {  	s9 =	smul.u32 $0xF7A, s1;
	s8 =	simm.s32 @!p0 $0x1BF5;
	p2 =	por !p2, p0  }
0x20: {  	[sflag:s8] =	ssyncset.s32 @!p0 $0xFFFFF086;
	s6 =	sadd.s32 @!p0 s3, s7;
	s7 =	simm.s32 @!p0 $0x108  }
0x21: {  	s3 =	sadd.s32 s3, s9;
	s6 =	sadd.s32 @!p0 $0x88, s6;
	s7 =	simm.s32 @p2 $0x1082  }
0x22: {  	[simem:s7], [sflag:s8] =	dma.local @!p0 [hbm:s6], $0xF7A  }
0x23: {  	s9 =	sor.u32 $0xD0000000, s2;
	s6 =	simm.s32 $0x108;
	_ =	swait.ge @!p0 [sflag:s8], $0x0  }
0x24: {  	s3 =	sadd.s32 $0x88, s3;
	s6 =	simm.s32 @!p1 $0x1082;
	[sflag:s4] =	ssyncset.s32 $0xFFFFF086  }
0x25: {  	[simem:s6], [sflag:s4] =	dma.local [hbm:s3], $0xF7A  }
0x26: {  	[smem:$0x3F9F] =	sst s1;
	(tag) =	ssettag s2;
	_ =	strace s9  }
0x27: {  	s1 =	sld [smem:$0x3FAF]  }
0x28: {  	s2 =	sld [smem:$0x3FB0]  }
0x29: {  	s4 =	sld [smem:$0x3FB2]  }
0x2a: {  	p0 =	seq.s32 s5, $0x0;
	s5 =	sld [smem:$0x3FB3]  }
0x2b: {  	s6 =	sld [smem:$0x3FB4]  }
0x2c: {  	s7 =	sld [smem:$0x3FB5]  }
0x2d: {  	s3 =	simm.s32 $0x108;
	s8 =	sld [smem:$0x3FB6]  }
0x2e: {  	s3 =	simm.s32 @!p0 $0x1082;
	s9 =	sld [smem:$0x3FB7]  }
0x2f: {  	lr =	sadd.s32 s0, s3;
	s0 =	sld [smem:$0x3FAE]  }
0x30: {  	s3 =	sld [smem:$0x3FB1]  }
0x31: {  	[smem:$0x3FBA] =	sst s10  }
0x32: {  	s10 =	sld [smem:$0x3FB8];
	_ =	sdelay $0x3  }
0x33: {  	p0 =	seq.s32 s10, $0x1;
	s10 =	sld [smem:$0x3FBA];
	_ =	sdelay $0x3  }
0x34: {  	[smem:$0x3FBA] =	sst s10  }
0x35: {  	s10 =	sld [smem:$0x3FB9];
	_ =	sdelay $0x3  }
0x36: {  	p1 =	seq.s32 s10, $0x1;
	s10 =	sld [smem:$0x3FBA];
	_ =	sdelay $0x3  }
0x37: {  	[smem:$0x3FBA] =	sst s10  }
0x38: {  	s10 =	sld [smem:$0x3FBB]  }
0x39: {  	_ = 	snop;
	(pc) =	sbr.ind lr, $3  }
0x3a: {  	_ = 	snop  }
0x3b: {  	_ = 	snop  }
0x3c: {  	p2 =	seq.s32 s10, $0x1;
	s10 =	sld [smem:$0x3FBA]  }
0x3d: {  	_ =	shalt  }
0x3e: {  	_ =	shalt  }
0x3f: {  	_ =	shalt  }
0x40: {  	_ =	shalt  }
0x41: {  	_ =	shalt  }
0x42: {  	_ =	shalt  }
0x43: {  	_ =	shalt  }
0x44: {  	_ =	shalt  }
0x45: {  	_ =	shalt  }
0x46: {  	_ =	shalt  }
0x47: {  	_ =	shalt  }
0x48: {  	_ =	shalt  }
0x49: {  	_ =	shalt  }
0x4a: {  	_ =	shalt  }
0x4b: {  	_ =	shalt  }
0x4c: {  	_ =	shalt  }
0x4d: {  	_ =	shalt  }
0x4e: {  	_ =	shalt  }
0x4f: {  	_ =	shalt  }
0x50: {  	_ =	shalt  }
0x51: {  	_ =	shalt  }
0x52: {  	_ =	shalt  }
0x53: {  	_ =	shalt  }
0x54: {  	_ =	shalt  }
0x55: {  	_ =	shalt  }
0x56: {  	_ =	shalt  }
0x57: {  	_ =	shalt  }
0x58: {  	_ =	shalt  }
0x59: {  	_ =	shalt  }
0x5a: {  	_ =	shalt  }
0x5b: {  	_ =	shalt  }
0x5c: {  	_ =	shalt  }
0x5d: {  	_ =	shalt  }
0x5e: {  	_ =	shalt  }
0x5f: {  	_ =	shalt  }
0x60: {  	_ =	shalt  }
0x61: {  	_ =	shalt  }
0x62: {  	_ =	shalt  }
0x63: {  	_ =	shalt  }
0x64: {  	_ =	shalt  }
0x65: {  	_ =	shalt  }
0x66: {  	_ =	shalt  }
0x67: {  	_ =	shalt  }
0x68: {  	_ =	shalt  }
0x69: {  	_ =	shalt  }
0x6a: {  	_ =	shalt  }
0x6b: {  	_ =	shalt  }
0x6c: {  	_ =	shalt  }
0x6d: {  	_ =	shalt  }
0x6e: {  	_ =	shalt  }
0x6f: {  	_ =	shalt  }
0x70: {  	_ =	shalt  }
0x71: {  	_ =	shalt  }
0x72: {  	_ =	shalt  }
0x73: {  	_ =	shalt  }
0x74: {  	_ =	shalt  }
0x75: {  	_ =	shalt  }
0x76: {  	_ =	shalt  }
0x77: {  	_ =	shalt  }
0x78: {  	_ =	shalt  }
0x79: {  	_ =	shalt  }
0x7a: {  	_ =	shalt  }
0x7b: {  	_ =	shalt  }
0x7c: {  	_ =	shalt  }
0x7d: {  	_ =	shalt  }
0x7e: {  	_ =	shalt  }
0x7f: {  	_ =	shalt  }
0x80: {  	_ =	shalt  }
0x81: {  	_ =	shalt  }
0x82: {  	_ =	shalt  }
0x83: {  	_ =	shalt  }
0x84: {  	_ =	shalt  }
0x85: {  	_ =	shalt  }
0x86: {  	_ =	shalt  }
0x87: {  	_ =	shalt  }
.Lfunc_end0:
.L_simem_size_0:
called_computation_lowered:
.L_overlay_start_0:
0x88: {  	s2 =	sld [smem:$0x3FD9]  }
0x89: {  	s3 =	sld [smem:$0x3FFE];
	_ =	sdelay $0x1  }
0x8a: {  	s1 =	srdreg.scid  }
0x8b: {  	s0 =	sand.u32 $0x1, s1  }
0x8c: {  	s17 =	sshll.u32 s0, $0xA;
	s2 =	sadd.s32 s3, s2  }
0x8d: {  	s2 =	sadd.s32 s2, s17  }
0x8e: {  	[smem:$0x3FC6] =	sst s2  }
0x8f: {  	_ = 	snop  }
0x90: {  	s2 =	sld [smem:$0x3FD0];
	(tm) =	ssettm $0x1  }
0x91: {  	s18 =	sld [smem:$0x3FFB];
	_ =	sdelay $0x3  }
0x92: {  	_ =	strace s18  }
0x93: {  	s3 =	sld [smem:$0x3FFC];
	_ =	sdelay $0x3  }
0x94: {  	_ =	strace s3  }
0x95: {  	s3 =	sld [smem:$0x3FFD];
	_ =	sdelay $0x3  }
0x96: {  	_ =	strace s3  }
0x97: {  	_ =	strace $0x8FFFFFFF  }
0x98: {  	s19 =	sld [smem:$0x3FDB];
	_ =	sdelay $0x1  }
0x99: {  	s4 =	simm.s32 $_scs_section_size  }
0x9a: {  	s5 =	simm.s32 $_size__tile_overlayer_lowered;
	s6 =	simm.s32 $_tile_overlayer_lowered  }
0x9b: {  	s22 =	simm.s32 $0x1BFF;
	s21 =	sshll.u32 s6, $0x1;
	s3 =	sadd.s32 s4, s19  }
0x9c: {  	s7 =	simm.s32 $0x0;
	s20 =	sshll.u32 s5, $0x1;
	s5 =	sadd.s32 s21, s3  }
0x9d: {  	[timem:s7], [sflag:s22] =	dma.local [hbm:s5], s20  }
0x9e: {  	_ =	swait.ge [sflag:s22], s20  }
0x9f: {  	s4 =	ssub.s32 $0x0, s20;
	[sflag:s22] =	ssyncset.done $0x0  }
0xa0: {  	[sflag:s22] =	ssyncadd.s32 s4;
	_ =	sdelay $0x1  }
0xa1: {  	s23 =	simm.s32 $0x1B8B  }
0xa2: {  	_ =	swait.ge [sflag:s23], $0x1  }
0xa3: {  	[sflag:s23] =	ssyncset.done $0x0  }
0xa4: {  	s25 =	simm.s32 $0x1B8E;
	s24 =	sld [smem:$0x3FFE];
	[sflag:s23] =	ssyncadd.s32 $0xFFFFFFFF  }
0xa5: {  	s26 =	simm.s32 $execute0_lowered;
	[smem:$0x3FD2] =	sst s25  }
0xa6: {  	s5 =	sshll.u32 s26, $0x1;
	_ =	strace $0x80000046;
	[dreg:$0x1] =	wrdreg $0xFFFFFFFF  }
0xa7: {  	s28 =	simm.s32 $_size_execute0_lowered;
	s3 =	sadd.s32 s3, s5;
	[dreg:$0x0] =	wrdreg $0x0  }
0xa8: {  	s5 =	sshll.u32 s28, $0x1;
	[dreg:$0x2] =	wrdreg s3  }
0xa9: {  	[dreg:$0x3] =	wrdreg s5  }
0xaa: {  	[dreg:$0x4] =	wrdreg $0xC0  }
0xab: {  	_ =	task [dreg:s7], $0x5FFFF  }
0xac: {  	[dreg:$0x1] =	wrdreg $0xFFFFFFFF  }
0xad: {  	[dreg:$0x0] =	wrdreg $0x60  }
0xae: {  	[dreg:$0x2] =	wrdreg s24  }
0xaf: {  	[dreg:$0x3] =	wrdreg s2  }
0xb0: {  	[dreg:$0x4] =	wrdreg $0x9  }
0xb1: {  	_ =	task.clear_ibuf [dreg:s7], $0x5FFFF;
	_ =	strace $0x90000046  }
0xb2: {  	s29 =	simm.s32 $0x9;
	_ =	strace $0x80000048  }
0xb3: {  	_ =	swait.ge [sflag:s29], $0x1  }
0xb4: {  	[sflag:s29] =	ssyncadd.s32 $0xFFFFFFFF  }
0xb5: {  	_ =	strace $0x90000048  }
0xb6: {  	_ =	sfence  }
0xb7: {  	s30 =	sld [smem:$0x0];
	_ =	sdelay $0x2  }
0xb8: {  	s31 =	sshll.u32 s1, $0xD;
	s1 =	sshrl.u32 s1, $0x2  }
0xb9: {  	s3 =	sand.u32 $0x4000, s31;
	s1 =	sadd.s32 s1, s30  }
0xba: {  	s0 =	sor.u32 s3, s0;
	s1 =	sshll.u32 s1, $0x11  }
0xbb: {  	s0 =	sor.u32 s1, s0  }
0xbc: {  	s0 =	sadd.s32 $0x8F2B, s0  }
0xbd: {  	[sflag:s0] =	ssyncadd.remote.s32 $0x1  }
0xbe: {  	_ =	sfence.sel $0xFFFF  }
0xbf: {  	[dreg:$0x0] =	wrdreg $0xFFFFFFFF;
	(pc) =	sbr.abs _section_cstart, $3  }
0xc0: {  	[dreg:$0x1] =	wrdreg $0xFFFFFFFF  }
0xc1: {  	_ =	task.clear_ibuf [dreg:s7], $0x2FFFF;
	_ =	strace $0x9FFFFFFF  }
0xc2: {  	(tm) =	ssettm $0x7FFFFFFF  }
0xc3: {  	_ =	shalt  }
tec
execute0_lowered:
.L_overlay_start_1:
0x0: {  	(tag) =	ssettag $0x1  }
0x1: {  	s3 =	rddreg [dreg:$0x0]  }
0x2: {  	s8 =	rddreg [dreg:$0x1]  }
0x3: {  	s0 =	rddreg [dreg:$0x2]  }
0x4: {  	s1 =	simm.s32 $0x0;
	s4 =	srdreg.scid;
	s2 =	stileid.u32  }
0x5: {  	s16 =	simm.s32 $0x6200;
	s17 =	simm.s32 $0x6300;
	s18 =	simm.s32 $0x6780  }
0x6: {  	s19 =	simm.s32 $0x0;
	[smem:$0x7FF] =	sst s1;
	s5 =	sadd.s32 $0x1000, s3  }
0x7: {  	s4 =	sand.u32 $0x1, s4;
	s6 =	sshll.u32 s2, $0x1;
	s9 =	sshrl.u32 s2, $0x1  }
0x8: {  	s11 =	sadd.s32 $0x400, s3;
	_ =	strace $0x80000047;
	s7 =	ssub.s32 $0x2, s4  }
0x9: {  	s6 =	sand.u32 $0x2, s6;
	s10 =	smul.u32 $0xC00, s9;
	s9 =	sshll.u32 s9, $0xD  }
0xa: {  	s28 =	sshrl.u32 s7, $0x1;
	s12 =	sor.u32 s4, s6;
	s9 =	sadd.s32 s8, s9  }
0xb: {  	s13 =	ssub.s32 s7, s28;
	s29 =	sadd.s32 $0x400, s10;
	s14 =	sshll.u32 s12, $0x8  }
0xc: {  	s3 =	sadd.s32 s5, s10;
	s12 =	sshll.u32 s12, $0xB;
	s4 =	sadd.s32 s5, s29  }
0xd: {  	s30 =	sor.u32 s10, s14;
	s10 =	sadd.s32 $0x800, s10;
	s15 =	sor.u32 s29, s14  }
0xe: {  	s9 =	sadd.s32 s12, s9;
	s12 =	simm.s32 $0x2000;
	s7 =	sshrl.u32 s30, $0x3  }
0xf: {  	s5 =	sadd.s32 s5, s10;
	s31 =	sshrl.u32 s15, $0x3;
	s10 =	sor.u32 s10, s14  }
0x10: {  	s14 =	simm.s32 $0x6000;
	s15 =	simm.s32 $0x6100;
	s10 =	sshrl.u32 s10, $0x3  }
0x11: {  	s6 =	sadd.s32 s11, s7;
	s7 =	sadd.s32 s11, s31;
	s8 =	sadd.s32 s11, s10  }
0x12: {  	v0 =	vimm.s32 $0x1;
	v1 =	vlaneseq.u32;
	s10 =	smax.u32 s13, $0x1;
	s11 =	simm.s32 $0x1;
	s13 =	simm.s32 $0x4000  }
.LBB2_1:
0x13: {  	[tilespmem:s1], [sflag:$0x1] =	stream.linear.gather [hbm4b:s3+s1], $0x2000, $0x38;
	[tilespmem:$0xA780] =	vst v63  }
0x14: {  	_ =	swait.ge [sflag:s11], $0x2000  }
0x15: {  	[sflag:s11] =	ssyncset.done $0x0  }
0x16: {  	[sflag:s11] =	ssyncadd.s32 $0xFFFFE000  }
0x17: {  	[tilespmem:s12], [sflag:$0x1] =	stream.linear.gather [hbm4b:s4+s1], $0x2000, $0x38;
	[tilespmem:$0xA780] =	vst v63  }
0x18: {  	_ =	swait.ge [sflag:s11], $0x2000  }
0x19: {  	[sflag:s11] =	ssyncset.done $0x0  }
0x1a: {  	[sflag:s11] =	ssyncadd.s32 $0xFFFFE000  }
0x1b: {  	[tilespmem:s13], [sflag:$0x1] =	stream.linear.gather [hbm4b:s5+s1], $0x2000, $0x38;
	[tilespmem:$0xA780] =	vst v63  }
0x1c: {  	_ =	swait.ge [sflag:s11], $0x2000  }
0x1d: {  	[sflag:s11] =	ssyncset.done $0x0  }
0x1e: {  	[sflag:s11] =	ssyncadd.s32 $0xFFFFE000  }
0x1f: {  	[tilespmem:s14], [sflag:$0x1] =	stream.linear.gather [hbm4b:s6+s1], $0x100, $0x38;
	[tilespmem:$0xA780] =	vst v63  }
0x20: {  	_ =	swait.ge [sflag:s11], $0x100  }
0x21: {  	[sflag:s11] =	ssyncset.done $0x0  }
0x22: {  	[sflag:s11] =	ssyncadd.s32 $0xFFFFFF00  }
0x23: {  	[tilespmem:s15], [sflag:$0x1] =	stream.linear.gather [hbm4b:s7+s1], $0x100, $0x38;
	[tilespmem:$0xA780] =	vst v63  }
0x24: {  	_ =	swait.ge [sflag:s11], $0x100  }
0x25: {  	[sflag:s11] =	ssyncset.done $0x0  }
0x26: {  	[sflag:s11] =	ssyncadd.s32 $0xFFFFFF00  }
0x27: {  	[tilespmem:s16], [sflag:$0x1] =	stream.linear.gather [hbm4b:s8+s1], $0x100, $0x38;
	[tilespmem:$0xA780] =	vst v63  }
0x28: {  	_ =	swait.ge [sflag:s11], $0x100  }
0x29: {  	[sflag:s11] =	ssyncset.done $0x0  }
0x2a: {  	s20 =	simm.s32 $0x0;
	[sflag:s11] =	ssyncadd.s32 $0xFFFFFF00  }
0x2b: {  	v2 =	vld [tilespmem:s20+$0x4000]  }
0x2c: {  	v3 =	vld [tilespmem:s20+$0x2000]  }
0x2d: {  	v4 =	vld [tilespmem:s20+$0x0];
	_ =	sdelay $0x3  }
0x2e: {  	v5 =	vshrl.u32 v2, $0x10;
	v6 =	vmul.f32 v2, v2;
	v7 =	vshrl.u32 v3, $0x10  }
0x2f: {  	v8 =	vmul.f32 v3, v3;
	v9 =	vmul.f32 v4, v4;
	v7 =	vand.u32 $0x1, v7  }
0x30: {  	v5 =	vand.u32 $0x1, v5;
	v3 =	vadd.s32 v7, v3;
	v7 =	vshrl.u32 v4, $0x10  }
0x31: {  	v2 =	vadd.s32 v5, v2;
	v5 =	vand.u32 $0x1, v7;
	v3 =	vadd.s32 $0x7FFF, v3  }
0x32: {  	v7 =	vadd.f32 v8, v9;
	v4 =	vadd.s32 v5, v4;
	v3 =	vand.u32 $0xFFFF0000, v3  }
0x33: {  	v2 =	vadd.s32 $0x7FFF, v2;
	v4 =	vadd.s32 $0x7FFF, v4;
	v5 =	vadd.f32 v3, v3  }
0x34: {  	v2 =	vand.u32 $0xFFFF0000, v2;
	v3 =	vadd.f32 v6, v7;
	v4 =	vand.u32 $0xFFFF0000, v4  }
0x35: {  	s21 =	simm.s32 $0x40;
	s22 =	simm.s32 $0x80;
	v2 =	vadd.f32 v2, v2;
	v4 =	vadd.f32 v4, v4;
	v5 =	vshrl.u32 v5, $0x10  }
.LBB2_2:
0x36: {  	p0 =	sne.s32 s22, $0x7FC0  }
0x37: {  	s23 =	sshra.s32 s21, $0x2;
	[tilespmem:s20+$0x4000] =	vst v3;
	s21 =	smov.u32 s22;
	s22 =	sadd.s32 $0x40, s22  }
0x38: {  	v3 =	vld [tilespmem:s23+$0x4000];
	v4 =	vor.u32 v4, v5;
	[tilespmem:s20+$0x2000] =	vst v2  }
0x39: {  	v2 =	vld [tilespmem:s23+$0x2000];
	[tilespmem:s20+$0x0] =	vst v4;
	s20 =	smov.u32 s23;
	_ =	sdelay $0x1  }
0x3a: {  	v4 =	vld [tilespmem:s20+$0x0];
	_ =	sdelay $0x1  }
0x3b: {  	v5 =	vshrl.u32 v3, $0x10  }
0x3c: {  	v6 =	vmul.f32 v3, v3;
	v7 =	vshrl.u32 v2, $0x10;
	v5 =	vand.u32 $0x1, v5  }
0x3d: {  	v8 =	vmul.f32 v2, v2;
	v7 =	vand.u32 $0x1, v7;
	v3 =	vadd.s32 v5, v3  }
0x3e: {  	v5 =	vmul.f32 v4, v4;
	v9 =	vshrl.u32 v4, $0x10;
	v2 =	vadd.s32 v7, v2  }
.Ltmp0:
0x3f: {  	v3 =	vadd.s32 $0x7FFF, v3;
	v7 =	vand.u32 $0x1, v9;
	v2 =	vadd.s32 $0x7FFF, v2;
	(pc) =	sbr.rel @p0 .LBB2_2-.Ltmp0, $4  }
0x40: {  	v5 =	vadd.f32 v8, v5;
	v4 =	vadd.s32 v7, v4;
	v2 =	vand.u32 $0xFFFF0000, v2  }
0x41: {  	v4 =	vadd.s32 $0x7FFF, v4;
	v7 =	vadd.f32 v2, v2;
	v2 =	vand.u32 $0xFFFF0000, v3  }
0x42: {  	v3 =	vadd.f32 v6, v5;
	v4 =	vand.u32 $0xFFFF0000, v4;
	v2 =	vadd.f32 v2, v2  }
0x43: {  	v4 =	vadd.f32 v4, v4;
	v5 =	vshrl.u32 v7, $0x10  }
0x44: {  	s21 =	sshra.s32 s21, $0x2;
	[tilespmem:s20+$0x4000] =	vst v3  }
0x45: {  	v3 =	vld [tilespmem:s21+$0x4000];
	[tilespmem:s20+$0x2000] =	vst v2  }
0x46: {  	v2 =	vor.u32 v4, v5;
	v58 =	vld [tilespmem:s21+$0x2000]  }
0x47: {  	[tilespmem:s20+$0x0] =	vst v2  }
0x48: {  	v2 =	vld [tilespmem:s21+$0x0];
	_ =	sdelay $0x2  }
0x49: {  	v59 =	vshrl.u32 v3, $0x10;
	v6 =	vmul.f32 v3, v3;
	v7 =	vshrl.u32 v58, $0x10  }
0x4a: {  	v5 =	vand.u32 $0x1, v59;
	v8 =	vmul.f32 v58, v58;
	v7 =	vand.u32 $0x1, v7  }
0x4b: {  	v9 =	vmul.f32 v2, v2;
	v60 =	vshrl.u32 v2, $0x10;
	v3 =	vadd.s32 v5, v3  }
0x4c: {  	v4 =	vadd.s32 v7, v58;
	v61 =	vand.u32 $0x1, v60;
	v3 =	vadd.s32 $0x7FFF, v3  }
0x4d: {  	v4 =	vadd.s32 $0x7FFF, v4;
	v62 =	vadd.f32 v8, v9;
	v2 =	vadd.s32 v61, v2  }
0x4e: {  	v3 =	vand.u32 $0xFFFF0000, v3;
	v4 =	vand.u32 $0xFFFF0000, v4;
	v2 =	vadd.s32 $0x7FFF, v2  }
0x4f: {  	v3 =	vadd.f32 v3, v3;
	v4 =	vadd.f32 v4, v4;
	v2 =	vand.u32 $0xFFFF0000, v2  }
0x50: {  	v63 =	vadd.f32 v6, v62;
	v2 =	vadd.f32 v2, v2  }
0x51: {  	[tilespmem:s21+$0x2000] =	vst v3;
	v4 =	vshrl.u32 v4, $0x10  }
0x52: {  	[tilespmem:s21+$0x4000] =	vst v63;
	v2 =	vor.u32 v2, v4  }
0x53: {  	s20 =	simm.s32 $0x0;
	[tilespmem:s21+$0x0] =	vst v2  }
.LBB2_4:
0x54: {  	v2 =	vmov s20;
	_ =	sdelay $0x4  }
0x55: {  	v3 =	vld.idx.msk [tilespmem:v2+s14+$0x0], $0xffff  }
0x56: {  	v4 =	vld.idx.msk [tilespmem:v2+s15+$0x0], $0xffff;
	_ =	sdelay $0x1  }
0x57: {  	v5 =	vld.idx.msk [tilespmem:v2+s16+$0x0], $0xffff;
	_ =	sdelay $0x2  }
0x58: {  	v2 =	vmul.f32 v3, v3;
	v6 =	vmul.f32 v4, v4;
	_ =	sdelay $0x1  }
0x59: {  	v2 =	vadd.f32 v6, v2;
	v6 =	vmul.f32 v5, v5;
	_ =	sdelay $0x1  }
0x5a: {  	v2 =	vadd.f32 v6, v2;
	v6 =	vshrl.u32 v3, $0x10  }
0x5b: {  	v7 =	vshrl.u32 v4, $0x10;
	v8 =	vshrl.u32 v5, $0x10;
	v6 =	vand.u32 $0x1, v6  }
0x5c: {  	v3 =	vadd.s32 v6, v3;
	v6 =	vand.u32 $0x1, v7;
	v7 =	vand.u32 $0x1, v8  }
0x5d: {  	v4 =	vadd.s32 v6, v4;
	v3 =	vadd.s32 $0x7FFF, v3;
	v5 =	vadd.s32 v7, v5  }
0x5e: {  	v6 =	vimm.s32 $0xFFFFFFFF;
	v4 =	vadd.s32 $0x7FFF, v4;
	v5 =	vadd.s32 $0x7FFF, v5  }
0x5f: {  	s21 =	simm.s32 $0x0;
	v3 =	vand.u32 $0xFFFF0000, v3;
	v4 =	vand.u32 $0xFFFF0000, v4;
	v5 =	vand.u32 $0xFFFF0000, v5  }
.LBB2_5:
0x60: {  	s22 =	sshll.u32 s21, $0xA  }
0x61: {  	v7 =	vld [tilespmem:s22+$0x0]  }
0x62: {  	v8 =	vld [tilespmem:s22+$0x2000]  }
0x63: {  	v9 =	vld [tilespmem:s22+$0x10]  }
0x64: {  	v11 =	vld [tilespmem:s22+$0x4000]  }
0x65: {  	v12 =	vld [tilespmem:s22+$0x2010]  }
0x66: {  	v60 =	vld [tilespmem:s22+$0x20]  }
0x67: {  	v14 =	vld [tilespmem:s22+$0x4010]  }
0x68: {  	v61 =	vld [tilespmem:s22+$0x30]  }
0x69: {  	v16 =	vld [tilespmem:s22+$0x4020]  }
0x6a: {  	v20 =	vld [tilespmem:s22+$0x40]  }
0x6b: {  	v17 =	vld [tilespmem:s22+$0x4030]  }
0x6c: {  	v24 =	vld [tilespmem:s22+$0x50]  }
0x6d: {  	v18 =	vld [tilespmem:s22+$0x4040]  }
0x6e: {  	v28 =	vld [tilespmem:s22+$0x60]  }
0x6f: {  	v19 =	vld [tilespmem:s22+$0x4050];
	v10 =	vand.u32 $0xFFFF0000, v7  }
0x70: {  	v41 =	vld [tilespmem:s22+$0x20B0];
	v7 =	vshll.u32 v7, $0x10;
	v8 =	vmul.f32 v5, v8;
	v13 =	vand.u32 $0xFFFF0000, v9  }
0x71: {  	v32 =	vld [tilespmem:s22+$0x70];
	v9 =	vshll.u32 v9, $0x10;
	v11 =	vadd.f32 v11, v2;
	v12 =	vmul.f32 v5, v12  }
0x72: {  	v52 =	vld [tilespmem:s22+$0x80];
	v15 =	vand.u32 $0xFFFF0000, v60;
	v63 =	vadd.f32 v14, v2;
	v21 =	vand.u32 $0xFFFF0000, v61  }
0x73: {  	v37 =	vld [tilespmem:s22+$0xB0];
	v23 =	vadd.f32 v16, v2;
	v25 =	vand.u32 $0xFFFF0000, v20;
	v14 =	vshll.u32 v20, $0x10  }
0x74: {  	v27 =	vadd.f32 v17, v2;
	v29 =	vand.u32 $0xFFFF0000, v24;
	v31 =	vadd.f32 v18, v2  }
0x75: {  	v50 =	vld [tilespmem:s22+$0x40D0];
	v33 =	vand.u32 $0xFFFF0000, v28;
	v51 =	vadd.f32 v19, v2;
	v47 =	vmul.f32 v5, v41  }
0x76: {  	v53 =	vand.u32 $0xFFFF0000, v32;
	v10 =	vmul.f32 v10, v3;
	v7 =	vmul.f32 v7, v4  }
0x77: {  	v57 =	vand.u32 $0xFFFF0000, v52;
	v13 =	vmul.f32 v13, v3;
	v9 =	vmul.f32 v9, v4  }
0x78: {  	v56 =	vld [tilespmem:s22+$0x90];
	v42 =	vand.u32 $0xFFFF0000, v37;
	v15 =	vmul.f32 v15, v3;
	v16 =	vmul.f32 v25, v3  }
0x79: {  	v48 =	vld [tilespmem:s22+$0xD0];
	v44 =	vshll.u32 v37, $0x10;
	v14 =	vmul.f32 v14, v4;
	v17 =	vmul.f32 v29, v3  }
0x7a: {  	v37 =	vadd.f32 v50, v2;
	v18 =	vmul.f32 v33, v3;
	v19 =	vmul.f32 v53, v3  }
0x7b: {  	v20 =	vld [tilespmem:s22+$0x4060];
	v33 =	vor.u32 s22, v1;
	v7 =	vadd.f32 v7, v10;
	v9 =	vadd.f32 v9, v13  }
0x7c: {  	v62 =	vld [tilespmem:s22+$0x2030];
	v10 =	vshll.u32 v60, $0x10;
	v13 =	vshll.u32 v61, $0x10;
	v14 =	vadd.f32 v14, v16  }
0x7d: {  	v25 =	vld [tilespmem:s22+$0x40C0];
	v16 =	vshll.u32 v28, $0x10;
	v61 =	vand.u32 $0xFFFF0000, v56;
	v10 =	vmul.f32 v10, v4  }
0x7e: {  	v28 =	vand.u32 $0xFFFF0000, v48;
	v13 =	vmul.f32 v13, v4;
	v16 =	vmul.f32 v16, v4  }
0x7f: {  	v60 =	vld [tilespmem:s22+$0xA0];
	v28 =	vmul.f32 v28, v3;
	v7 =	vadd.f32 v7, v8;
	v9 =	vadd.f32 v9, v12  }
0x80: {  	v8 =	vld [tilespmem:s22+$0x2020];
	v55 =	vadd.f32 v20, v2;
	v20 =	vmul.f32 v57, v3;
	v10 =	vadd.f32 v10, v15  }
0x81: {  	v15 =	vmul.f32 v21, v3;
	v16 =	vadd.f32 v16, v18;
	v18 =	vshll.u32 v52, $0x10  }
0x82: {  	v22 =	vld [tilespmem:s22+$0x2040];
	v25 =	vadd.f32 v25, v2;
	v7 =	vsub.f32 v11, v7;
	v11 =	vmul.f32 v5, v62  }
0x83: {  	v21 =	vld [tilespmem:s22+$0x4070];
	v18 =	vmul.f32 v18, v4;
	v13 =	vadd.f32 v13, v15;
	v15 =	vshll.u32 v24, $0x10  }
0x84: {  	v24 =	vld [tilespmem:s22+$0xC0];
	vm2 =	vle.f32 v7, $3.999999910e-02;
	v7 =	vsub.f32 v63, v9;
	v15 =	vmul.f32 v15, v4  }
0x85: {  	v18 =	vadd.f32 v18, v20;
	v20 =	vshll.u32 v60, $0x10;
	v8 =	vmul.f32 v5, v8  }
0x86: {  	v26 =	vld [tilespmem:s22+$0x2050];
	v38 =	vand.u32 $0xFFFF0000, v60;
	v9 =	vmpcnt.ones.xlane vm2;
	v20 =	vmul.f32 v20, v4  }
0x87: {  	vm3 =	vle.f32 v7, $3.999999910e-02;
	v15 =	vadd.f32 v15, v17;
	v17 =	vshll.u32 v32, $0x10  }
0x88: {  	v30 =	vld [tilespmem:s22+$0x2060];
	v59 =	vadd.f32 v21, v2;
	v21 =	vmul.f32 v61, v3;
	v8 =	vadd.f32 v10, v8  }
0x89: {  	v10 =	vmul.f32 v5, v22;
	v17 =	vmul.f32 v17, v4;
	v46 =	vand.u32 $0xFFFF0000, v24  }
0x8a: {  	v34 =	vld [tilespmem:s22+$0x2070];
	v24 =	vshll.u32 v24, $0x10;
	v7 =	vsub.f32 v23, v8;
	v8 =	vadd.f32 v13, v11  }
0x8b: {  	v54 =	vld [tilespmem:s22+$0x2080];
	v11 =	vmpcnt.ones.xlane vm3;
	v13 =	vmul.f32 v5, v26;
	v17 =	vadd.f32 v17, v19  }
0x8c: {  	(xrf0) =	vadd.scan.msk.s32 vm2, v0;
	v22 =	vld [tilespmem:s22+$0x4080];
	vm4 =	vle.f32 v7, $3.999999910e-02;
	v7 =	vsub.f32 v27, v8;
	v8 =	vadd.f32 v14, v10  }
0x8d: {  	v19 =	vshll.u32 v56, $0x10;
	v24 =	vmul.f32 v24, v4;
	v10 =	vmul.f32 v5, v30  }
0x8e: {  	s24 =	sor.u32 $0x20, s22;
	vm6 =	vle.f32 v7, $3.999999910e-02;
	v7 =	vsub.f32 v31, v8;
	v8 =	vadd.f32 v15, v13  }
0x8f: {  	v61 =	vor.u32 s24, v1;
	v19 =	vmul.f32 v19, v4;
	v13 =	vmul.f32 v5, v34  }
0x90: {  	v23 =	vld [tilespmem:s22+$0x4090];
	vm7 =	vle.f32 v7, $3.999999910e-02;
	v7 =	vsub.f32 v51, v8;
	v8 =	vadd.f32 v16, v10  }
0x91: {  	v12 =	vmpcnt.ones.xlane vm4;
	v36 =	vadd.f32 v22, v2;
	v10 =	vmul.f32 v5, v54  }
0x92: {  	v43 =	vld [tilespmem:s22+$0x20C0];
	v26, _, _ =	vpop (xrf0);
	vm8 =	vle.f32 v7, $3.999999910e-02;
	v7 =	vsub.f32 v55, v8;
	v8 =	vadd.f32 v17, v13  }
0x93: {  	v45 =	vld [tilespmem:s22+$0x40B0];
	(xrf0) =	vadd.scan.msk.s32 vm3, v0;
	v19 =	vadd.f32 v19, v21;
	v22 =	vmul.f32 v38, v3;
	v26 =	vadd.s32 v6, v26  }
0x94: {  	v30 =	vld [tilespmem:s22+$0xF0];
	(xrf0) =	vadd.scan.msk.s32 vm4, v0;
	vm9 =	vle.f32 v7, $3.999999910e-02;
	v7 =	vsub.f32 v59, v8;
	v8 =	vadd.f32 v18, v10  }
0x95: {  	s30 =	sor.u32 $0x60, s22;
	v6 =	vadd.s32 v6, v9;
	v39 =	vadd.f32 v23, v2;
	v23 =	vmul.f32 v46, v3;
	(xrf0) =	vadd.scan.msk.s32 vm6, v0  }
0x96: {  	v58 =	vld [tilespmem:s22+$0x2090];
	v34 =	vor.u32 s30, v1;
	v35 =	vmpcnt.ones.xlane vm6;
	(xrf0) =	vadd.scan.msk.s32 vm7, v0;
	v18 =	vsub.f32 v36, v8  }
0x97: {  	v40 =	vld [tilespmem:s22+$0x40A0];
	v20 =	vadd.f32 v20, v22;
	v22 =	vshll.u32 v48, $0x10;
	v23 =	vadd.f32 v24, v23;
	(xrf0) =	vadd.scan.msk.s32 vm8, v0  }
0x98: {  	v49 =	vld [tilespmem:s22+$0x20D0];
	(xrf0) =	vadd.scan.msk.s32 vm9, v0;
	vm10 =	vle.f32 v7, $3.999999910e-02;
	vm0 =	vle.f32 v18, $3.999999910e-02;
	v18 =	vmul.f32 v5, v43  }
0x99: {  	v29 =	vld [tilespmem:s22+$0x40E0];
	v53, _, _ =	vpop (xrf0);
	v51 =	vadd.f32 v45, v2;
	v15 =	vmpcnt.ones.xlane vm7;
	v41 =	vshll.u32 v30, $0x10;
	(xrf0) =	vadd.scan.msk.s32 vm10, v0  }
0x9a: {  	v52 =	vld [tilespmem:s22+$0xE0];
	v54, _, _ =	vpop (xrf0);
	v18 =	vadd.f32 v23, v18;
	v23 =	vadd.s32 v6, v53;
	v6 =	vadd.s32 v6, v11  }
0x9b: {  	v62 =	vld [tilespmem:s22+$0x20A0];
	v13 =	vmul.f32 v5, v58;
	v55, _, _ =	vpop (xrf0);
	v9 =	vadd.s32 v6, v54;
	v6 =	vadd.s32 v6, v12  }
0x9c: {  	v32 =	vld [tilespmem:s22+$0x40F0];
	v16 =	vmpcnt.ones.xlane vm8;
	v56, _, _ =	vpop (xrf0);
	v11 =	vadd.s32 v6, v55;
	v6 =	vadd.s32 v6, v35  }
0x9d: {  	s23 =	sor.u32 $0x10, s22;
	v27 =	vld [tilespmem:s22+$0x20E0];
	v63 =	vmpcnt.ones.xlane vm9;
	v57, _, _ =	vpop (xrf0);
	v12 =	vadd.s32 v6, v56;
	v6 =	vadd.s32 v6, v15  }
0x9e: {  	s29 =	sor.u32 $0x50, s22;
	v31 =	vld [tilespmem:s22+$0x20F0];
	[tilespmem:v26+s17+$0x0] =	vst.idx.msk vm2, v33;
	v59 =	vor.u32 s23, v1;
	v58, _, _ =	vpop (xrf0);
	v14 =	vadd.s32 v6, v57;
	v6 =	vadd.s32 v6, v16  }
0x9f: {  	s26 =	sor.u32 $0x30, s22;
	v26 =	vor.u32 s29, v1;
	v60, _, _ =	vpop (xrf0);
	[tilespmem:v23+s17+$0x0] =	vst.idx.msk vm3, v59;
	v15 =	vadd.s32 v6, v58;
	v6 =	vadd.s32 v6, v63  }
0xa0: {  	s28 =	sor.u32 $0x40, s22;
	v10 =	vmul.f32 v5, v62;
	v63 =	vor.u32 s26, v1;
	[tilespmem:v9+s17+$0x0] =	vst.idx.msk vm4, v61;
	v16 =	vadd.s32 v6, v60  }
0xa1: {  	v62 =	vmul.f32 v22, v4;
	v22 =	vor.u32 s28, v1;
	v7 =	vadd.f32 v19, v13;
	[tilespmem:v11+s17+$0x0] =	vst.idx.msk vm6, v63  }
0xa2: {  	v33 =	vshll.u32 v52, $0x10;
	v10 =	vadd.f32 v20, v10;
	v13 =	vmul.f32 v42, v3;
	[tilespmem:v12+s17+$0x0] =	vst.idx.msk vm7, v22  }
0xa3: {  	s31 =	sor.u32 $0x70, s22;
	v20 =	vmul.f32 v44, v4;
	v19 =	vadd.f32 v40, v2;
	v40 =	vand.u32 $0xFFFF0000, v30;
	[tilespmem:v14+s17+$0x0] =	vst.idx.msk vm8, v26  }
0xa4: {  	v36 =	vor.u32 s31, v1;
	v42 =	vmul.f32 v40, v3;
	v7 =	vsub.f32 v39, v7;
	[tilespmem:v15+s17+$0x0] =	vst.idx.msk vm9, v34  }
0xa5: {  	v8 =	vmpcnt.ones.xlane vm10;
	v13 =	vadd.f32 v20, v13;
	v39 =	vmul.f32 v5, v27;
	[tilespmem:v16+s17+$0x0] =	vst.idx.msk vm10, v36  }
0xa6: {  	v18 =	vsub.f32 v25, v18;
	v25 =	vmul.f32 v5, v49;
	v23 =	vadd.f32 v62, v28;
	v38 =	vld [tilespmem:s22+$0x100]  }
0xa7: {  	v19 =	vsub.f32 v19, v10;
	v43 =	vmul.f32 v41, v4;
	v10 =	vmpcnt.ones.xlane vm0;
	v44 =	vld [tilespmem:s22+$0x2100]  }
0xa8: {  	v13 =	vadd.f32 v13, v47;
	v28 =	vand.u32 $0xFFFF0000, v52;
	v11 =	vadd.f32 v23, v25;
	v46 =	vld [tilespmem:s22+$0x110]  }
0xa9: {  	v45 =	vadd.f32 v29, v2;
	v35 =	vmul.f32 v33, v4;
	v12 =	vmul.f32 v28, v3;
	v50 =	vld [tilespmem:s22+$0x120]  }
0xaa: {  	vm1 =	vle.f32 v7, $3.999999910e-02;
	v13 =	vsub.f32 v51, v13;
	v9 =	vsub.f32 v37, v11;
	v52 =	vld [tilespmem:s22+$0x4100]  }
0xab: {  	v47 =	vmul.f32 v5, v31;
	v11 =	vadd.f32 v43, v42;
	v12 =	vadd.f32 v35, v12;
	v55 =	vld [tilespmem:s22+$0x2110]  }
0xac: {  	v7 =	vmpcnt.ones.xlane vm1;
	v51 =	vadd.f32 v32, v2;
	vm12 =	vle.f32 v18, $3.999999910e-02;
	v23 =	vld [tilespmem:s22+$0x2120]  }
0xad: {  	vm7 =	vle.f32 v13, $3.999999910e-02;
	v11 =	vadd.f32 v11, v47;
	v12 =	vadd.f32 v12, v39;
	v58 =	vld [tilespmem:s22+$0x4110]  }
0xae: {  	vm5 =	vle.f32 v19, $3.999999910e-02;
	v18 =	vmpcnt.ones.xlane vm12;
	v17 =	vmpcnt.ones.xlane vm7;
	v60 =	vld [tilespmem:s22+$0x130]  }
0xaf: {  	vm13 =	vle.f32 v9, $3.999999910e-02;
	v26 =	vld [tilespmem:s22+$0x4120];
	v11 =	vsub.f32 v51, v11;
	v9 =	vsub.f32 v45, v12  }
0xb0: {  	v6 =	vadd.s32 v6, v8;
	v15 =	vmpcnt.ones.xlane vm5;
	v21 =	vmpcnt.ones.xlane vm13;
	v31 =	vld [tilespmem:s22+$0x140]  }
0xb1: {  	v36 =	vld [tilespmem:s22+$0x2140];
	vm15 =	vle.f32 v11, $3.999999910e-02;
	vm14 =	vle.f32 v9, $3.999999910e-02;
	v48 =	vand.u32 $0xFFFF0000, v38  }
0xb2: {  	v42 =	vld [tilespmem:s22+$0x2150];
	v13 =	vshll.u32 v38, $0x10;
	v54 =	vmul.f32 v5, v44;
	v14 =	vmpcnt.ones.xlane vm14  }
0xb3: {  	v56 =	vand.u32 $0xFFFF0000, v46;
	v57 =	vshll.u32 v46, $0x10;
	v59 =	vand.u32 $0xFFFF0000, v50  }
0xb4: {  	v20 =	vshll.u32 v50, $0x10;
	v22 =	vadd.f32 v52, v2;
	v62 =	vmul.f32 v5, v55  }
0xb5: {  	v28 =	vmul.f32 v5, v23;
	v30 =	vadd.f32 v58, v2;
	v32 =	vand.u32 $0xFFFF0000, v60  }
0xb6: {  	v33 =	vshll.u32 v60, $0x10;
	v35 =	vadd.f32 v26, v2;
	v41 =	vand.u32 $0xFFFF0000, v31  }
0xb7: {  	s25 =	sor.u32 $0x80, s22;
	v16 =	vshll.u32 v31, $0x10;
	v26 =	vmul.f32 v5, v36;
	v36 =	vmul.f32 v5, v42  }
0xb8: {  	s29 =	sor.u32 $0xB0, s22;
	(xrf0) =	vadd.scan.msk.s32 vm0, v0;
	v34 =	vld [tilespmem:s22+$0x4130];
	v55 =	vor.u32 s25, v1;
	v49 =	vmul.f32 v48, v3;
	v13 =	vmul.f32 v13, v4  }
0xb9: {  	(xrf0) =	vadd.scan.msk.s32 vm1, v0;
	v29 =	vld [tilespmem:s22+$0x2130];
	v60 =	vor.u32 s29, v1;
	v19 =	vmul.f32 v56, v3;
	v12 =	vmul.f32 v57, v4  }
0xba: {  	(xrf0) =	vadd.scan.msk.s32 vm5, v0;
	s26 =	sor.u32 $0x90, s22;
	v24 =	vmul.f32 v59, v3;
	v20 =	vmul.f32 v20, v4;
	v53 =	vadd.f32 v13, v49  }
0xbb: {  	(xrf0) =	vadd.scan.msk.s32 vm7, v0;
	v23 =	vmul.f32 v33, v4;
	v16 =	vmul.f32 v16, v4;
	v57 =	vor.u32 s26, v1  }
0xbc: {  	s28 =	sor.u32 $0xA0, s22;
	(xrf0) =	vadd.scan.msk.s32 vm12, v0;
	v37 =	vld [tilespmem:s22+$0x4140];
	v27 =	vadd.f32 v20, v24;
	v20 =	vmul.f32 v32, v3;
	v9 =	vadd.f32 v53, v54  }
0xbd: {  	v40 =	vld [tilespmem:s22+$0x150];
	(xrf0) =	vadd.scan.msk.s32 vm13, v0;
	v59 =	vor.u32 s28, v1;
	v61 =	vadd.f32 v12, v19;
	v24 =	vadd.f32 v34, v2  }
0xbe: {  	v43, _, _ =	vpop (xrf0);
	v47 =	vld [tilespmem:s22+$0x2160];
	(xrf0) =	vadd.scan.msk.s32 vm14, v0;
	v39 =	vadd.f32 v23, v20;
	v63 =	vsub.f32 v22, v9;
	v22 =	vmul.f32 v5, v29  }
0xbf: {  	v45 =	vld [tilespmem:s22+$0x160];
	v46, _, _ =	vpop (xrf0);
	(xrf0) =	vadd.scan.msk.s32 vm15, v0;
	v19 =	vadd.f32 v27, v28;
	v28 =	vadd.s32 v6, v43;
	v6 =	vadd.s32 v6, v10  }
0xc0: {  	v50 =	vld [tilespmem:s22+$0x170];
	v48, _, _ =	vpop (xrf0);
	v44 =	vadd.f32 v39, v22;
	v22 =	vadd.s32 v6, v46;
	v6 =	vadd.s32 v6, v7  }
0xc1: {  	v52 =	vld [tilespmem:s22+$0x2170];
	v11 =	vadd.f32 v61, v62;
	v7, _, _ =	vpop (xrf0);
	v10 =	vadd.s32 v6, v48;
	v6 =	vadd.s32 v6, v15  }
0xc2: {  	v49 =	vld [tilespmem:s22+$0x4160];
	v23 =	vmul.f32 v41, v3;
	v51, _, _ =	vpop (xrf0);
	v7 =	vadd.s32 v6, v7;
	v6 =	vadd.s32 v6, v17  }
0xc3: {  	v27 =	vld [tilespmem:s22+$0x4150];
	v62 =	vand.u32 $0xFFFF0000, v40;
	v53, _, _ =	vpop (xrf0);
	v15 =	vadd.s32 v6, v51;
	v6 =	vadd.s32 v6, v18  }
0xc4: {  	v54 =	vld [tilespmem:s22+$0x4170];
	v20 =	vshll.u32 v40, $0x10;
	[tilespmem:v28+s17+$0x0] =	vst.idx.msk vm0, v55;
	v56, _, _ =	vpop (xrf0);
	v17 =	vadd.s32 v6, v53;
	v6 =	vadd.s32 v6, v21  }
0xc5: {  	v40 =	vand.u32 $0xFFFF0000, v50;
	v58, _, _ =	vpop (xrf0);
	[tilespmem:v22+s17+$0x0] =	vst.idx.msk vm1, v57;
	v18 =	vadd.s32 v6, v56;
	v14 =	vadd.s32 v6, v14  }
0xc6: {  	s30 =	sor.u32 $0xC0, s22;
	v41 =	vshll.u32 v50, $0x10;
	v20 =	vmul.f32 v20, v4;
	[tilespmem:v10+s17+$0x0] =	vst.idx.msk vm5, v59;
	v61 =	vadd.s32 v14, v58  }
0xc7: {  	s31 =	sor.u32 $0xD0, s22;
	v42 =	vmul.f32 v40, v3;
	v43 =	vmul.f32 v41, v4;
	[tilespmem:v7+s17+$0x0] =	vst.idx.msk vm7, v60;
	v7 =	vor.u32 s30, v1  }
0xc8: {  	s25 =	sor.u32 $0xE0, s22;
	v9 =	vmpcnt.ones.xlane vm15;
	v11 =	vsub.f32 v30, v11;
	[tilespmem:v15+s17+$0x0] =	vst.idx.msk vm12, v7;
	v7 =	vor.u32 s31, v1  }
0xc9: {  	s26 =	sor.u32 $0xF0, s22;
	v38 =	vsub.f32 v35, v19;
	v19 =	vshll.u32 v45, $0x10;
	[tilespmem:v17+s17+$0x0] =	vst.idx.msk vm13, v7;
	v7 =	vor.u32 s25, v1  }
0xca: {  	v16 =	vadd.f32 v16, v23;
	v32 =	vmul.f32 v19, v4;
	[tilespmem:v18+s17+$0x0] =	vst.idx.msk vm14, v7;
	v7 =	vor.u32 s26, v1  }
0xcb: {  	vm2 =	vle.f32 v63, $3.999999910e-02;
	vm3 =	vle.f32 v11, $3.999999910e-02;
	vm4 =	vle.f32 v38, $3.999999910e-02;
	[tilespmem:v61+s17+$0x0] =	vst.idx.msk vm15, v7  }
0xcc: {  	v16 =	vadd.f32 v16, v26;
	v63 =	vmul.f32 v62, v3;
	v39 =	vmul.f32 v5, v47;
	v38 =	vld [tilespmem:s22+$0x180]  }
0xcd: {  	v46 =	vadd.f32 v49, v2;
	v28 =	vand.u32 $0xFFFF0000, v45;
	v48 =	vmul.f32 v5, v52;
	v45 =	vld [tilespmem:s22+$0x2180]  }
0xce: {  	v52 =	vadd.f32 v54, v2;
	v13 =	vsub.f32 v24, v44;
	v15 =	vmul.f32 v28, v3;
	v47 =	vld [tilespmem:s22+$0x190]  }
0xcf: {  	v8 =	vmpcnt.ones.xlane vm2;
	v6 =	vadd.f32 v37, v2;
	v10 =	vadd.f32 v43, v42;
	v50 =	vld [tilespmem:s22+$0x4180]  }
0xd0: {  	v11 =	vmpcnt.ones.xlane vm3;
	v44 =	vadd.f32 v27, v2;
	v37 =	vadd.f32 v32, v15;
	v51 =	vld [tilespmem:s22+$0x2190]  }
0xd1: {  	v33 =	vmpcnt.ones.xlane vm4;
	v6 =	vsub.f32 v6, v16;
	v10 =	vadd.f32 v10, v48;
	v54 =	vld [tilespmem:s22+$0x1A0]  }
0xd2: {  	v9 =	vadd.s32 v14, v9;
	v7 =	vadd.f32 v20, v63;
	v12 =	vadd.f32 v37, v39;
	v55 =	vld [tilespmem:s22+$0x4190]  }
0xd3: {  	v8 =	vadd.s32 v9, v8;
	vm12 =	vle.f32 v13, $3.999999910e-02;
	v10 =	vsub.f32 v52, v10;
	v60 =	vld [tilespmem:s22+$0x41A0]  }
0xd4: {  	vm13 =	vle.f32 v6, $3.999999910e-02;
	v62 =	vld [tilespmem:s22+$0x21B0];
	v7 =	vadd.f32 v7, v36;
	v6 =	vsub.f32 v46, v12  }
0xd5: {  	v19 =	vmpcnt.ones.xlane vm12;
	v20 =	vmpcnt.ones.xlane vm13;
	vm11 =	vle.f32 v10, $3.999999910e-02;
	v34 =	vld [tilespmem:s22+$0x41B0]  }
0xd6: {  	(xrf0) =	vadd.scan.msk.s32 vm2, v0;
	v35 =	vld [tilespmem:s22+$0x1C0];
	v10 =	vmpcnt.ones.xlane vm11;
	v7 =	vsub.f32 v44, v7;
	vm15 =	vle.f32 v6, $3.999999910e-02  }
0xd7: {  	(xrf0) =	vadd.scan.msk.s32 vm3, v0;
	v37 =	vld [tilespmem:s22+$0x21C0];
	v49 =	vand.u32 $0xFFFF0000, v38;
	v15 =	vshll.u32 v38, $0x10;
	v16 =	vmul.f32 v5, v45  }
0xd8: {  	v53 =	vand.u32 $0xFFFF0000, v47;
	v17 =	vshll.u32 v47, $0x10;
	vm14 =	vle.f32 v7, $3.999999910e-02  }
0xd9: {  	(xrf0) =	vadd.scan.msk.s32 vm4, v0;
	v13 =	vadd.f32 v50, v2;
	v12 =	vmul.f32 v5, v51;
	v58 =	vand.u32 $0xFFFF0000, v54  }
0xda: {  	(xrf0) =	vadd.scan.msk.s32 vm12, v0;
	v59 =	vshll.u32 v54, $0x10;
	v21 =	vadd.f32 v55, v2;
	v63 =	vmpcnt.ones.xlane vm15  }
0xdb: {  	s29 =	sor.u32 $0x110, s22;
	v41 =	vadd.f32 v60, v2;
	v43 =	vmul.f32 v5, v62;
	v45 =	vand.u32 $0xFFFF0000, v35  }
0xdc: {  	s30 =	sor.u32 $0x120, s22;
	v47, _, _ =	vpop (xrf0);
	v25 =	vadd.f32 v34, v2;
	v26 =	vmul.f32 v5, v37;
	v60 =	vor.u32 s29, v1  }
0xdd: {  	v57 =	vld [tilespmem:s22+$0x21A0];
	v62 =	vor.u32 s30, v1;
	v22 =	vmul.f32 v49, v3;
	v15 =	vmul.f32 v15, v4;
	v50, _, _ =	vpop (xrf0)  }
0xde: {  	v42 =	vld [tilespmem:s22+$0x1D0];
	v17 =	vmul.f32 v17, v4;
	v61 =	vmul.f32 v58, v3;
	v29 =	vadd.s32 v8, v50  }
0xdf: {  	v55 =	vld [tilespmem:s22+$0x1F0];
	v52, _, _ =	vpop (xrf0);
	v8 =	vadd.s32 v8, v11;
	v15 =	vadd.f32 v15, v22;
	v22 =	vmul.f32 v53, v3  }
0xe0: {  	(xrf0) =	vadd.scan.msk.s32 vm13, v0;
	v28 =	vadd.s32 v9, v47;
	v54, _, _ =	vpop (xrf0);
	v9 =	vadd.s32 v8, v52;
	v8 =	vadd.s32 v8, v33;
	v33 =	vld [tilespmem:s22+$0x21F0]  }
0xe1: {  	v27 =	vld [tilespmem:s22+$0x41C0];
	v11 =	vadd.s32 v8, v54;
	v7 =	vadd.f32 v15, v16;
	v56 =	vadd.f32 v17, v22  }
0xe2: {  	v46 =	vld [tilespmem:s22+$0x41D0];
	v8 =	vadd.s32 v8, v19;
	v15 =	vmpcnt.ones.xlane vm14;
	v17 =	vmul.f32 v5, v57  }
0xe3: {  	v44 =	vld [tilespmem:s22+$0x21D0];
	(xrf0) =	vadd.scan.msk.s32 vm14, v0;
	v57 =	vand.u32 $0xFFFF0000, v42;
	v6 =	vsub.f32 v13, v7;
	v12 =	vadd.f32 v56, v12  }
0xe4: {  	v51 =	vld [tilespmem:s22+$0x21E0];
	(xrf0) =	vadd.scan.msk.s32 vm15, v0;
	v47 =	vand.u32 $0xFFFF0000, v55;
	v50 =	vshll.u32 v55, $0x10;
	v13 =	vmul.f32 v59, v4  }
0xe5: {  	s28 =	sor.u32 $0x100, s22;
	v34 =	vld [tilespmem:s22+$0x41F0];
	(xrf0) =	vadd.scan.msk.s32 vm11, v0;
	v54 =	vmul.f32 v5, v33;
	vm0 =	vle.f32 v6, $3.999999910e-02;
	v12 =	vsub.f32 v21, v12  }
0xe6: {  	v49 =	vld [tilespmem:s22+$0x1E0];
	v13 =	vadd.f32 v13, v61;
	v21 =	vshll.u32 v35, $0x10;
	v56, _, _ =	vpop (xrf0);
	v35 =	vor.u32 s28, v1  }
0xe7: {  	s26 =	sor.u32 $0x150, s22;
	v53 =	vld [tilespmem:s22+$0x41E0];
	v6 =	vmpcnt.ones.xlane vm0;
	v48 =	vmul.f32 v21, v4;
	v18 =	vadd.s32 v8, v56  }
0xe8: {  	v7 =	vld [tilespmem:s22+$0x1B0];
	s28 =	sor.u32 $0x160, s22;
	v8 =	vadd.s32 v8, v20;
	[tilespmem:v28+s17+$0x0] =	vst.idx.msk vm2, v35;
	v28 =	vmul.f32 v57, v3;
	v35 =	vor.u32 s26, v1  }
0xe9: {  	v58, _, _ =	vpop (xrf0);
	v37 =	vor.u32 s28, v1;
	vm1 =	vle.f32 v12, $3.999999910e-02;
	v40 =	vadd.f32 v13, v17  }
0xea: {  	s25 =	sor.u32 $0x140, s22;
	v13 =	vmul.f32 v45, v3;
	v59, _, _ =	vpop (xrf0);
	v19 =	vadd.s32 v8, v58;
	v8 =	vadd.s32 v8, v15  }
0xeb: {  	s31 =	sor.u32 $0x130, s22;
	[tilespmem:v29+s17+$0x0] =	vst.idx.msk vm3, v60;
	v29 =	vor.u32 s25, v1;
	v61, _, _ =	vpop (xrf0);
	v20 =	vadd.s32 v8, v59;
	v24 =	vadd.s32 v8, v63  }
0xec: {  	v45 =	vadd.f32 v46, v2;
	[tilespmem:v9+s17+$0x0] =	vst.idx.msk vm4, v62;
	v63 =	vor.u32 s31, v1;
	v15 =	vadd.s32 v24, v61  }
0xed: {  	v46 =	vmul.f32 v5, v51;
	v17 =	vmul.f32 v50, v4;
	v36 =	vand.u32 $0xFFFF0000, v7;
	[tilespmem:v11+s17+$0x0] =	vst.idx.msk vm12, v63  }
0xee: {  	v58 =	vadd.f32 v34, v2;
	v7 =	vshll.u32 v7, $0x10;
	v38 =	vmul.f32 v36, v3;
	[tilespmem:v18+s17+$0x0] =	vst.idx.msk vm13, v29  }
0xef: {  	s29 =	sor.u32 $0x170, s22;
	v8 =	vshll.u32 v42, $0x10;
	v39 =	vmul.f32 v7, v4;
	v12 =	vsub.f32 v41, v40;
	[tilespmem:v19+s17+$0x0] =	vst.idx.msk vm14, v35  }
0xf0: {  	v13 =	vadd.f32 v48, v13;
	v8 =	vmul.f32 v8, v4;
	v40 =	vor.u32 s29, v1;
	[tilespmem:v20+s17+$0x0] =	vst.idx.msk vm15, v37  }
0xf1: {  	v7 =	vmpcnt.ones.xlane vm1;
	v36 =	vmul.f32 v5, v44;
	v14 =	vadd.f32 v39, v38;
	[tilespmem:v15+s17+$0x0] =	vst.idx.msk vm11, v40  }
0xf2: {  	v34 =	vadd.s32 v24, v10;
	v13 =	vadd.f32 v13, v26;
	v8 =	vadd.f32 v8, v28;
	v44 =	vld [tilespmem:s22+$0x200]  }
0xf3: {  	v38 =	vand.u32 $0xFFFF0000, v49;
	v39 =	vshll.u32 v49, $0x10;
	v49 =	vadd.f32 v53, v2;
	v48 =	vld [tilespmem:s22+$0x2200]  }
0xf4: {  	v41 =	vmul.f32 v38, v3;
	v42 =	vmul.f32 v39, v4;
	v14 =	vadd.f32 v14, v43;
	v19 =	vld [tilespmem:s22+$0x210]  }
0xf5: {  	v6 =	vadd.s32 v34, v6;
	v43 =	vadd.f32 v27, v2;
	v8 =	vadd.f32 v8, v36;
	v52 =	vld [tilespmem:s22+$0x4200]  }
0xf6: {  	vm4 =	vle.f32 v12, $3.999999910e-02;
	v12 =	vadd.f32 v42, v41;
	v32 =	vsub.f32 v25, v14;
	v53 =	vld [tilespmem:s22+$0x2210]  }
0xf7: {  	v9 =	vsub.f32 v43, v13;
	v8 =	vsub.f32 v45, v8;
	v13 =	vmul.f32 v47, v3;
	v55 =	vld [tilespmem:s22+$0x220]  }
0xf8: {  	v16 =	vmpcnt.ones.xlane vm4;
	v57 =	vld [tilespmem:s22+$0x4210];
	v12 =	vadd.f32 v12, v46;
	vm3 =	vle.f32 v32, $3.999999910e-02  }
0xf9: {  	v61 =	vld [tilespmem:s22+$0x230];
	vm12 =	vle.f32 v9, $3.999999910e-02;
	vm13 =	vle.f32 v8, $3.999999910e-02;
	v13 =	vadd.f32 v17, v13  }
0xfa: {  	v63 =	vld [tilespmem:s22+$0x4220];
	v18 =	vmpcnt.ones.xlane vm3;
	v21 =	vmpcnt.ones.xlane vm12;
	v8 =	vsub.f32 v49, v12  }
0xfb: {  	v26 =	vld [tilespmem:s22+$0x2230];
	v22 =	vmpcnt.ones.xlane vm13;
	v13 =	vadd.f32 v13, v54;
	v51 =	vand.u32 $0xFFFF0000, v44  }
0xfc: {  	v31 =	vld [tilespmem:s22+$0x240];
	v11 =	vshll.u32 v44, $0x10;
	v14 =	vmul.f32 v5, v48;
	v56 =	vand.u32 $0xFFFF0000, v19  }
0xfd: {  	v19 =	vshll.u32 v19, $0x10;
	vm14 =	vle.f32 v8, $3.999999910e-02;
	v8 =	vadd.f32 v52, v2  }
0xfe: {  	(xrf0) =	vadd.scan.msk.s32 vm0, v0;
	v42 =	vld [tilespmem:s22+$0x250];
	v12 =	vmul.f32 v5, v53;
	v62 =	vand.u32 $0xFFFF0000, v55;
	v17 =	vshll.u32 v55, $0x10  }
0xff: {  	(xrf0) =	vadd.scan.msk.s32 vm1, v0;
	v27 =	vadd.f32 v57, v2;
	v29 =	vand.u32 $0xFFFF0000, v61;
	v30 =	vshll.u32 v61, $0x10  }
0x100: {  	v32 =	vld [tilespmem:s22+$0x4230];
	v33 =	vadd.f32 v63, v2;
	v9 =	vmul.f32 v5, v26;
	v20 =	vmul.f32 v51, v3  }
0x101: {  	(xrf0) =	vadd.scan.msk.s32 vm4, v0;
	v40 =	vand.u32 $0xFFFF0000, v31;
	v11 =	vmul.f32 v11, v4;
	v19 =	vmul.f32 v19, v4  }
0x102: {  	v41 =	vshll.u32 v31, $0x10;
	v17 =	vmul.f32 v17, v4;
	v25 =	vmpcnt.ones.xlane vm14  }
0x103: {  	v59 =	vld [tilespmem:s22+$0x2220];
	(xrf0) =	vadd.scan.msk.s32 vm3, v0;
	v53 =	vand.u32 $0xFFFF0000, v42;
	v15 =	vmul.f32 v29, v3;
	v44 =	vmul.f32 v40, v3  }
0x104: {  	v48, _, _ =	vpop (xrf0);
	v55 =	vld [tilespmem:s22+$0x270];
	v13 =	vsub.f32 v58, v13;
	v45 =	vmul.f32 v41, v4;
	v29 =	vmul.f32 v53, v3  }
0x105: {  	v43 =	vadd.f32 v32, v2;
	v11 =	vadd.f32 v11, v20;
	v20 =	vmul.f32 v56, v3;
	v51, _, _ =	vpop (xrf0)  }
0x106: {  	(xrf0) =	vadd.scan.msk.s32 vm12, v0;
	vm15 =	vle.f32 v13, $3.999999910e-02;
	v49 =	vadd.f32 v45, v44;
	v24 =	vadd.s32 v6, v51  }
0x107: {  	(xrf0) =	vadd.scan.msk.s32 vm13, v0;
	v52, _, _ =	vpop (xrf0);
	v6 =	vadd.s32 v6, v7;
	v11 =	vadd.f32 v11, v14;
	v60 =	vadd.f32 v19, v20  }
0x108: {  	s31 =	sor.u32 $0x190, s22;
	v20 =	vmul.f32 v62, v3;
	v14 =	vmul.f32 v5, v59;
	v23 =	vadd.s32 v6, v52  }
0x109: {  	v50 =	vld [tilespmem:s22+$0x260];
	(xrf0) =	vadd.scan.msk.s32 vm14, v0;
	v7, _, _ =	vpop (xrf0);
	v6 =	vadd.s32 v6, v16;
	v62 =	vor.u32 s31, v1;
	v44 =	vshll.u32 v55, $0x10  }
0x10a: {  	v36 =	vld [tilespmem:s22+$0x2240];
	v7 =	vadd.s32 v6, v7;
	v11 =	vsub.f32 v8, v11;
	v8 =	vadd.f32 v60, v12  }
0x10b: {  	v46 =	vld [tilespmem:s22+$0x2250];
	v6 =	vadd.s32 v6, v18;
	v19 =	vmul.f32 v44, v4;
	v28 =	vadd.f32 v17, v20  }
0x10c: {  	s30 =	sor.u32 $0x180, s22;
	v54 =	vld [tilespmem:s22+$0x4260];
	(xrf0) =	vadd.scan.msk.s32 vm15, v0;
	v56, _, _ =	vpop (xrf0);
	v17 =	vmul.f32 v30, v4;
	v12 =	vsub.f32 v27, v8;
	v27 =	vadd.s32 v34, v48  }
0x10d: {  	v57 =	vld [tilespmem:s22+$0x2270];
	v58, _, _ =	vpop (xrf0);
	v60 =	vor.u32 s30, v1;
	v16 =	vadd.s32 v6, v56;
	v6 =	vadd.s32 v6, v21  }
0x10e: {  	v38 =	vld [tilespmem:s22+$0x4240];
	v20 =	vshll.u32 v50, $0x10;
	v18 =	vadd.s32 v6, v58;
	v6 =	vadd.s32 v6, v22  }
0x10f: {  	v59 =	vld [tilespmem:s22+$0x4270];
	v61, _, _ =	vpop (xrf0);
	v8 =	vmpcnt.ones.xlane vm15;
	v13 =	vadd.f32 v28, v14;
	v35 =	vadd.f32 v17, v15  }
0x110: {  	v47 =	vld [tilespmem:s22+$0x4250];
	vm5 =	vle.f32 v11, $3.999999910e-02;
	v15 =	vmul.f32 v5, v36;
	v21 =	vadd.s32 v6, v61  }
0x111: {  	s25 =	sor.u32 $0x1A0, s22;
	v28 =	vld [tilespmem:s22+$0x2260];
	v17 =	vshll.u32 v42, $0x10;
	v6 =	vadd.s32 v6, v25;
	v36 =	vmul.f32 v5, v46;
	[tilespmem:v27+s17+$0x0] =	vst.idx.msk vm0, v60  }
0x112: {  	s26 =	sor.u32 $0x1B0, s22;
	v34 =	vor.u32 s25, v1;
	v46 =	vadd.f32 v54, v2;
	v48 =	vmul.f32 v5, v57;
	v63, _, _ =	vpop (xrf0);
	[tilespmem:v24+s17+$0x0] =	vst.idx.msk vm1, v62  }
0x113: {  	s28 =	sor.u32 $0x1C0, s22;
	v39 =	vadd.f32 v35, v9;
	v35 =	vor.u32 s26, v1;
	v22 =	vadd.s32 v6, v63;
	[tilespmem:v23+s17+$0x0] =	vst.idx.msk vm4, v34  }
0x114: {  	s29 =	sor.u32 $0x1D0, s22;
	v17 =	vmul.f32 v17, v4;
	v52 =	vadd.f32 v59, v2;
	[tilespmem:v7+s17+$0x0] =	vst.idx.msk vm3, v35;
	v7 =	vor.u32 s28, v1  }
0x115: {  	s30 =	sor.u32 $0x1E0, s22;
	(xrf0) =	vadd.scan.msk.s32 vm5, v0;
	vm2 =	vle.f32 v12, $3.999999910e-02;
	[tilespmem:v16+s17+$0x0] =	vst.idx.msk vm12, v7;
	v7 =	vor.u32 s29, v1  }
0x116: {  	s31 =	sor.u32 $0x1F0, s22;
	v37 =	vsub.f32 v33, v13;
	v12 =	vmpcnt.ones.xlane vm5;
	[tilespmem:v18+s17+$0x0] =	vst.idx.msk vm13, v7;
	v7 =	vor.u32 s30, v1  }
0x117: {  	v15 =	vadd.f32 v49, v15;
	v13 =	vadd.f32 v38, v2;
	[tilespmem:v21+s17+$0x0] =	vst.idx.msk vm14, v7;
	v7 =	vor.u32 s31, v1  }
0x118: {  	v38 =	vmul.f32 v20, v4;
	v6 =	vadd.s32 v6, v8;
	v9 =	vmpcnt.ones.xlane vm2;
	[tilespmem:v22+s17+$0x0] =	vst.idx.msk vm15, v7  }
0x119: {  	v17 =	vadd.f32 v17, v29;
	vm6 =	vle.f32 v37, $3.999999910e-02;
	v14 =	vsub.f32 v43, v39;
	v41 =	vld [tilespmem:s22+$0x280]  }
0x11a: {  	v37 =	vand.u32 $0xFFFF0000, v50;
	v13 =	vsub.f32 v13, v15;
	v43 =	vand.u32 $0xFFFF0000, v55;
	v45 =	vld [tilespmem:s22+$0x2280]  }
0x11b: {  	v10 =	vmpcnt.ones.xlane vm6;
	v16 =	vmul.f32 v37, v3;
	v7 =	vadd.f32 v47, v2;
	v47 =	vld [tilespmem:s22+$0x290]  }
0x11c: {  	v39 =	vadd.f32 v17, v36;
	vm0 =	vle.f32 v14, $3.999999910e-02;
	v18 =	vmul.f32 v43, v3;
	v22 =	vld [tilespmem:s22+$0x4280]  }
0x11d: {  	v42 =	vmul.f32 v5, v28;
	v15 =	vmpcnt.ones.xlane vm0;
	v40 =	vadd.f32 v38, v16;
	v51 =	vld [tilespmem:s22+$0x2290]  }
0x11e: {  	vm12 =	vle.f32 v13, $3.999999910e-02;
	v38, _, _ =	vpop (xrf0);
	v18 =	vadd.f32 v19, v18;
	v53 =	vld [tilespmem:s22+$0x2A0];
	v7 =	vsub.f32 v7, v39  }
0x11f: {  	v14 =	vmpcnt.ones.xlane vm12;
	v27 =	vadd.s32 v6, v38;
	v11 =	vadd.f32 v40, v42;
	v24 =	vld [tilespmem:s22+$0x4290]  }
0x120: {  	v6 =	vadd.s32 v6, v12;
	v59 =	vld [tilespmem:s22+$0x2B0];
	v50 =	vadd.f32 v18, v48;
	vm13 =	vle.f32 v7, $3.999999910e-02  }
0x121: {  	v61 =	vld [tilespmem:s22+$0x42A0];
	v7 =	vsub.f32 v46, v11;
	v18 =	vmpcnt.ones.xlane vm13;
	v49 =	vand.u32 $0xFFFF0000, v41  }
0x122: {  	v28 =	vld [tilespmem:s22+$0x2C0];
	v16 =	vshll.u32 v41, $0x10;
	v13 =	vmul.f32 v5, v45;
	v54 =	vand.u32 $0xFFFF0000, v47  }
0x123: {  	v30 =	vld [tilespmem:s22+$0x42B0];
	v19 =	vshll.u32 v47, $0x10;
	vm14 =	vle.f32 v7, $3.999999910e-02;
	v7 =	vsub.f32 v52, v50  }
0x124: {  	v56 =	vld [tilespmem:s22+$0x22A0];
	v58 =	vadd.f32 v22, v2;
	v17 =	vmul.f32 v5, v51;
	v60 =	vand.u32 $0xFFFF0000, v53  }
0x125: {  	v35 =	vld [tilespmem:s22+$0x2D0];
	v63 =	vadd.f32 v24, v2;
	v29 =	vand.u32 $0xFFFF0000, v59;
	v22 =	vshll.u32 v59, $0x10  }
0x126: {  	v37 =	vld [tilespmem:s22+$0x42D0];
	v32 =	vadd.f32 v61, v2;
	v21 =	vmul.f32 v49, v3;
	v16 =	vmul.f32 v16, v4  }
0x127: {  	v44 =	vld [tilespmem:s22+$0x42E0];
	v34 =	vand.u32 $0xFFFF0000, v28;
	v23 =	vmul.f32 v54, v3;
	v19 =	vmul.f32 v19, v4  }
0x128: {  	v20 =	vadd.f32 v30, v2;
	v16 =	vadd.f32 v16, v21;
	v21 =	vshll.u32 v53, $0x10  }
0x129: {  	s24 =	sor.u32 $0x200, s22;
	s30 =	sor.u32 $0x250, s22;
	v39 =	vld [tilespmem:s22+$0x2E0];
	v19 =	vadd.f32 v19, v23;
	v23 =	vmul.f32 v60, v3;
	v21 =	vmul.f32 v21, v4  }
0x12a: {  	(xrf0) =	vadd.scan.msk.s32 vm2, v0;
	v43 =	vand.u32 $0xFFFF0000, v35;
	v51 =	vor.u32 s24, v1;
	v59 =	vor.u32 s30, v1  }
0x12b: {  	(xrf0) =	vadd.scan.msk.s32 vm6, v0;
	v55 =	vadd.f32 v16, v13;
	v13 =	vmul.f32 v5, v56;
	v21 =	vadd.f32 v21, v23  }
0x12c: {  	(xrf0) =	vadd.scan.msk.s32 vm0, v0;
	v26 =	vadd.f32 v37, v2;
	v38 =	vadd.f32 v44, v2;
	v57 =	vmpcnt.ones.xlane vm14  }
0x12d: {  	(xrf0) =	vadd.scan.msk.s32 vm12, v0;
	v24 =	vmul.f32 v29, v3;
	v22 =	vmul.f32 v22, v4;
	v8 =	vadd.f32 v21, v13  }
0x12e: {  	v62 =	vld [tilespmem:s22+$0x22B0];
	(xrf0) =	vadd.scan.msk.s32 vm13, v0;
	v29 =	vmul.f32 v43, v3;
	v61 =	vshll.u32 v39, $0x10;
	vm15 =	vle.f32 v7, $3.999999910e-02  }
0x12f: {  	s25 =	sor.u32 $0x210, s22;
	v31 =	vld [tilespmem:s22+$0x22C0];
	(xrf0) =	vadd.scan.msk.s32 vm14, v0;
	v7 =	vmpcnt.ones.xlane vm15;
	v33 =	vadd.f32 v22, v24;
	v25 =	vsub.f32 v32, v8  }
0x130: {  	v36 =	vld [tilespmem:s22+$0x22D0];
	v40, _, _ =	vpop (xrf0);
	v22 =	vmul.f32 v34, v3;
	(xrf0) =	vadd.scan.msk.s32 vm15, v0;
	v24 =	vshll.u32 v35, $0x10;
	v53 =	vor.u32 s25, v1  }
0x131: {  	v48 =	vld [tilespmem:s22+$0x22F0];
	v42, _, _ =	vpop (xrf0);
	vm7 =	vle.f32 v25, $3.999999910e-02;
	v25 =	vadd.s32 v6, v40;
	v6 =	vadd.s32 v6, v9  }
0x132: {  	v46 =	vld [tilespmem:s22+$0x2F0];
	v45, _, _ =	vpop (xrf0);
	v17 =	vadd.f32 v19, v17;
	v12 =	vadd.s32 v6, v42;
	v6 =	vadd.s32 v6, v10  }
0x133: {  	v41 =	vld [tilespmem:s22+$0x22E0];
	v47, _, _ =	vpop (xrf0);
	v19 =	vmul.f32 v5, v62;
	v9 =	vadd.s32 v6, v45;
	v6 =	vadd.s32 v6, v15  }
0x134: {  	v50 =	vld [tilespmem:s22+$0x42F0];
	v49, _, _ =	vpop (xrf0);
	v11 =	vsub.f32 v58, v55;
	v10 =	vadd.s32 v6, v47;
	v6 =	vadd.s32 v6, v14  }
0x135: {  	s26 =	sor.u32 $0x220, s22;
	v60 =	vand.u32 $0xFFFF0000, v39;
	v52, _, _ =	vpop (xrf0);
	v21 =	vld [tilespmem:s22+$0x42C0];
	[tilespmem:v27+s17+$0x0] =	vst.idx.msk vm5, v51;
	v15 =	vadd.s32 v6, v49;
	v6 =	vadd.s32 v6, v18  }
0x136: {  	s28 =	sor.u32 $0x230, s22;
	v55 =	vor.u32 s26, v1;
	v54, _, _ =	vpop (xrf0);
	[tilespmem:v25+s17+$0x0] =	vst.idx.msk vm2, v53;
	v14 =	vadd.s32 v6, v52;
	v16 =	vadd.s32 v6, v57  }
0x137: {  	s29 =	sor.u32 $0x240, s22;
	v56 =	vor.u32 s28, v1;
	v23 =	vshll.u32 v28, $0x10;
	[tilespmem:v12+s17+$0x0] =	vst.idx.msk vm6, v55;
	v18 =	vadd.s32 v16, v54  }
0x138: {  	s31 =	sor.u32 $0x260, s22;
	v28 =	vmul.f32 v5, v41;
	v17 =	vsub.f32 v63, v17;
	v57 =	vor.u32 s29, v1;
	[tilespmem:v9+s17+$0x0] =	vst.idx.msk vm0, v56  }
0x139: {  	v62 =	vor.u32 s31, v1;
	v41 =	vmul.f32 v5, v48;
	v23 =	vmul.f32 v23, v4;
	[tilespmem:v10+s17+$0x0] =	vst.idx.msk vm12, v57  }
0x13a: {  	s25 =	sor.u32 $0x270, s22;
	v58 =	vmul.f32 v5, v36;
	vm3 =	vle.f32 v17, $3.999999910e-02;
	v17 =	vadd.f32 v33, v19;
	[tilespmem:v15+s17+$0x0] =	vst.idx.msk vm13, v59  }
0x13b: {  	v13 =	vmul.f32 v5, v31;
	v6 =	vmul.f32 v24, v4;
	v24 =	vor.u32 s25, v1;
	[tilespmem:v14+s17+$0x0] =	vst.idx.msk vm14, v62  }
0x13c: {  	vm4 =	vle.f32 v11, $3.999999910e-02;
	v22 =	vadd.f32 v23, v22;
	v17 =	vsub.f32 v20, v17;
	[tilespmem:v18+s17+$0x0] =	vst.idx.msk vm15, v24  }
0x13d: {  	v34 =	vshll.u32 v46, $0x10;
	v63 =	vmul.f32 v61, v4;
	v11 =	vmpcnt.ones.xlane vm4;
	v27 =	vld [tilespmem:s22+$0x300]  }
0x13e: {  	v8 =	vmpcnt.ones.xlane vm3;
	v13 =	vadd.f32 v22, v13;
	vm5 =	vle.f32 v17, $3.999999910e-02;
	v37 =	vld [tilespmem:s22+$0x2300]  }
0x13f: {  	v35 =	vmpcnt.ones.xlane vm5;
	v6 =	vadd.f32 v6, v29;
	v10 =	vmul.f32 v60, v3;
	v40 =	vld [tilespmem:s22+$0x310]  }
0x140: {  	v45 =	vadd.f32 v50, v2;
	v25 =	vadd.f32 v21, v2;
	v16 =	vadd.s32 v16, v7;
	v44 =	vld [tilespmem:s22+$0x2310]  }
0x141: {  	v29 =	vand.u32 $0xFFFF0000, v46;
	v6 =	vadd.f32 v6, v58;
	v10 =	vadd.f32 v63, v10;
	v46 =	vld [tilespmem:s22+$0x320]  }
0x142: {  	v13 =	vsub.f32 v25, v13;
	v17 =	vmul.f32 v29, v3;
	v18 =	vmul.f32 v34, v4;
	v48 =	vld [tilespmem:s22+$0x4310]  }
0x143: {  	v11 =	vadd.s32 v16, v11;
	v6 =	vsub.f32 v26, v6;
	v36 =	vadd.f32 v10, v28;
	v51 =	vld [tilespmem:s22+$0x330]  }
0x144: {  	v8 =	vadd.s32 v11, v8;
	vm12 =	vle.f32 v13, $3.999999910e-02;
	v53 =	vld [tilespmem:s22+$0x340];
	v39 =	vadd.f32 v18, v17  }
0x145: {  	v14 =	vmpcnt.ones.xlane vm7;
	v55 =	vld [tilespmem:s22+$0x2330];
	vm13 =	vle.f32 v6, $3.999999910e-02;
	v9 =	vsub.f32 v38, v36  }
0x146: {  	v21 =	vmpcnt.ones.xlane vm12;
	v59 =	vld [tilespmem:s22+$0x4330];
	v22 =	vmpcnt.ones.xlane vm13;
	v6 =	vadd.f32 v39, v41  }
0x147: {  	v25 =	vld [tilespmem:s22+$0x4340];
	vm14 =	vle.f32 v9, $3.999999910e-02;
	v42 =	vand.u32 $0xFFFF0000, v27;
	v12 =	vshll.u32 v27, $0x10  }
0x148: {  	(xrf0) =	vadd.scan.msk.s32 vm4, v0;
	v63 =	vld [tilespmem:s22+$0x2350];
	v10 =	vmul.f32 v5, v37;
	v47 =	vand.u32 $0xFFFF0000, v40;
	v17 =	vshll.u32 v40, $0x10  }
0x149: {  	v6 =	vsub.f32 v45, v6;
	v23 =	vmpcnt.ones.xlane vm14;
	v15 =	vmul.f32 v5, v44  }
0x14a: {  	(xrf0) =	vadd.scan.msk.s32 vm3, v0;
	v52 =	vand.u32 $0xFFFF0000, v46;
	v18 =	vshll.u32 v46, $0x10;
	v9 =	vadd.f32 v48, v2  }
0x14b: {  	(xrf0) =	vadd.scan.msk.s32 vm7, v0;
	v62 =	vld [tilespmem:s22+$0x350];
	v56 =	vand.u32 $0xFFFF0000, v51;
	v58 =	vshll.u32 v51, $0x10;
	v60 =	vand.u32 $0xFFFF0000, v53  }
0x14c: {  	v43 =	vld [tilespmem:s22+$0x4300];
	v24 =	vshll.u32 v53, $0x10;
	v61 =	vmul.f32 v5, v55;
	v38 =	vadd.f32 v59, v2  }
0x14d: {  	s30 =	sor.u32 $0x2B0, s22;
	v25 =	vadd.f32 v25, v2;
	v59 =	vmul.f32 v5, v63;
	v20 =	vmul.f32 v42, v3  }
0x14e: {  	v39 =	vld [tilespmem:s22+$0x360];
	v37, _, _ =	vpop (xrf0);
	v55 =	vor.u32 s30, v1;
	v12 =	vmul.f32 v12, v4;
	v17 =	vmul.f32 v17, v4  }
0x14f: {  	v18 =	vmul.f32 v18, v4;
	v24 =	vmul.f32 v24, v4;
	v26 =	vadd.s32 v16, v37  }
0x150: {  	v49 =	vld [tilespmem:s22+$0x2320];
	v40, _, _ =	vpop (xrf0);
	v42 =	vand.u32 $0xFFFF0000, v62;
	v12 =	vadd.f32 v12, v20;
	v20 =	vmul.f32 v47, v3  }
0x151: {  	v57 =	vld [tilespmem:s22+$0x2340];
	vm15 =	vle.f32 v6, $3.999999910e-02;
	v6 =	vadd.f32 v43, v2;
	v41, _, _ =	vpop (xrf0);
	v28 =	vmul.f32 v42, v3  }
0x152: {  	v16 =	vadd.s32 v8, v41;
	v50 =	vadd.f32 v17, v20;
	v20 =	vmul.f32 v52, v3  }
0x153: {  	(xrf0) =	vadd.scan.msk.s32 vm5, v0;
	v54 =	vld [tilespmem:s22+$0x4320];
	v8 =	vadd.s32 v8, v14;
	v10 =	vadd.f32 v12, v10;
	v17 =	vshll.u32 v39, $0x10  }
0x154: {  	s28 =	sor.u32 $0x290, s22;
	(xrf0) =	vadd.scan.msk.s32 vm12, v0;
	v13 =	vadd.f32 v50, v15;
	v7 =	vadd.f32 v18, v20;
	v20 =	vmul.f32 v60, v3  }
0x155: {  	(xrf0) =	vadd.scan.msk.s32 vm13, v0;
	v43 =	vld [tilespmem:s22+$0x4360];
	v12 =	vmul.f32 v5, v49;
	v52 =	vor.u32 s28, v1;
	v17 =	vmul.f32 v17, v4  }
0x156: {  	(xrf0) =	vadd.scan.msk.s32 vm14, v0;
	s28 =	sor.u32 $0x2F0, s22;
	v9 =	vsub.f32 v9, v13;
	v20 =	vadd.f32 v24, v20;
	v13 =	vmul.f32 v5, v57  }
0x157: {  	v36 =	vld [tilespmem:s22+$0x4350];
	(xrf0) =	vadd.scan.msk.s32 vm15, v0;
	v63 =	vor.u32 s28, v1;
	v10 =	vsub.f32 v6, v10;
	v6 =	vmpcnt.ones.xlane vm15  }
0x158: {  	s26 =	sor.u32 $0x280, s22;
	s29 =	sor.u32 $0x2A0, s22;
	v45 =	vld [tilespmem:s22+$0x370];
	v15 =	vadd.f32 v54, v2;
	v13 =	vadd.f32 v20, v13;
	v20 =	vadd.s32 v11, v40  }
0x159: {  	v27 =	vld [tilespmem:s22+$0x2360];
	v44, _, _ =	vpop (xrf0);
	v18 =	vshll.u32 v62, $0x10;
	v50 =	vor.u32 s26, v1;
	v54 =	vor.u32 s29, v1  }
0x15a: {  	s25 =	sor.u32 $0x2D0, s22;
	v47 =	vld [tilespmem:s22+$0x2370];
	v46, _, _ =	vpop (xrf0);
	v34 =	vadd.f32 v43, v2;
	v11 =	vadd.s32 v8, v44;
	v8 =	vadd.s32 v8, v35  }
0x15b: {  	v48, _, _ =	vpop (xrf0);
	v49 =	vld [tilespmem:s22+$0x4370];
	v60 =	vor.u32 s25, v1;
	[tilespmem:v26+s17+$0x0] =	vst.idx.msk vm4, v50;
	v14 =	vadd.s32 v8, v46;
	v8 =	vadd.s32 v8, v21  }
0x15c: {  	v51, _, _ =	vpop (xrf0);
	v18 =	vmul.f32 v18, v4;
	v19 =	vadd.s32 v8, v48;
	v8 =	vadd.s32 v8, v22  }
0x15d: {  	v26 =	vand.u32 $0xFFFF0000, v45;
	v53, _, _ =	vpop (xrf0);
	v21 =	vadd.s32 v8, v51;
	v8 =	vadd.s32 v8, v23;
	[tilespmem:v20+s17+$0x0] =	vst.idx.msk vm3, v52  }
0x15e: {  	s31 =	sor.u32 $0x2C0, s22;
	vm0 =	vle.f32 v10, $3.999999910e-02;
	v10 =	vmul.f32 v56, v3;
	v56 =	vadd.s32 v8, v53;
	[tilespmem:v16+s17+$0x0] =	vst.idx.msk vm7, v54  }
0x15f: {  	s26 =	sor.u32 $0x2E0, s22;
	v7 =	vadd.f32 v7, v12;
	v12 =	vmul.f32 v58, v4;
	v57 =	vor.u32 s31, v1;
	[tilespmem:v11+s17+$0x0] =	vst.idx.msk vm5, v55  }
0x160: {  	v62 =	vor.u32 s26, v1;
	v58 =	vadd.f32 v18, v28;
	v28 =	vmul.f32 v26, v3;
	[tilespmem:v14+s17+$0x0] =	vst.idx.msk vm12, v57  }
0x161: {  	vm1 =	vle.f32 v9, $3.999999910e-02;
	v10 =	vadd.f32 v12, v10;
	v15 =	vsub.f32 v15, v7;
	[tilespmem:v19+s17+$0x0] =	vst.idx.msk vm13, v60  }
0x162: {  	v9 =	vmpcnt.ones.xlane vm0;
	v40 =	vadd.f32 v49, v2;
	v7 =	vmpcnt.ones.xlane vm1;
	[tilespmem:v21+s17+$0x0] =	vst.idx.msk vm14, v62  }
0x163: {  	v10 =	vadd.f32 v10, v61;
	v13 =	vsub.f32 v25, v13;
	v61 =	vand.u32 $0xFFFF0000, v39;
	[tilespmem:v56+s17+$0x0] =	vst.idx.msk vm15, v63  }
0x164: {  	v22 =	vadd.f32 v36, v2;
	v25 =	vmul.f32 v5, v27;
	v27 =	vshll.u32 v45, $0x10;
	v24 =	vld [tilespmem:s22+$0x380]  }
0x165: {  	v30 =	vmul.f32 v27, v4;
	v10 =	vsub.f32 v38, v10;
	v21 =	vadd.f32 v58, v59;
	v33 =	vld [tilespmem:s22+$0x2380]  }
0x166: {  	vm2 =	vle.f32 v15, $3.999999910e-02;
	v36 =	vmul.f32 v5, v47;
	v14 =	vmul.f32 v61, v3;
	v35 =	vld [tilespmem:s22+$0x390]  }
0x167: {  	vm4 =	vle.f32 v10, $3.999999910e-02;
	v11 =	vadd.f32 v30, v28;
	v10 =	vsub.f32 v22, v21;
	v21 =	vld [tilespmem:s22+$0x4380]  }
0x168: {  	v18 =	vmpcnt.ones.xlane vm2;
	v8 =	vadd.s32 v8, v6;
	v23 =	vadd.f32 v17, v14;
	v39 =	vld [tilespmem:s22+$0x3A0]  }
0x169: {  	vm3 =	vle.f32 v13, $3.999999910e-02;
	v9 =	vadd.s32 v8, v9;
	v11 =	vadd.f32 v11, v36;
	v41 =	vld [tilespmem:s22+$0x2390]  }
0x16a: {  	v7 =	vadd.s32 v9, v7;
	v16 =	vmpcnt.ones.xlane vm4;
	v12 =	vadd.f32 v23, v25;
	v44 =	vld [tilespmem:s22+$0x4390]  }
0x16b: {  	v18 =	vadd.s32 v7, v18;
	v17 =	vmpcnt.ones.xlane vm3;
	v11 =	vsub.f32 v40, v11;
	v46 =	vld [tilespmem:s22+$0x23A0]  }
0x16c: {  	v16 =	vadd.s32 v18, v16;
	v49 =	vld [tilespmem:s22+$0x43A0];
	vm5 =	vle.f32 v10, $3.999999910e-02;
	v10 =	vsub.f32 v34, v12  }
0x16d: {  	v26 =	vld [tilespmem:s22+$0x3B0];
	v17 =	vadd.s32 v16, v17;
	vm7 =	vle.f32 v11, $3.999999910e-02  }
0x16e: {  	v51 =	vld [tilespmem:s22+$0x23B0];
	v23 =	vmpcnt.ones.xlane vm7;
	v22 =	vmpcnt.ones.xlane vm5;
	vm6 =	vle.f32 v10, $3.999999910e-02  }
0x16f: {  	v54 =	vld [tilespmem:s22+$0x3C0];
	v37 =	vand.u32 $0xFFFF0000, v24;
	v13 =	vshll.u32 v24, $0x10;
	v43 =	vmul.f32 v5, v33  }
0x170: {  	v14 =	vmpcnt.ones.xlane vm6;
	v45 =	vand.u32 $0xFFFF0000, v35;
	v47 =	vshll.u32 v35, $0x10  }
0x171: {  	v61 =	vld [tilespmem:s22+$0x3D0];
	v50 =	vand.u32 $0xFFFF0000, v39;
	v20 =	vshll.u32 v39, $0x10;
	v21 =	vadd.f32 v21, v2  }
0x172: {  	v62 =	vld [tilespmem:s22+$0x43B0];
	v53 =	vmul.f32 v5, v41;
	v55 =	vmul.f32 v5, v46;
	v56 =	vadd.f32 v44, v2  }
0x173: {  	v40 =	vld [tilespmem:s22+$0x43D0];
	v58 =	vand.u32 $0xFFFF0000, v26;
	v59 =	vshll.u32 v26, $0x10;
	v19 =	vadd.f32 v49, v2  }
0x174: {  	v27 =	vmul.f32 v5, v51;
	v63 =	vand.u32 $0xFFFF0000, v54;
	v38 =	vmul.f32 v37, v3  }
0x175: {  	v60 =	vld [tilespmem:s22+$0x23C0];
	v15 =	vshll.u32 v54, $0x10;
	v13 =	vmul.f32 v13, v4;
	v48 =	vmul.f32 v45, v3  }
0x176: {  	v32 =	vld [tilespmem:s22+$0x43C0];
	v39 =	vand.u32 $0xFFFF0000, v61;
	v12 =	vmul.f32 v47, v4;
	v25 =	vmul.f32 v50, v3  }
0x177: {  	v35 =	vld [tilespmem:s22+$0x23D0];
	v26 =	vadd.f32 v62, v2;
	v20 =	vmul.f32 v20, v4;
	v28 =	vmul.f32 v63, v3  }
0x178: {  	v44 =	vld [tilespmem:s22+$0x3E0];
	v15 =	vmul.f32 v15, v4;
	v47 =	vadd.f32 v40, v2;
	v42 =	vadd.f32 v13, v38  }
0x179: {  	v24 =	vmul.f32 v39, v3;
	v52 =	vadd.f32 v12, v48;
	v20 =	vadd.f32 v20, v25  }
0x17a: {  	v54 =	vld [tilespmem:s22+$0x43E0];
	v15 =	vadd.f32 v15, v28;
	v38 =	vmul.f32 v5, v60;
	v25 =	vshll.u32 v61, $0x10  }
0x17b: {  	v50 =	vld [tilespmem:s22+$0x23E0];
	v25 =	vmul.f32 v25, v4;
	v10 =	vadd.f32 v42, v43;
	v11 =	vadd.f32 v52, v53  }
0x17c: {  	v48 =	vld [tilespmem:s22+$0x3F0];
	v57 =	vadd.f32 v20, v55;
	v20 =	vmul.f32 v58, v3;
	v41 =	vadd.f32 v15, v38  }
0x17d: {  	v42 =	vadd.f32 v32, v2;
	v12 =	vmul.f32 v5, v35;
	v51 =	vand.u32 $0xFFFF0000, v44  }
0x17e: {  	v52 =	vshll.u32 v44, $0x10;
	v43 =	vadd.f32 v25, v24;
	v10 =	vsub.f32 v21, v10  }
0x17f: {  	v21 =	vmul.f32 v59, v4;
	v33 =	vsub.f32 v56, v11;
	v34 =	vsub.f32 v19, v57  }
0x180: {  	v11 =	vmul.f32 v5, v50;
	v57 =	vadd.f32 v54, v2;
	v46 =	vadd.f32 v43, v12  }
0x181: {  	v53 =	vld [tilespmem:s22+$0x23F0];
	v12 =	vmul.f32 v51, v3;
	v55 =	vand.u32 $0xFFFF0000, v48;
	v15 =	vshll.u32 v48, $0x10  }
0x182: {  	v20 =	vadd.f32 v21, v20;
	vm8 =	vle.f32 v10, $3.999999910e-02;
	vm9 =	vle.f32 v33, $3.999999910e-02  }
0x183: {  	(xrf0) =	vadd.scan.msk.s32 vm0, v0;
	v56 =	vld [tilespmem:s22+$0x43F0];
	vm11 =	vle.f32 v34, $3.999999910e-02;
	v10 =	vsub.f32 v42, v41;
	v15 =	vmul.f32 v15, v4  }
0x184: {  	(xrf0) =	vadd.scan.msk.s32 vm1, v0;
	v36 =	vmpcnt.ones.xlane vm8;
	v45 =	vmpcnt.ones.xlane vm9;
	v37 =	vadd.f32 v20, v27  }
0x185: {  	(xrf0) =	vadd.scan.msk.s32 vm2, v0;
	v6 =	vmpcnt.ones.xlane vm11;
	v49 =	vsub.f32 v47, v46;
	v20 =	vmul.f32 v52, v4  }
0x186: {  	(xrf0) =	vadd.scan.msk.s32 vm4, v0;
	v21 =	vmul.f32 v5, v53;
	v19 =	vsub.f32 v26, v37;
	v26 =	vmul.f32 v55, v3  }
0x187: {  	(xrf0) =	vadd.scan.msk.s32 vm3, v0;
	vm12 =	vle.f32 v10, $3.999999910e-02;
	v12 =	vadd.f32 v20, v12;
	v20 =	vadd.s32 v17, v22  }
0x188: {  	(xrf0) =	vadd.scan.msk.s32 vm5, v0;
	v59 =	vadd.f32 v56, v2;
	v14 =	vadd.s32 v20, v14;
	v15 =	vadd.f32 v15, v26  }
0x189: {  	v61 =	vmpcnt.ones.xlane vm12;
	v22, _, _ =	vpop (xrf0);
	(xrf0) =	vadd.scan.msk.s32 vm6, v0;
	v11 =	vadd.f32 v12, v11;
	v23 =	vadd.s32 v14, v23  }
0x18a: {  	v58, _, _ =	vpop (xrf0);
	(xrf0) =	vadd.scan.msk.s32 vm7, v0;
	vm10 =	vle.f32 v19, $3.999999910e-02;
	v13 =	vadd.s32 v23, v36;
	v15 =	vadd.f32 v15, v21  }
0x18b: {  	v60, _, _ =	vpop (xrf0);
	(xrf0) =	vadd.scan.msk.s32 vm8, v0;
	v19 =	vmpcnt.ones.xlane vm10;
	v11 =	vsub.f32 v57, v11;
	v62 =	vadd.s32 v13, v45  }
0x18c: {  	vm13 =	vle.f32 v49, $3.999999910e-02;
	v63, _, _ =	vpop (xrf0);
	(xrf0) =	vadd.scan.msk.s32 vm9, v0;
	v41 =	vadd.s32 v62, v6;
	v40 =	vsub.f32 v59, v15  }
0x18d: {  	v42, _, _ =	vpop (xrf0);
	(xrf0) =	vadd.scan.msk.s32 vm11, v0;
	v6 =	vmpcnt.ones.xlane vm13;
	vm14 =	vle.f32 v11, $3.999999910e-02;
	v43 =	vadd.s32 v41, v19  }
0x18e: {  	v44, _, _ =	vpop (xrf0);
	(xrf0) =	vadd.scan.msk.s32 vm10, v0;
	v45 =	vmpcnt.ones.xlane vm14;
	v46 =	vadd.s32 v43, v61;
	vm15 =	vle.f32 v40, $3.999999910e-02  }
0x18f: {  	v47, _, _ =	vpop (xrf0);
	(xrf0) =	vadd.scan.msk.s32 vm12, v0;
	v49 =	vadd.s32 v46, v6;
	v48 =	vmpcnt.ones.xlane vm15  }
0x190: {  	v50, _, _ =	vpop (xrf0);
	(xrf0) =	vadd.scan.msk.s32 vm13, v0;
	v28 =	vadd.s32 v49, v45  }
0x191: {  	v51, _, _ =	vpop (xrf0);
	(xrf0) =	vadd.scan.msk.s32 vm14, v0;
	v6 =	vadd.s32 v28, v48  }
0x192: {  	v52, _, _ =	vpop (xrf0);
	(xrf0) =	vadd.scan.msk.s32 vm15, v0;
	v53 =	vxor.u32 $0x80000000, v6  }
0x193: {  	v54, _, _ =	vpop (xrf0);
	(xrf0) =	vmax.scan.msk.u32 $0xffff, v53  }
0x194: {  	v55, _, _ =	vpop (xrf0)  }
0x195: {  	v56, _, _ =	vpop (xrf0)  }
0x196: {  	v36, _, _ =	vpop (xrf0)  }
0x197: {  	v37, _, _ =	vpop (xrf0)  }
0x198: {  	v38, _, _ =	vpop (xrf0)  }
0x199: {  	v57, _, _ =	vpop (xrf0)  }
0x19a: {  	(v2sf) =	vpush v57, $0xF;
	_ =	sdelay $0x1  }
0x19b: {  	v8 =	vadd.s32 v8, v22  }
0x19c: {  	v9 =	vadd.s32 v9, v58  }
0x19d: {  	v7 =	vadd.s32 v7, v60  }
0x19e: {  	s29 =	sor.u32 $0x300, s22;
	v18 =	vadd.s32 v18, v63  }
0x19f: {  	s30 =	sor.u32 $0x310, s22;
	v58 =	vor.u32 s29, v1;
	v16 =	vadd.s32 v16, v42  }
0x1a0: {  	s31 =	sor.u32 $0x320, s22;
	[tilespmem:v8+s17+$0x0] =	vst.idx.msk vm0, v58;
	v8 =	vor.u32 s30, v1;
	v17 =	vadd.s32 v17, v44  }
0x1a1: {  	s25 =	sor.u32 $0x330, s22;
	[tilespmem:v9+s17+$0x0] =	vst.idx.msk vm1, v8;
	v8 =	vor.u32 s31, v1;
	v59 =	vadd.s32 v20, v47  }
0x1a2: {  	s26 =	sor.u32 $0x340, s22;
	[tilespmem:v7+s17+$0x0] =	vst.idx.msk vm2, v8;
	v7 =	vor.u32 s25, v1;
	v8 =	vadd.s32 v14, v50  }
0x1a3: {  	s28 =	sor.u32 $0x350, s22;
	[tilespmem:v18+s17+$0x0] =	vst.idx.msk vm4, v7;
	v7 =	vor.u32 s26, v1;
	v60 =	vadd.s32 v23, v51  }
0x1a4: {  	s29 =	sor.u32 $0x360, s22;
	[tilespmem:v16+s17+$0x0] =	vst.idx.msk vm3, v7;
	v7 =	vor.u32 s28, v1;
	v13 =	vadd.s32 v13, v52  }
0x1a5: {  	s30 =	sor.u32 $0x370, s22;
	[tilespmem:v17+s17+$0x0] =	vst.idx.msk vm5, v7;
	v7 =	vor.u32 s29, v1;
	v12 =	vadd.s32 v62, v54  }
0x1a6: {  	s31 =	sor.u32 $0x380, s22;
	[tilespmem:v59+s17+$0x0] =	vst.idx.msk vm6, v7;
	v7 =	vor.u32 s30, v1;
	v61 =	vadd.s32 v41, v55  }
0x1a7: {  	s25 =	sor.u32 $0x390, s22;
	[tilespmem:v8+s17+$0x0] =	vst.idx.msk vm7, v7;
	v7 =	vor.u32 s31, v1;
	v8 =	vadd.s32 v43, v56  }
0x1a8: {  	p0 =	sgt.u32 s21, $0x6;
	s26 =	sor.u32 $0x3A0, s22;
	[tilespmem:v60+s17+$0x0] =	vst.idx.msk vm8, v7;
	v7 =	vor.u32 s25, v1;
	v10 =	vadd.s32 v46, v36;
	s24 =	spop (v2sf)  }
0x1a9: {  	s28 =	sor.u32 $0x3B0, s22;
	[tilespmem:v13+s17+$0x0] =	vst.idx.msk vm9, v7;
	v7 =	vor.u32 s26, v1;
	v62 =	vadd.s32 v49, v37;
	p1 =	slt.u32 @!p0 s24, $0x8000003F  }
0x1aa: {  	s29 =	sor.u32 $0x3C0, s22;
	[tilespmem:v12+s17+$0x0] =	vst.idx.msk vm11, v7;
	v7 =	vor.u32 s28, v1;
	v63 =	vadd.s32 v28, v38;
	p0 =	por p0, !p1  }
.Ltmp1:
0x1ab: {  	s30 =	sor.u32 $0x3D0, s22;
	[tilespmem:v61+s17+$0x0] =	vst.idx.msk vm10, v7;
	v7 =	vor.u32 s29, v1;
	(pc) =	sbr.rel @!p0 .LBB2_5-.Ltmp1, $4  }
0x1ac: {  	s31 =	sor.u32 $0x3E0, s22;
	[tilespmem:v8+s17+$0x0] =	vst.idx.msk vm12, v7;
	v7 =	vor.u32 s30, v1  }
0x1ad: {  	s22 =	sor.u32 $0x3F0, s22;
	[tilespmem:v10+s17+$0x0] =	vst.idx.msk vm13, v7;
	v7 =	vor.u32 s31, v1  }
0x1ae: {  	[tilespmem:v62+s17+$0x0] =	vst.idx.msk vm14, v7;
	v7 =	vor.u32 s22, v1  }
0x1af: {  	s21 =	sadd.s32 $0x1, s21;
	[tilespmem:v63+s17+$0x0] =	vst.idx.msk vm15, v7  }
0x1b0: {  	v2 =	vld [tilespmem:$0x6300];
	_ =	sdelay $0x3  }
0x1b1: {  	vm0 =	vmmov $0x1  }
0x1b2: {  	v3 =	vnsel vm0, $0x40000000, v2  }
0x1b3: {  	v3 =	vxor.u32 $0x80000000, v3  }
0x1b4: {  	(xrf0) =	vmin.scan.msk.u32 $0xffff, v3;
	_ =	sdelay $0x5  }
0x1b5: {  	v3, _, _ =	vpop (xrf0)  }
0x1b6: {  	(v2sf) =	vpush v3, $0xF;
	_ =	sdelay $0xe  }
0x1b7: {  	s21 =	spop (v2sf)  }
0x1b8: {  	s21 =	sxor.u32 $0x80000000, s21  }
0x1b9: {  	vm11 =	vgt.s32 v6, $0xFFFFFFFF;
	v4 =	vadd.s32 $0xFFFFFFFF, v1;
	v3 =	vmov s21  }
0x1ba: {  	s31 =	sshll.u32 s20, $0x6;
	vm12 =	vgt.s32 v6, v4;
	v3 =	vnsel vm11, $0x2000, v3  }
0x1bb: {  	s21 =	sand.u32 $0x3FFFFFC0, s31;
	v2 =	vsel vm12, v2, v3  }
0x1bc: {  	[tilespmem:s21+$0x6780] =	vst v2  }
0x1bd: {  	v2 =	vld [tilespmem:$0x6310];
	_ =	sdelay $0x2  }
0x1be: {  	v61 =	vadd.s32 $0xF, v1  }
0x1bf: {  	vm13 =	vgt.s32 v6, v61  }
0x1c0: {  	v2 =	vsel vm13, v2, v3  }
0x1c1: {  	[tilespmem:s21+$0x6790] =	vst v2  }
0x1c2: {  	v2 =	vld [tilespmem:$0x6320];
	_ =	sdelay $0x2  }
0x1c3: {  	v62 =	vadd.s32 $0x1F, v1  }
0x1c4: {  	vm14 =	vgt.s32 v6, v62  }
0x1c5: {  	v2 =	vsel vm14, v2, v3  }
0x1c6: {  	[tilespmem:s21+$0x67A0] =	vst v2  }
0x1c7: {  	s20 =	sadd.s32 $0x1, s20;
	v2 =	vld [tilespmem:$0x6330]  }
0x1c8: {  	p0 =	sne.s32 s20, $0x100  }
.Ltmp2:
0x1c9: {  	_ = 	snop;
	(pc) =	sbr.rel @p0 .LBB2_4-.Ltmp2, $4  }
0x1ca: {  	v63 =	vadd.s32 $0x2F, v1  }
0x1cb: {  	vm15 =	vgt.s32 v6, v63  }
0x1cc: {  	v2 =	vsel vm15, v2, v3  }
0x1cd: {  	[tilespmem:s21+$0x67B0] =	vst v2  }
0x1ce: {  	s19 =	sadd.s32 $0x1, s19  }
0x1cf: {  	p0 =	sne.s32 s19, s10  }
.Ltmp3:
0x1d0: {  	_ = 	snop;
	(pc) =	sbr.rel @p0 .LBB2_1-.Ltmp3, $4  }
0x1d1: {  	[hbm4b:s9+s1] =	stream.linear.scatter [tilespmem:s18], [sflag:$0x1], $0x4000, $0x38;
	[tilespmem:$0xA780] =	vst v63  }
0x1d2: {  	_ =	swait.ge [sflag:s11], $0x4000  }
0x1d3: {  	[sflag:s11] =	ssyncset.done $0x0  }
0x1d4: {  	[sflag:s11] =	ssyncadd.s32 $0xFFFFC000  }
0x1d5: {  	_ =	sfence.sel $0x180000  }
0x1d6: {  	[bflag:$0x0] =	sbarrier.arrive $0xFFFF  }
0x1d7: {  	p0 =	sne.s32 s2, $0x0;
	_ =	strace $0x90000047  }
0x1d8: {  	s0 =	sadd.s32 @!p0 $0x100000, s0;
	[bflag:$0x2] =	sbarrier.arrive $0xFFFF  }
0x1d9: {  	[sflag:s0] =	ssyncadd.tile.s32 @!p0 $0x1;
	_ =	shalt  }
.Lfunc_end2:
_tile_overlayer_lowered:
.L_overlay_start_2:
0x1da: {  	(tag) =	ssettag $0x2  }
0x1db: {  	s0 =	rddreg [dreg:$0x0];
	s2 =	stileid.u32  }
0x1dc: {  	s1 =	rddreg [dreg:$0x1];
	p0 =	sne.s32 s2, $0x0  }
0x1dd: {  	s3 =	rddreg [dreg:$0x2];
	[bflag:$0x3] =	sbarrier.arrive $0xFFFF;
	s2 =	simm.s32 @!p0 $0x1C01  }
0x1de: {  	[timem:s3], [sflag:s2] =	dma.local @!p0 [hbm:s0], s1  }
0x1df: {  	s0 =	simm.s32 @!p0 $0x1  }
0x1e0: {  	_ =	swait.ge @!p0 [sflag:s0], s1  }
0x1e1: {  	s1 =	ssub.s32 @!p0 $0x0, s1;
	[sflag:s0] =	ssyncset.done @!p0 $0x0  }
0x1e2: {  	[sflag:s0] =	ssyncadd.s32 @!p0 s1  }
0x1e3: {  	[bflag:$0x3] =	sbarrier.arrive $0xFFFF  }
0x1e4: {  	_ =	shalt  }

</sc_bundles>
